<compile_context>
chip_gen: v7x
topology: tpu7x:2x2x1
jax: 0.10.2.dev20260603
libtpu: 0.0.44.dev20260713+nightly
codegen_flags: <defaults>
</compile_context>

<pallas_src>
import functools

import jax
import jax.numpy as jnp
from jax import lax
from jax.experimental import pallas as pl
from jax.experimental.pallas import tpu as pltpu
from jax.experimental.pallas import tpu_sc as plsc

N_NODES = 100000
N_EDGES = 3200000
D_EDGE = 16
D_NODE = 128
D_OUT = 128

NC = 2
NS = 16
LANES = 16
FB = 8
EB = N_EDGES // 128
EBC = EB // NC

CB = 25
CHUNK = CB * 128
NT = EBC // CB
NTPAIR = NT // 2
UNROLL = 5
N_COLS = 100352


def _sc_scatter_t(xe4, ei4):
    mesh = plsc.VectorSubcoreMesh(core_axis_name="c", subcore_axis_name="s")

    @functools.partial(
        pl.kernel,
        out_type=(
            jax.ShapeDtypeStruct((NC * NS, N_COLS), jnp.float32),
            jax.ShapeDtypeStruct((NC, EB, FB, 128), jnp.float32),
            jax.ShapeDtypeStruct((EB, 2, 128), jnp.int32),
        ),
        mesh=mesh,
        compiler_params=pltpu.CompilerParams(
            use_tc_tiling_on_sc=False, needs_layout_passes=False),
        scratch_types=[
            pltpu.VMEM((N_COLS,), jnp.float32),
            pltpu.VMEM((CB, 128), jnp.float32),
            pltpu.VMEM((CB, 128), jnp.float32),
            pltpu.VMEM((CB, 128), jnp.float32),
            pltpu.VMEM((CB, 2, 128), jnp.int32),
            pltpu.VMEM((CB, 2, 128), jnp.int32),
            pltpu.VMEM((CB, 2, 128), jnp.int32),
            pltpu.SemaphoreType.DMA,
            pltpu.SemaphoreType.DMA,
            pltpu.SemaphoreType.DMA,
            pltpu.SemaphoreType.DMA,
            pltpu.SemaphoreType.DMA,
            pltpu.SemaphoreType.DMA,
        ],
    )
    def k(xe_hbm, ei_hbm, out_hbm, oxe_hbm, oei_hbm, acc,
          xb0, xb1, xb2, ib0, ib1, ib2, sl0, sl1, sl2, se0, se1, se2):
        c = lax.axis_index("c")
        s = lax.axis_index("s")
        fb = s // FB
        fr = s % FB

        xb = (xb0, xb1, xb2)
        ib = (ib0, ib1, ib2)
        sl = (sl0, sl1, sl2)
        se = (se0, se1, se2)

        zero = jnp.zeros((LANES,), jnp.float32)

        def zb(i, carry):
            acc[pl.ds(i * (4 * LANES), LANES)] = zero
            acc[pl.ds(i * (4 * LANES) + LANES, LANES)] = zero
            acc[pl.ds(i * (4 * LANES) + 2 * LANES, LANES)] = zero
            acc[pl.ds(i * (4 * LANES) + 3 * LANES, LANES)] = zero
            return carry

        lax.fori_loop(0, N_COLS // (4 * LANES), zb, 0)

        jcore = c * EBC

        def issue_loads(t, b):
            jbase = jcore + t * CB
            pltpu.async_copy(
                xe_hbm.at[fb, pl.ds(jbase, CB), fr, :], xb[b], sl[b])
            pltpu.async_copy(ei_hbm.at[pl.ds(jbase, CB)], ib[b], sl[b])

        def drain_loads(b):
            pltpu.make_async_copy(
                xe_hbm.at[0, pl.ds(0, CB), 0, :], xb[b], sl[b]).wait()
            pltpu.make_async_copy(
                ei_hbm.at[pl.ds(0, CB)], ib[b], sl[b]).wait()

        def issue_echo(t, b):
            jbase = jcore + t * CB
            pltpu.async_copy(
                xb[b], oxe_hbm.at[fb, pl.ds(jbase, CB), fr, :], se[b])

            @pl.when(s == 0)
            def _():
                pltpu.async_copy(ib[b], oei_hbm.at[pl.ds(jbase, CB)], se[b])

        def drain_echo(b):
            pltpu.make_async_copy(
                xb[b], oxe_hbm.at[0, pl.ds(0, CB), 0, :], se[b]).wait()

            @pl.when(s == 0)
            def _():
                pltpu.make_async_copy(
                    ib[b], oei_hbm.at[pl.ds(0, CB)], se[b]).wait()

        def compute(b):
            @plsc.parallel_loop(0, CB, 1, unroll=UNROLL)
            def grp(jj):
                for u in range(FB):
                    sl16 = pl.ds(u * LANES, LANES)
                    v = xb[b][jj, sl16]
                    i0 = ib[b][jj, 0, sl16]
                    i1 = ib[b][jj, 1, sl16]
                    plsc.addupdate_scatter(acc, [i0], v)
                    plsc.addupdate_scatter(acc, [i1], v)

        issue_loads(0, 0)
        issue_loads(1, 1)

        def triple(j, carry):
            for u in range(3):
                t = 3 * j + u
                bc = u
                bn = (u + 2) % 3
                drain_loads(bc)
                issue_echo(t, bc)

                @pl.when(t > 0)
                def _():
                    drain_echo(bn)

                issue_loads(t + 2, bn)
                compute(bc)
            return carry

        lax.fori_loop(0, NT // 3, triple, 0)
        drain_loads(0)
        issue_echo(NT - 2, 0)
        drain_echo(2)
        compute(0)
        drain_loads(1)
        issue_echo(NT - 1, 1)
        compute(1)
        drain_echo(0)
        drain_echo(1)

        pltpu.sync_copy(acc, out_hbm.at[c * NS + s])

    return k(xe4, ei4)


RB = 1024


def _tc_mlp(x_node, agg_t, W, b2):
    def mm(x_ref, p_ref, w_ref, b_ref, o_ref):
        w = w_ref[...]
        p = p_ref[...]
        a_t = p[:NS, :] + p[NS:, :]
        acc = jnp.dot(x_ref[...], w[:D_NODE, :], preferred_element_type=jnp.float32)
        acc += lax.dot_general(
            a_t, w[D_NODE:, :],
            dimension_numbers=(((0,), (0,)), ((), ())),
            preferred_element_type=jnp.float32,
        )
        o_ref[...] = acc + b_ref[...]

    nb = N_COLS // RB
    return pl.pallas_call(
        mm,
        grid=(nb,),
        in_specs=[
            pl.BlockSpec((RB, D_NODE), lambda i: (i, 0)),
            pl.BlockSpec((NC * NS, RB), lambda i: (0, i)),
            pl.BlockSpec((D_NODE + D_EDGE, D_OUT), lambda i: (0, 0)),
            pl.BlockSpec((1, D_OUT), lambda i: (0, 0)),
        ],
        out_specs=pl.BlockSpec((RB, D_OUT), lambda i: (i, 0)),
        out_shape=jax.ShapeDtypeStruct((N_NODES, D_OUT), jnp.float32),
    )(x_node, agg_t, W, b2)


def kernel(x_node, x_edge, edge_index, W, b):
    xe4 = x_edge.T.reshape(NC, FB, EB, 128).transpose(0, 2, 1, 3)
    ei4 = edge_index.T.reshape(2, EB, 128).transpose(1, 0, 2)
    agg_t, xe4_out, ei4_out = _sc_scatter_t(xe4, ei4)
    out = _tc_mlp(x_node, agg_t, W, b.reshape(1, D_OUT))
    x_edge_out = xe4_out.transpose(0, 2, 1, 3).reshape(D_EDGE, N_EDGES).T
    edge_index_out = ei4_out.transpose(1, 0, 2).reshape(2, N_EDGES).T
    return (out, x_edge_out, edge_index_out)

# --- scband reference (transcript-rebuilt; emitter-appended) ---
"""Pipeline reference for scband-node-block-11373073400276 (READ-ONLY COPY).

The authoritative reference and input builder live on the scoring server;
editing this copy changes nothing except your own understanding.
"""

import jax, jax.numpy as jnp
import numpy as np

N, E, D_NODE, D_EDGE, D_OUT = 100000, 3200000, 128, 16, 128

def setup_inputs(seed: int = 0) -> dict:
    key = jax.random.key(seed)
    k1, k2, k3, k4 = jax.random.split(key, 4)
    x_node = jax.random.normal(k1, (N, D_NODE), dtype=jnp.float32)
    x_edge = jax.random.normal(k2, (E, D_EDGE), dtype=jnp.float32)
    # int32 used in jax (x64 disabled by default); semantically int64 indices
    edge_index = jax.random.randint(k3, (E, 2), 0, N, dtype=jnp.int32)
    # net = Linear(d_node + d_edge -> d_out), stands in for custom_func
    W = jax.random.normal(k4, (D_NODE + D_EDGE, D_OUT), dtype=jnp.float32) * 0.05
    b = jnp.zeros((D_OUT,), dtype=jnp.float32)
    return {"x_node": x_node, "x_edge": x_edge, "edge_index": edge_index, "W": W, "b": b}

def reference(x_node, x_edge, edge_index, W, b):
    num_nodes = x_node.shape[0]
    # scatter_sum of edge features into BOTH endpoints, accumulated in one buffer
    agg = jnp.zeros((num_nodes, x_edge.shape[1]), dtype=x_edge.dtype)
    agg = agg.at[edge_index[:, 0]].add(x_edge)
    agg = agg.at[edge_index[:, 1]].add(x_edge)
    h = jnp.concatenate([x_node, agg], axis=1)  # column_stack
    x_node_out = h @ W + b  # self.net
    # Data(x_node=x_node_out, x_edge=x_edge, edge_index=edge_index)
    return (x_node_out, x_edge, edge_index)

if __name__ == "__main__":
    import jax
    _d = setup_inputs()
    print(jax.jit(kernel)(*tuple(_d.values())))

</pallas_src>

<mosaic_0001>
#map = affine_map<(d0, d1) -> (0, 0, 0, 0)>
#map1 = affine_map<(d0, d1) -> (0, 0, 0)>
#map2 = affine_map<(d0, d1) -> (0, 0)>
module attributes {stable_mosaic.version = 14 : i64} {
  func.func @k(%arg0: i32, %arg1: i32, %arg2: memref<2x25000x8x128xf32, #tpu.memory_space<hbm>>, %arg3: memref<25000x2x128xi32, #tpu.memory_space<hbm>>, %arg4: memref<32x100352xf32, #tpu.memory_space<hbm>>, %arg5: memref<2x25000x8x128xf32, #tpu.memory_space<hbm>>, %arg6: memref<25000x2x128xi32, #tpu.memory_space<hbm>>, %arg7: memref<100352xf32, #tpu.memory_space<vmem>>, %arg8: memref<25x128xf32, #tpu.memory_space<vmem>>, %arg9: memref<25x128xf32, #tpu.memory_space<vmem>>, %arg10: memref<25x128xf32, #tpu.memory_space<vmem>>, %arg11: memref<25x2x128xi32, #tpu.memory_space<vmem>>, %arg12: memref<25x2x128xi32, #tpu.memory_space<vmem>>, %arg13: memref<25x2x128xi32, #tpu.memory_space<vmem>>, %arg14: memref<!tpu.dma_semaphore, #tpu.memory_space<semaphore_mem>>, %arg15: memref<!tpu.dma_semaphore, #tpu.memory_space<semaphore_mem>>, %arg16: memref<!tpu.dma_semaphore, #tpu.memory_space<semaphore_mem>>, %arg17: memref<!tpu.dma_semaphore, #tpu.memory_space<semaphore_mem>>, %arg18: memref<!tpu.dma_semaphore, #tpu.memory_space<semaphore_mem>>, %arg19: memref<!tpu.dma_semaphore, #tpu.memory_space<semaphore_mem>>) attributes {dimension_semantics = [#tpu.dimension_semantics<core_parallel>, #tpu.dimension_semantics<subcore_parallel>], iteration_bounds = array<i64: 2, 16>, scalar_prefetch = 0 : i64, scratch_operands = 13 : i64, tpu.core_type = #tpu.core_type<sc_vector_subcore>, window_params = [{transform_indices = #map}, {transform_indices = #map1}, {transform_indices = #map2}, {transform_indices = #map}, {transform_indices = #map1}]} {
    %jit3A = arith.constant 8 : i32
    %div3A = arith.divsi %arg1, %jit3A : i32
    %sign3A = arith.constant 0 : i32
    %sign3A_0 = arith.cmpi sgt, %arg1, %sign3A : i32
    %sign3A_1 = arith.extui %sign3A_0 : i1 to i32
    %sign3A_2 = arith.constant 0 : i32
    %sign3A_3 = arith.cmpi slt, %arg1, %sign3A_2 : i32
    %sign3A_4 = arith.extui %sign3A_3 : i1 to i32
    %sign3A_5 = arith.subi %sign3A_1, %sign3A_4 : i32
    %sign3A_6 = arith.constant 0 : i32
    %sign3A_7 = arith.cmpi sgt, %jit3A, %sign3A_6 : i32
    %sign3A_8 = arith.extui %sign3A_7 : i1 to i32
    %sign3A_9 = arith.constant 0 : i32
    %sign3A_10 = arith.cmpi slt, %jit3A, %sign3A_9 : i32
    %sign3A_11 = arith.extui %sign3A_10 : i1 to i32
    %sign3A_12 = arith.subi %sign3A_8, %sign3A_11 : i32
    %ne3A = arith.cmpi ne, %sign3A_5, %sign3A_12 : i32
    %rem3A = arith.remsi %arg1, %jit3A : i32
    %ne3A_13 = arith.constant 0 : i32
    %ne3A_14 = arith.cmpi ne, %rem3A, %ne3A_13 : i32
    %and3A = arith.andi %ne3A, %ne3A_14 : i1
    %sub3A = arith.constant 1 : i32
    %sub3A_15 = arith.subi %div3A, %sub3A : i32
    %select_n3A = arith.select %and3A, %sub3A_15, %div3A : i32
    %jit3A_16 = arith.constant 8 : i32
    %eq3A = arith.constant 0 : i32
    %eq3A_17 = arith.cmpi eq, %jit3A_16, %eq3A : i32
    %jit3A_18 = arith.constant 1 : i32
    %select_n3A_19 = arith.select %eq3A_17, %jit3A_18, %jit3A_16 : i32
    %rem3A_20 = arith.remsi %arg1, %select_n3A_19 : i32
    %ne3A_21 = arith.constant 0 : i32
    %ne3A_22 = arith.cmpi ne, %rem3A_20, %ne3A_21 : i32
    %lt3A = arith.constant 0 : i32
    %lt3A_23 = arith.cmpi slt, %rem3A_20, %lt3A : i32
    %lt3A_24 = arith.constant 0 : i32
    %lt3A_25 = arith.cmpi slt, %select_n3A_19, %lt3A_24 : i32
    %ne3A_26 = arith.xori %lt3A_23, %lt3A_25 : i1
    %and3A_27 = arith.andi %ne3A_26, %ne3A_22 : i1
    %add3A = arith.addi %rem3A_20, %select_n3A_19 : i32
    %select_n3A_28 = arith.select %and3A_27, %add3A, %rem3A_20 : i32
    %broadcast_in_dim3A = arith.constant 0.000000e+00 : f32
    %broadcast_in_dim3A_29 = vector.broadcast %broadcast_in_dim3A : f32 to vector<16xf32>
    %scan3A = arith.constant 0 : i32
    %scan3A_30 = arith.constant 0 : i32
    %scan3A_31 = arith.constant 1568 : i32
    %scan3A_32 = arith.addi %scan3A_30, %scan3A_31 : i32
    %scan3A_33 = arith.constant 1 : i32
    scf.for %scan3A_181 = %scan3A_30 to %scan3A_32 step %scan3A_33  : i32 {
      %mul3A_182 = arith.constant 64 : i32
      %mul3A_183 = arith.muli %scan3A_181, %mul3A_182 : i32
      %swap3A = arith.index_cast %mul3A_183 : i32 to index
      %swap3A_184 = tpu.vector_load %arg7[%swap3A] {strides = array<i32>} : memref<100352xf32, #tpu.memory_space<vmem>>, vector<16xf32>,
      tpu.vector_store %arg7[%swap3A], %broadcast_in_dim3A_29 {strides = array<i32>} : memref<100352xf32, #tpu.memory_space<vmem>>, vector<16xf32>,
      %mul3A_185 = arith.constant 64 : i32
      %mul3A_186 = arith.muli %scan3A_181, %mul3A_185 : i32
      %add3A_187 = arith.constant 16 : i32
      %add3A_188 = arith.addi %mul3A_186, %add3A_187 : i32
      %swap3A_189 = arith.index_cast %add3A_188 : i32 to index
      %swap3A_190 = tpu.vector_load %arg7[%swap3A_189] {strides = array<i32>} : memref<100352xf32, #tpu.memory_space<vmem>>, vector<16xf32>,
      tpu.vector_store %arg7[%swap3A_189], %broadcast_in_dim3A_29 {strides = array<i32>} : memref<100352xf32, #tpu.memory_space<vmem>>, vector<16xf32>,
      %mul3A_191 = arith.constant 64 : i32
      %mul3A_192 = arith.muli %scan3A_181, %mul3A_191 : i32
      %add3A_193 = arith.constant 32 : i32
      %add3A_194 = arith.addi %mul3A_192, %add3A_193 : i32
      %swap3A_195 = arith.index_cast %add3A_194 : i32 to index
      %swap3A_196 = tpu.vector_load %arg7[%swap3A_195] {strides = array<i32>} : memref<100352xf32, #tpu.memory_space<vmem>>, vector<16xf32>,
      tpu.vector_store %arg7[%swap3A_195], %broadcast_in_dim3A_29 {strides = array<i32>} : memref<100352xf32, #tpu.memory_space<vmem>>, vector<16xf32>,
      %mul3A_197 = arith.constant 64 : i32
      %mul3A_198 = arith.muli %scan3A_181, %mul3A_197 : i32
      %add3A_199 = arith.constant 48 : i32
      %add3A_200 = arith.addi %mul3A_198, %add3A_199 : i32
      %swap3A_201 = arith.index_cast %add3A_200 : i32 to index
      %swap3A_202 = tpu.vector_load %arg7[%swap3A_201] {strides = array<i32>} : memref<100352xf32, #tpu.memory_space<vmem>>, vector<16xf32>,
      tpu.vector_store %arg7[%swap3A_201], %broadcast_in_dim3A_29 {strides = array<i32>} : memref<100352xf32, #tpu.memory_space<vmem>>, vector<16xf32>,
    }
    %scan3A_34 = arith.constant 1568 : i32
    %mul3A = arith.constant 12500 : i32
    %mul3A_35 = arith.muli %arg0, %mul3A : i32
    %add3A_36 = arith.constant 0 : i32
    %add3A_37 = arith.addi %mul3A_35, %add3A_36 : i32
    %dma_start3A = arith.constant 0 : i32
    %dma_start3A_38 = tpu.memref_slice %arg2[%select_n3A, %add3A_37, %select_n3A_28, %dma_start3A] : memref<2x25000x8x128xf32, #tpu.memory_space<hbm>> -> memref<1x25x1x128xf32, #tpu.memory_space<hbm>>
    %dma_start3A_39 = tpu.memref_squeeze %dma_start3A_38 : memref<1x25x1x128xf32, #tpu.memory_space<hbm>> -> memref<25x128xf32, #tpu.memory_space<hbm>>
    %dma_start3A_40 = arith.constant 0 : i32
    %dma_start3A_41 = tpu.memref_slice %arg2[%select_n3A, %add3A_37, %select_n3A_28, %dma_start3A_40] : memref<2x25000x8x128xf32, #tpu.memory_space<hbm>> -> memref<1x25x1x128xf32, #tpu.memory_space<hbm>>
    %dma_start3A_42 = tpu.memref_squeeze %dma_start3A_41 : memref<1x25x1x128xf32, #tpu.memory_space<hbm>> -> memref<25x128xf32, #tpu.memory_space<hbm>>
    tpu.enqueue_dma source(%dma_start3A_42 : memref<25x128xf32, #tpu.memory_space<hbm>>) target(%arg8 : memref<25x128xf32, #tpu.memory_space<vmem>>) target_semaphore(%arg14 : memref<!tpu.dma_semaphore, #tpu.memory_space<semaphore_mem>>)
    %dma_start3A_43 = arith.constant 0 : i32
    %dma_start3A_44 = arith.constant 0 : i32
    %dma_start3A_45 = tpu.memref_slice %arg3[%add3A_37, %dma_start3A_43, %dma_start3A_44] : memref<25000x2x128xi32, #tpu.memory_space<hbm>> -> memref<25x2x128xi32, #tpu.memory_space<hbm>>
    %dma_start3A_46 = arith.constant 0 : i32
    %dma_start3A_47 = arith.constant 0 : i32
    %dma_start3A_48 = tpu.memref_slice %arg3[%add3A_37, %dma_start3A_46, %dma_start3A_47] : memref<25000x2x128xi32, #tpu.memory_space<hbm>> -> memref<25x2x128xi32, #tpu.memory_space<hbm>>
    tpu.enqueue_dma source(%dma_start3A_48 : memref<25x2x128xi32, #tpu.memory_space<hbm>>) target(%arg11 : memref<25x2x128xi32, #tpu.memory_space<vmem>>) target_semaphore(%arg14 : memref<!tpu.dma_semaphore, #tpu.memory_space<semaphore_mem>>)
    %add3A_49 = arith.constant 25 : i32
    %add3A_50 = arith.addi %mul3A_35, %add3A_49 : i32
    %dma_start3A_51 = arith.constant 0 : i32
    %dma_start3A_52 = tpu.memref_slice %arg2[%select_n3A, %add3A_50, %select_n3A_28, %dma_start3A_51] : memref<2x25000x8x128xf32, #tpu.memory_space<hbm>> -> memref<1x25x1x128xf32, #tpu.memory_space<hbm>>
    %dma_start3A_53 = tpu.memref_squeeze %dma_start3A_52 : memref<1x25x1x128xf32, #tpu.memory_space<hbm>> -> memref<25x128xf32, #tpu.memory_space<hbm>>
    %dma_start3A_54 = arith.constant 0 : i32
    %dma_start3A_55 = tpu.memref_slice %arg2[%select_n3A, %add3A_50, %select_n3A_28, %dma_start3A_54] : memref<2x25000x8x128xf32, #tpu.memory_space<hbm>> -> memref<1x25x1x128xf32, #tpu.memory_space<hbm>>
    %dma_start3A_56 = tpu.memref_squeeze %dma_start3A_55 : memref<1x25x1x128xf32, #tpu.memory_space<hbm>> -> memref<25x128xf32, #tpu.memory_space<hbm>>
    tpu.enqueue_dma source(%dma_start3A_56 : memref<25x128xf32, #tpu.memory_space<hbm>>) target(%arg9 : memref<25x128xf32, #tpu.memory_space<vmem>>) target_semaphore(%arg15 : memref<!tpu.dma_semaphore, #tpu.memory_space<semaphore_mem>>)
    %dma_start3A_57 = arith.constant 0 : i32
    %dma_start3A_58 = arith.constant 0 : i32
    %dma_start3A_59 = tpu.memref_slice %arg3[%add3A_50, %dma_start3A_57, %dma_start3A_58] : memref<25000x2x128xi32, #tpu.memory_space<hbm>> -> memref<25x2x128xi32, #tpu.memory_space<hbm>>
    %dma_start3A_60 = arith.constant 0 : i32
    %dma_start3A_61 = arith.constant 0 : i32
    %dma_start3A_62 = tpu.memref_slice %arg3[%add3A_50, %dma_start3A_60, %dma_start3A_61] : memref<25000x2x128xi32, #tpu.memory_space<hbm>> -> memref<25x2x128xi32, #tpu.memory_space<hbm>>
    tpu.enqueue_dma source(%dma_start3A_62 : memref<25x2x128xi32, #tpu.memory_space<hbm>>) target(%arg12 : memref<25x2x128xi32, #tpu.memory_space<vmem>>) target_semaphore(%arg15 : memref<!tpu.dma_semaphore, #tpu.memory_space<semaphore_mem>>)
    %scan3A_63 = arith.constant 0 : i32
    %scan3A_64 = arith.constant 0 : i32
    %scan3A_65 = arith.constant 166 : i32
    %scan3A_66 = arith.addi %scan3A_64, %scan3A_65 : i32
    %scan3A_67 = arith.constant 1 : i32
    scf.for %scan3A_181 = %scan3A_64 to %scan3A_66 step %scan3A_67  : i32 {
      %mul3A_182 = arith.constant 3 : i32
      %mul3A_183 = arith.muli %mul3A_182, %scan3A_181 : i32
      %add3A_184 = arith.constant 0 : i32
      %add3A_185 = arith.addi %mul3A_183, %add3A_184 : i32
      %dma_wait3A_186 = arith.constant 0 : i32
      %dma_wait3A_187 = arith.constant 0 : i32
      %dma_wait3A_188 = arith.constant 0 : i32
      %dma_wait3A_189 = arith.constant 0 : i32
      %dma_wait3A_190 = tpu.memref_slice %arg2[%dma_wait3A_186, %dma_wait3A_188, %dma_wait3A_187, %dma_wait3A_189] : memref<2x25000x8x128xf32, #tpu.memory_space<hbm>> -> memref<1x25x1x128xf32, #tpu.memory_space<hbm>>
      %dma_wait3A_191 = tpu.memref_squeeze %dma_wait3A_190 : memref<1x25x1x128xf32, #tpu.memory_space<hbm>> -> memref<25x128xf32, #tpu.memory_space<hbm>>
      %dma_wait3A_192 = arith.constant 0 : i32
      %dma_wait3A_193 = arith.constant 0 : i32
      %dma_wait3A_194 = tpu.memref_slice %arg2[%dma_wait3A_186, %dma_wait3A_192, %dma_wait3A_187, %dma_wait3A_193] : memref<2x25000x8x128xf32, #tpu.memory_space<hbm>> -> memref<1x25x1x128xf32, #tpu.memory_space<hbm>>
      %dma_wait3A_195 = tpu.memref_squeeze %dma_wait3A_194 : memref<1x25x1x128xf32, #tpu.memory_space<hbm>> -> memref<25x128xf32, #tpu.memory_space<hbm>>
      tpu.wait_dma2 semaphore(%arg14 : memref<!tpu.dma_semaphore, #tpu.memory_space<semaphore_mem>>) src(%dma_wait3A_195 : memref<25x128xf32, #tpu.memory_space<hbm>>) dst(%arg8 : memref<25x128xf32, #tpu.memory_space<vmem>>)
      %dma_wait3A_196 = arith.constant 0 : i32
      %dma_wait3A_197 = arith.constant 0 : i32
      %dma_wait3A_198 = arith.constant 0 : i32
      %dma_wait3A_199 = tpu.memref_slice %arg3[%dma_wait3A_196, %dma_wait3A_197, %dma_wait3A_198] : memref<25000x2x128xi32, #tpu.memory_space<hbm>> -> memref<25x2x128xi32, #tpu.memory_space<hbm>>
      %dma_wait3A_200 = arith.constant 0 : i32
      %dma_wait3A_201 = arith.constant 0 : i32
      %dma_wait3A_202 = arith.constant 0 : i32
      %dma_wait3A_203 = tpu.memref_slice %arg3[%dma_wait3A_200, %dma_wait3A_201, %dma_wait3A_202] : memref<25000x2x128xi32, #tpu.memory_space<hbm>> -> memref<25x2x128xi32, #tpu.memory_space<hbm>>
      tpu.wait_dma2 semaphore(%arg14 : memref<!tpu.dma_semaphore, #tpu.memory_space<semaphore_mem>>) src(%dma_wait3A_203 : memref<25x2x128xi32, #tpu.memory_space<hbm>>) dst(%arg11 : memref<25x2x128xi32, #tpu.memory_space<vmem>>)
      %mul3A_204 = arith.constant 25 : i32
      %mul3A_205 = arith.muli %add3A_185, %mul3A_204 : i32
      %add3A_206 = arith.addi %mul3A_35, %mul3A_205 : i32
      %dma_start3A_207 = arith.constant 0 : i32
      %dma_start3A_208 = tpu.memref_slice %arg5[%select_n3A, %add3A_206, %select_n3A_28, %dma_start3A_207] : memref<2x25000x8x128xf32, #tpu.memory_space<hbm>> -> memref<1x25x1x128xf32, #tpu.memory_space<hbm>>
      %dma_start3A_209 = tpu.memref_squeeze %dma_start3A_208 : memref<1x25x1x128xf32, #tpu.memory_space<hbm>> -> memref<25x128xf32, #tpu.memory_space<hbm>>
      %dma_start3A_210 = arith.constant 0 : i32
      %dma_start3A_211 = tpu.memref_slice %arg5[%select_n3A, %add3A_206, %select_n3A_28, %dma_start3A_210] : memref<2x25000x8x128xf32, #tpu.memory_space<hbm>> -> memref<1x25x1x128xf32, #tpu.memory_space<hbm>>
      %dma_start3A_212 = tpu.memref_squeeze %dma_start3A_211 : memref<1x25x1x128xf32, #tpu.memory_space<hbm>> -> memref<25x128xf32, #tpu.memory_space<hbm>>
      tpu.enqueue_dma source(%arg8 : memref<25x128xf32, #tpu.memory_space<vmem>>) target(%dma_start3A_212 : memref<25x128xf32, #tpu.memory_space<hbm>>) target_semaphore(%arg17 : memref<!tpu.dma_semaphore, #tpu.memory_space<semaphore_mem>>)
      %eq3A_213 = arith.constant 0 : i32
      %eq3A_214 = arith.cmpi eq, %arg1, %eq3A_213 : i32
      %convert_element_type3A_215 = arith.extui %eq3A_214 : i1 to i32
      %cond3A_216 = arith.constant 0 : i32
      %cond3A_217 = arith.cmpi ne, %convert_element_type3A_215, %cond3A_216 : i32
      scf.if %cond3A_217 {
        %dma_start3A_364 = arith.constant 0 : i32
        %dma_start3A_365 = arith.constant 0 : i32
        %dma_start3A_366 = tpu.memref_slice %arg6[%add3A_206, %dma_start3A_364, %dma_start3A_365] : memref<25000x2x128xi32, #tpu.memory_space<hbm>> -> memref<25x2x128xi32, #tpu.memory_space<hbm>>
        %dma_start3A_367 = arith.constant 0 : i32
        %dma_start3A_368 = arith.constant 0 : i32
        %dma_start3A_369 = tpu.memref_slice %arg6[%add3A_206, %dma_start3A_367, %dma_start3A_368] : memref<25000x2x128xi32, #tpu.memory_space<hbm>> -> memref<25x2x128xi32, #tpu.memory_space<hbm>>
        tpu.enqueue_dma source(%arg11 : memref<25x2x128xi32, #tpu.memory_space<vmem>>) target(%dma_start3A_369 : memref<25x2x128xi32, #tpu.memory_space<hbm>>) target_semaphore(%arg17 : memref<!tpu.dma_semaphore, #tpu.memory_space<semaphore_mem>>)
      } else {
      }
      %gt3A = arith.constant 0 : i32
      %gt3A_218 = arith.cmpi sgt, %add3A_185, %gt3A : i32
      %convert_element_type3A_219 = arith.extui %gt3A_218 : i1 to i32
      %cond3A_220 = arith.constant 0 : i32
      %cond3A_221 = arith.cmpi ne, %convert_element_type3A_219, %cond3A_220 : i32
      scf.if %cond3A_221 {
        %dma_wait3A_364 = arith.constant 0 : i32
        %dma_wait3A_365 = arith.constant 0 : i32
        %dma_wait3A_366 = arith.constant 0 : i32
        %dma_wait3A_367 = arith.constant 0 : i32
        %dma_wait3A_368 = tpu.memref_slice %arg5[%dma_wait3A_364, %dma_wait3A_366, %dma_wait3A_365, %dma_wait3A_367] : memref<2x25000x8x128xf32, #tpu.memory_space<hbm>> -> memref<1x25x1x128xf32, #tpu.memory_space<hbm>>
        %dma_wait3A_369 = tpu.memref_squeeze %dma_wait3A_368 : memref<1x25x1x128xf32, #tpu.memory_space<hbm>> -> memref<25x128xf32, #tpu.memory_space<hbm>>
        %dma_wait3A_370 = arith.constant 0 : i32
        %dma_wait3A_371 = arith.constant 0 : i32
        %dma_wait3A_372 = tpu.memref_slice %arg5[%dma_wait3A_364, %dma_wait3A_370, %dma_wait3A_365, %dma_wait3A_371] : memref<2x25000x8x128xf32, #tpu.memory_space<hbm>> -> memref<1x25x1x128xf32, #tpu.memory_space<hbm>>
        %dma_wait3A_373 = tpu.memref_squeeze %dma_wait3A_372 : memref<1x25x1x128xf32, #tpu.memory_space<hbm>> -> memref<25x128xf32, #tpu.memory_space<hbm>>
        tpu.wait_dma2 semaphore(%arg19 : memref<!tpu.dma_semaphore, #tpu.memory_space<semaphore_mem>>) src(%arg10 : memref<25x128xf32, #tpu.memory_space<vmem>>) dst(%dma_wait3A_373 : memref<25x128xf32, #tpu.memory_space<hbm>>)
        %eq3A_374 = arith.constant 0 : i32
        %eq3A_375 = arith.cmpi eq, %arg1, %eq3A_374 : i32
        %convert_element_type3A_376 = arith.extui %eq3A_375 : i1 to i32
        %cond3A_377 = arith.constant 0 : i32
        %cond3A_378 = arith.cmpi ne, %convert_element_type3A_376, %cond3A_377 : i32
        scf.if %cond3A_378 {
          %dma_wait3A_379 = arith.constant 0 : i32
          %dma_wait3A_380 = arith.constant 0 : i32
          %dma_wait3A_381 = arith.constant 0 : i32
          %dma_wait3A_382 = tpu.memref_slice %arg6[%dma_wait3A_379, %dma_wait3A_380, %dma_wait3A_381] : memref<25000x2x128xi32, #tpu.memory_space<hbm>> -> memref<25x2x128xi32, #tpu.memory_space<hbm>>
          %dma_wait3A_383 = arith.constant 0 : i32
          %dma_wait3A_384 = arith.constant 0 : i32
          %dma_wait3A_385 = arith.constant 0 : i32
          %dma_wait3A_386 = tpu.memref_slice %arg6[%dma_wait3A_383, %dma_wait3A_384, %dma_wait3A_385] : memref<25000x2x128xi32, #tpu.memory_space<hbm>> -> memref<25x2x128xi32, #tpu.memory_space<hbm>>
          tpu.wait_dma2 semaphore(%arg19 : memref<!tpu.dma_semaphore, #tpu.memory_space<semaphore_mem>>) src(%arg13 : memref<25x2x128xi32, #tpu.memory_space<vmem>>) dst(%dma_wait3A_386 : memref<25x2x128xi32, #tpu.memory_space<hbm>>)
        } else {
        }
      } else {
      }
      %add3A_222 = arith.constant 2 : i32
      %add3A_223 = arith.addi %add3A_185, %add3A_222 : i32
      %mul3A_224 = arith.constant 25 : i32
      %mul3A_225 = arith.muli %add3A_223, %mul3A_224 : i32
      %add3A_226 = arith.addi %mul3A_35, %mul3A_225 : i32
      %dma_start3A_227 = arith.constant 0 : i32
      %dma_start3A_228 = tpu.memref_slice %arg2[%select_n3A, %add3A_226, %select_n3A_28, %dma_start3A_227] : memref<2x25000x8x128xf32, #tpu.memory_space<hbm>> -> memref<1x25x1x128xf32, #tpu.memory_space<hbm>>
      %dma_start3A_229 = tpu.memref_squeeze %dma_start3A_228 : memref<1x25x1x128xf32, #tpu.memory_space<hbm>> -> memref<25x128xf32, #tpu.memory_space<hbm>>
      %dma_start3A_230 = arith.constant 0 : i32
      %dma_start3A_231 = tpu.memref_slice %arg2[%select_n3A, %add3A_226, %select_n3A_28, %dma_start3A_230] : memref<2x25000x8x128xf32, #tpu.memory_space<hbm>> -> memref<1x25x1x128xf32, #tpu.memory_space<hbm>>
      %dma_start3A_232 = tpu.memref_squeeze %dma_start3A_231 : memref<1x25x1x128xf32, #tpu.memory_space<hbm>> -> memref<25x128xf32, #tpu.memory_space<hbm>>
      tpu.enqueue_dma source(%dma_start3A_232 : memref<25x128xf32, #tpu.memory_space<hbm>>) target(%arg10 : memref<25x128xf32, #tpu.memory_space<vmem>>) target_semaphore(%arg16 : memref<!tpu.dma_semaphore, #tpu.memory_space<semaphore_mem>>)
      %dma_start3A_233 = arith.constant 0 : i32
      %dma_start3A_234 = arith.constant 0 : i32
      %dma_start3A_235 = tpu.memref_slice %arg3[%add3A_226, %dma_start3A_233, %dma_start3A_234] : memref<25000x2x128xi32, #tpu.memory_space<hbm>> -> memref<25x2x128xi32, #tpu.memory_space<hbm>>
      %dma_start3A_236 = arith.constant 0 : i32
      %dma_start3A_237 = arith.constant 0 : i32
      %dma_start3A_238 = tpu.memref_slice %arg3[%add3A_226, %dma_start3A_236, %dma_start3A_237] : memref<25000x2x128xi32, #tpu.memory_space<hbm>> -> memref<25x2x128xi32, #tpu.memory_space<hbm>>
      tpu.enqueue_dma source(%dma_start3A_238 : memref<25x2x128xi32, #tpu.memory_space<hbm>>) target(%arg13 : memref<25x2x128xi32, #tpu.memory_space<vmem>>) target_semaphore(%arg16 : memref<!tpu.dma_semaphore, #tpu.memory_space<semaphore_mem>>)
      %parallel_loop3A_239 = arith.constant 0 : i32
      %parallel_loop3A_240 = arith.constant 25 : i32
      %parallel_loop3A_241 = arith.constant 1 : i32
      scf.for %parallel_loop3A_364 = %parallel_loop3A_239 to %parallel_loop3A_240 step %parallel_loop3A_241  : i32 {
        %parallel_loop3A_365 = arith.index_cast %parallel_loop3A_364 : i32 to index
        %parallel_loop3A_366 = arith.constant 0 : index
        %parallel_loop3A_367 = tpu.vector_load %arg8[%parallel_loop3A_365, %parallel_loop3A_366] {strides = array<i32>} : memref<25x128xf32, #tpu.memory_space<vmem>>, vector<16xf32>,
        %parallel_loop3A_368 = arith.constant 0 : i32
        %parallel_loop3A_369 = arith.index_cast %parallel_loop3A_364 : i32 to index
        %parallel_loop3A_370 = arith.index_cast %parallel_loop3A_368 : i32 to index
        %parallel_loop3A_371 = arith.constant 0 : index
        %parallel_loop3A_372 = tpu.vector_load %arg11[%parallel_loop3A_369, %parallel_loop3A_370, %parallel_loop3A_371] {strides = array<i32>} : memref<25x2x128xi32, #tpu.memory_space<vmem>>, vector<16xi32>,
        %parallel_loop3A_373 = arith.constant 1 : i32
        %parallel_loop3A_374 = arith.index_cast %parallel_loop3A_364 : i32 to index
        %parallel_loop3A_375 = arith.index_cast %parallel_loop3A_373 : i32 to index
        %parallel_loop3A_376 = arith.constant 0 : index
        %parallel_loop3A_377 = tpu.vector_load %arg11[%parallel_loop3A_374, %parallel_loop3A_375, %parallel_loop3A_376] {strides = array<i32>} : memref<25x2x128xi32, #tpu.memory_space<vmem>>, vector<16xi32>,
        tpu.vector_store_idx %arg7[%parallel_loop3A_372], %parallel_loop3A_367 {add = true} : memref<100352xf32, #tpu.memory_space<vmem>>[vector<16xi32>], vector<16xf32>,
        tpu.vector_store_idx %arg7[%parallel_loop3A_377], %parallel_loop3A_367 {add = true} : memref<100352xf32, #tpu.memory_space<vmem>>[vector<16xi32>], vector<16xf32>,
        %parallel_loop3A_378 = arith.index_cast %parallel_loop3A_364 : i32 to index
        %parallel_loop3A_379 = arith.constant 16 : index
        %parallel_loop3A_380 = tpu.vector_load %arg8[%parallel_loop3A_378, %parallel_loop3A_379] {strides = array<i32>} : memref<25x128xf32, #tpu.memory_space<vmem>>, vector<16xf32>,
        %parallel_loop3A_381 = arith.constant 0 : i32
        %parallel_loop3A_382 = arith.index_cast %parallel_loop3A_364 : i32 to index
        %parallel_loop3A_383 = arith.index_cast %parallel_loop3A_381 : i32 to index
        %parallel_loop3A_384 = arith.constant 16 : index
        %parallel_loop3A_385 = tpu.vector_load %arg11[%parallel_loop3A_382, %parallel_loop3A_383, %parallel_loop3A_384] {strides = array<i32>} : memref<25x2x128xi32, #tpu.memory_space<vmem>>, vector<16xi32>,
        %parallel_loop3A_386 = arith.constant 1 : i32
        %parallel_loop3A_387 = arith.index_cast %parallel_loop3A_364 : i32 to index
        %parallel_loop3A_388 = arith.index_cast %parallel_loop3A_386 : i32 to index
        %parallel_loop3A_389 = arith.constant 16 : index
        %parallel_loop3A_390 = tpu.vector_load %arg11[%parallel_loop3A_387, %parallel_loop3A_388, %parallel_loop3A_389] {strides = array<i32>} : memref<25x2x128xi32, #tpu.memory_space<vmem>>, vector<16xi32>,
        tpu.vector_store_idx %arg7[%parallel_loop3A_385], %parallel_loop3A_380 {add = true} : memref<100352xf32, #tpu.memory_space<vmem>>[vector<16xi32>], vector<16xf32>,
        tpu.vector_store_idx %arg7[%parallel_loop3A_390], %parallel_loop3A_380 {add = true} : memref<100352xf32, #tpu.memory_space<vmem>>[vector<16xi32>], vector<16xf32>,
        %parallel_loop3A_391 = arith.index_cast %parallel_loop3A_364 : i32 to index
        %parallel_loop3A_392 = arith.constant 32 : index
        %parallel_loop3A_393 = tpu.vector_load %arg8[%parallel_loop3A_391, %parallel_loop3A_392] {strides = array<i32>} : memref<25x128xf32, #tpu.memory_space<vmem>>, vector<16xf32>,
        %parallel_loop3A_394 = arith.constant 0 : i32
        %parallel_loop3A_395 = arith.index_cast %parallel_loop3A_364 : i32 to index
        %parallel_loop3A_396 = arith.index_cast %parallel_loop3A_394 : i32 to index
        %parallel_loop3A_397 = arith.constant 32 : index
        %parallel_loop3A_398 = tpu.vector_load %arg11[%parallel_loop3A_395, %parallel_loop3A_396, %parallel_loop3A_397] {strides = array<i32>} : memref<25x2x128xi32, #tpu.memory_space<vmem>>, vector<16xi32>,
        %parallel_loop3A_399 = arith.constant 1 : i32
        %parallel_loop3A_400 = arith.index_cast %parallel_loop3A_364 : i32 to index
        %parallel_loop3A_401 = arith.index_cast %parallel_loop3A_399 : i32 to index
        %parallel_loop3A_402 = arith.constant 32 : index
        %parallel_loop3A_403 = tpu.vector_load %arg11[%parallel_loop3A_400, %parallel_loop3A_401, %parallel_loop3A_402] {strides = array<i32>} : memref<25x2x128xi32, #tpu.memory_space<vmem>>, vector<16xi32>,
        tpu.vector_store_idx %arg7[%parallel_loop3A_398], %parallel_loop3A_393 {add = true} : memref<100352xf32, #tpu.memory_space<vmem>>[vector<16xi32>], vector<16xf32>,
        tpu.vector_store_idx %arg7[%parallel_loop3A_403], %parallel_loop3A_393 {add = true} : memref<100352xf32, #tpu.memory_space<vmem>>[vector<16xi32>], vector<16xf32>,
        %parallel_loop3A_404 = arith.index_cast %parallel_loop3A_364 : i32 to index
        %parallel_loop3A_405 = arith.constant 48 : index
        %parallel_loop3A_406 = tpu.vector_load %arg8[%parallel_loop3A_404, %parallel_loop3A_405] {strides = array<i32>} : memref<25x128xf32, #tpu.memory_space<vmem>>, vector<16xf32>,
        %parallel_loop3A_407 = arith.constant 0 : i32
        %parallel_loop3A_408 = arith.index_cast %parallel_loop3A_364 : i32 to index
        %parallel_loop3A_409 = arith.index_cast %parallel_loop3A_407 : i32 to index
        %parallel_loop3A_410 = arith.constant 48 : index
        %parallel_loop3A_411 = tpu.vector_load %arg11[%parallel_loop3A_408, %parallel_loop3A_409, %parallel_loop3A_410] {strides = array<i32>} : memref<25x2x128xi32, #tpu.memory_space<vmem>>, vector<16xi32>,
        %parallel_loop3A_412 = arith.constant 1 : i32
        %parallel_loop3A_413 = arith.index_cast %parallel_loop3A_364 : i32 to index
        %parallel_loop3A_414 = arith.index_cast %parallel_loop3A_412 : i32 to index
        %parallel_loop3A_415 = arith.constant 48 : index
        %parallel_loop3A_416 = tpu.vector_load %arg11[%parallel_loop3A_413, %parallel_loop3A_414, %parallel_loop3A_415] {strides = array<i32>} : memref<25x2x128xi32, #tpu.memory_space<vmem>>, vector<16xi32>,
        tpu.vector_store_idx %arg7[%parallel_loop3A_411], %parallel_loop3A_406 {add = true} : memref<100352xf32, #tpu.memory_space<vmem>>[vector<16xi32>], vector<16xf32>,
        tpu.vector_store_idx %arg7[%parallel_loop3A_416], %parallel_loop3A_406 {add = true} : memref<100352xf32, #tpu.memory_space<vmem>>[vector<16xi32>], vector<16xf32>,
        %parallel_loop3A_417 = arith.index_cast %parallel_loop3A_364 : i32 to index
        %parallel_loop3A_418 = arith.constant 64 : index
        %parallel_loop3A_419 = tpu.vector_load %arg8[%parallel_loop3A_417, %parallel_loop3A_418] {strides = array<i32>} : memref<25x128xf32, #tpu.memory_space<vmem>>, vector<16xf32>,
        %parallel_loop3A_420 = arith.constant 0 : i32
        %parallel_loop3A_421 = arith.index_cast %parallel_loop3A_364 : i32 to index
        %parallel_loop3A_422 = arith.index_cast %parallel_loop3A_420 : i32 to index
        %parallel_loop3A_423 = arith.constant 64 : index
        %parallel_loop3A_424 = tpu.vector_load %arg11[%parallel_loop3A_421, %parallel_loop3A_422, %parallel_loop3A_423] {strides = array<i32>} : memref<25x2x128xi32, #tpu.memory_space<vmem>>, vector<16xi32>,
        %parallel_loop3A_425 = arith.constant 1 : i32
        %parallel_loop3A_426 = arith.index_cast %parallel_loop3A_364 : i32 to index
        %parallel_loop3A_427 = arith.index_cast %parallel_loop3A_425 : i32 to index
        %parallel_loop3A_428 = arith.constant 64 : index
        %parallel_loop3A_429 = tpu.vector_load %arg11[%parallel_loop3A_426, %parallel_loop3A_427, %parallel_loop3A_428] {strides = array<i32>} : memref<25x2x128xi32, #tpu.memory_space<vmem>>, vector<16xi32>,
        tpu.vector_store_idx %arg7[%parallel_loop3A_424], %parallel_loop3A_419 {add = true} : memref<100352xf32, #tpu.memory_space<vmem>>[vector<16xi32>], vector<16xf32>,
        tpu.vector_store_idx %arg7[%parallel_loop3A_429], %parallel_loop3A_419 {add = true} : memref<100352xf32, #tpu.memory_space<vmem>>[vector<16xi32>], vector<16xf32>,
        %parallel_loop3A_430 = arith.index_cast %parallel_loop3A_364 : i32 to index
        %parallel_loop3A_431 = arith.constant 80 : index
        %parallel_loop3A_432 = tpu.vector_load %arg8[%parallel_loop3A_430, %parallel_loop3A_431] {strides = array<i32>} : memref<25x128xf32, #tpu.memory_space<vmem>>, vector<16xf32>,
        %parallel_loop3A_433 = arith.constant 0 : i32
        %parallel_loop3A_434 = arith.index_cast %parallel_loop3A_364 : i32 to index
        %parallel_loop3A_435 = arith.index_cast %parallel_loop3A_433 : i32 to index
        %parallel_loop3A_436 = arith.constant 80 : index
        %parallel_loop3A_437 = tpu.vector_load %arg11[%parallel_loop3A_434, %parallel_loop3A_435, %parallel_loop3A_436] {strides = array<i32>} : memref<25x2x128xi32, #tpu.memory_space<vmem>>, vector<16xi32>,
        %parallel_loop3A_438 = arith.constant 1 : i32
        %parallel_loop3A_439 = arith.index_cast %parallel_loop3A_364 : i32 to index
        %parallel_loop3A_440 = arith.index_cast %parallel_loop3A_438 : i32 to index
        %parallel_loop3A_441 = arith.constant 80 : index
        %parallel_loop3A_442 = tpu.vector_load %arg11[%parallel_loop3A_439, %parallel_loop3A_440, %parallel_loop3A_441] {strides = array<i32>} : memref<25x2x128xi32, #tpu.memory_space<vmem>>, vector<16xi32>,
        tpu.vector_store_idx %arg7[%parallel_loop3A_437], %parallel_loop3A_432 {add = true} : memref<100352xf32, #tpu.memory_space<vmem>>[vector<16xi32>], vector<16xf32>,
        tpu.vector_store_idx %arg7[%parallel_loop3A_442], %parallel_loop3A_432 {add = true} : memref<100352xf32, #tpu.memory_space<vmem>>[vector<16xi32>], vector<16xf32>,
        %parallel_loop3A_443 = arith.index_cast %parallel_loop3A_364 : i32 to index
        %parallel_loop3A_444 = arith.constant 96 : index
        %parallel_loop3A_445 = tpu.vector_load %arg8[%parallel_loop3A_443, %parallel_loop3A_444] {strides = array<i32>} : memref<25x128xf32, #tpu.memory_space<vmem>>, vector<16xf32>,
        %parallel_loop3A_446 = arith.constant 0 : i32
        %parallel_loop3A_447 = arith.index_cast %parallel_loop3A_364 : i32 to index
        %parallel_loop3A_448 = arith.index_cast %parallel_loop3A_446 : i32 to index
        %parallel_loop3A_449 = arith.constant 96 : index
        %parallel_loop3A_450 = tpu.vector_load %arg11[%parallel_loop3A_447, %parallel_loop3A_448, %parallel_loop3A_449] {strides = array<i32>} : memref<25x2x128xi32, #tpu.memory_space<vmem>>, vector<16xi32>,
        %parallel_loop3A_451 = arith.constant 1 : i32
        %parallel_loop3A_452 = arith.index_cast %parallel_loop3A_364 : i32 to index
        %parallel_loop3A_453 = arith.index_cast %parallel_loop3A_451 : i32 to index
        %parallel_loop3A_454 = arith.constant 96 : index
        %parallel_loop3A_455 = tpu.vector_load %arg11[%parallel_loop3A_452, %parallel_loop3A_453, %parallel_loop3A_454] {strides = array<i32>} : memref<25x2x128xi32, #tpu.memory_space<vmem>>, vector<16xi32>,
        tpu.vector_store_idx %arg7[%parallel_loop3A_450], %parallel_loop3A_445 {add = true} : memref<100352xf32, #tpu.memory_space<vmem>>[vector<16xi32>], vector<16xf32>,
        tpu.vector_store_idx %arg7[%parallel_loop3A_455], %parallel_loop3A_445 {add = true} : memref<100352xf32, #tpu.memory_space<vmem>>[vector<16xi32>], vector<16xf32>,
        %parallel_loop3A_456 = arith.index_cast %parallel_loop3A_364 : i32 to index
        %parallel_loop3A_457 = arith.constant 112 : index
        %parallel_loop3A_458 = tpu.vector_load %arg8[%parallel_loop3A_456, %parallel_loop3A_457] {strides = array<i32>} : memref<25x128xf32, #tpu.memory_space<vmem>>, vector<16xf32>,
        %parallel_loop3A_459 = arith.constant 0 : i32
        %parallel_loop3A_460 = arith.index_cast %parallel_loop3A_364 : i32 to index
        %parallel_loop3A_461 = arith.index_cast %parallel_loop3A_459 : i32 to index
        %parallel_loop3A_462 = arith.constant 112 : index
        %parallel_loop3A_463 = tpu.vector_load %arg11[%parallel_loop3A_460, %parallel_loop3A_461, %parallel_loop3A_462] {strides = array<i32>} : memref<25x2x128xi32, #tpu.memory_space<vmem>>, vector<16xi32>,
        %parallel_loop3A_464 = arith.constant 1 : i32
        %parallel_loop3A_465 = arith.index_cast %parallel_loop3A_364 : i32 to index
        %parallel_loop3A_466 = arith.index_cast %parallel_loop3A_464 : i32 to index
        %parallel_loop3A_467 = arith.constant 112 : index
        %parallel_loop3A_468 = tpu.vector_load %arg11[%parallel_loop3A_465, %parallel_loop3A_466, %parallel_loop3A_467] {strides = array<i32>} : memref<25x2x128xi32, #tpu.memory_space<vmem>>, vector<16xi32>,
        tpu.vector_store_idx %arg7[%parallel_loop3A_463], %parallel_loop3A_458 {add = true} : memref<100352xf32, #tpu.memory_space<vmem>>[vector<16xi32>], vector<16xf32>,
        tpu.vector_store_idx %arg7[%parallel_loop3A_468], %parallel_loop3A_458 {add = true} : memref<100352xf32, #tpu.memory_space<vmem>>[vector<16xi32>], vector<16xf32>,
      } {sc.loop_unroll_factor = 5 : i64, sc.parallel_access}
      %mul3A_242 = arith.constant 3 : i32
      %mul3A_243 = arith.muli %mul3A_242, %scan3A_181 : i32
      %add3A_244 = arith.constant 1 : i32
      %add3A_245 = arith.addi %mul3A_243, %add3A_244 : i32
      %dma_wait3A_246 = arith.constant 0 : i32
      %dma_wait3A_247 = arith.constant 0 : i32
      %dma_wait3A_248 = arith.constant 0 : i32
      %dma_wait3A_249 = arith.constant 0 : i32
      %dma_wait3A_250 = tpu.memref_slice %arg2[%dma_wait3A_246, %dma_wait3A_248, %dma_wait3A_247, %dma_wait3A_249] : memref<2x25000x8x128xf32, #tpu.memory_space<hbm>> -> memref<1x25x1x128xf32, #tpu.memory_space<hbm>>
      %dma_wait3A_251 = tpu.memref_squeeze %dma_wait3A_250 : memref<1x25x1x128xf32, #tpu.memory_space<hbm>> -> memref<25x128xf32, #tpu.memory_space<hbm>>
      %dma_wait3A_252 = arith.constant 0 : i32
      %dma_wait3A_253 = arith.constant 0 : i32
      %dma_wait3A_254 = tpu.memref_slice %arg2[%dma_wait3A_246, %dma_wait3A_252, %dma_wait3A_247, %dma_wait3A_253] : memref<2x25000x8x128xf32, #tpu.memory_space<hbm>> -> memref<1x25x1x128xf32, #tpu.memory_space<hbm>>
      %dma_wait3A_255 = tpu.memref_squeeze %dma_wait3A_254 : memref<1x25x1x128xf32, #tpu.memory_space<hbm>> -> memref<25x128xf32, #tpu.memory_space<hbm>>
      tpu.wait_dma2 semaphore(%arg15 : memref<!tpu.dma_semaphore, #tpu.memory_space<semaphore_mem>>) src(%dma_wait3A_255 : memref<25x128xf32, #tpu.memory_space<hbm>>) dst(%arg9 : memref<25x128xf32, #tpu.memory_space<vmem>>)
      %dma_wait3A_256 = arith.constant 0 : i32
      %dma_wait3A_257 = arith.constant 0 : i32
      %dma_wait3A_258 = arith.constant 0 : i32
      %dma_wait3A_259 = tpu.memref_slice %arg3[%dma_wait3A_256, %dma_wait3A_257, %dma_wait3A_258] : memref<25000x2x128xi32, #tpu.memory_space<hbm>> -> memref<25x2x128xi32, #tpu.memory_space<hbm>>
      %dma_wait3A_260 = arith.constant 0 : i32
      %dma_wait3A_261 = arith.constant 0 : i32
      %dma_wait3A_262 = arith.constant 0 : i32
      %dma_wait3A_263 = tpu.memref_slice %arg3[%dma_wait3A_260, %dma_wait3A_261, %dma_wait3A_262] : memref<25000x2x128xi32, #tpu.memory_space<hbm>> -> memref<25x2x128xi32, #tpu.memory_space<hbm>>
      tpu.wait_dma2 semaphore(%arg15 : memref<!tpu.dma_semaphore, #tpu.memory_space<semaphore_mem>>) src(%dma_wait3A_263 : memref<25x2x128xi32, #tpu.memory_space<hbm>>) dst(%arg12 : memref<25x2x128xi32, #tpu.memory_space<vmem>>)
      %mul3A_264 = arith.constant 25 : i32
      %mul3A_265 = arith.muli %add3A_245, %mul3A_264 : i32
      %add3A_266 = arith.addi %mul3A_35, %mul3A_265 : i32
      %dma_start3A_267 = arith.constant 0 : i32
      %dma_start3A_268 = tpu.memref_slice %arg5[%select_n3A, %add3A_266, %select_n3A_28, %dma_start3A_267] : memref<2x25000x8x128xf32, #tpu.memory_space<hbm>> -> memref<1x25x1x128xf32, #tpu.memory_space<hbm>>
      %dma_start3A_269 = tpu.memref_squeeze %dma_start3A_268 : memref<1x25x1x128xf32, #tpu.memory_space<hbm>> -> memref<25x128xf32, #tpu.memory_space<hbm>>
      %dma_start3A_270 = arith.constant 0 : i32
      %dma_start3A_271 = tpu.memref_slice %arg5[%select_n3A, %add3A_266, %select_n3A_28, %dma_start3A_270] : memref<2x25000x8x128xf32, #tpu.memory_space<hbm>> -> memref<1x25x1x128xf32, #tpu.memory_space<hbm>>
      %dma_start3A_272 = tpu.memref_squeeze %dma_start3A_271 : memref<1x25x1x128xf32, #tpu.memory_space<hbm>> -> memref<25x128xf32, #tpu.memory_space<hbm>>
      tpu.enqueue_dma source(%arg9 : memref<25x128xf32, #tpu.memory_space<vmem>>) target(%dma_start3A_272 : memref<25x128xf32, #tpu.memory_space<hbm>>) target_semaphore(%arg18 : memref<!tpu.dma_semaphore, #tpu.memory_space<semaphore_mem>>)
      %eq3A_273 = arith.constant 0 : i32
      %eq3A_274 = arith.cmpi eq, %arg1, %eq3A_273 : i32
      %convert_element_type3A_275 = arith.extui %eq3A_274 : i1 to i32
      %cond3A_276 = arith.constant 0 : i32
      %cond3A_277 = arith.cmpi ne, %convert_element_type3A_275, %cond3A_276 : i32
      scf.if %cond3A_277 {
        %dma_start3A_364 = arith.constant 0 : i32
        %dma_start3A_365 = arith.constant 0 : i32
        %dma_start3A_366 = tpu.memref_slice %arg6[%add3A_266, %dma_start3A_364, %dma_start3A_365] : memref<25000x2x128xi32, #tpu.memory_space<hbm>> -> memref<25x2x128xi32, #tpu.memory_space<hbm>>
        %dma_start3A_367 = arith.constant 0 : i32
        %dma_start3A_368 = arith.constant 0 : i32
        %dma_start3A_369 = tpu.memref_slice %arg6[%add3A_266, %dma_start3A_367, %dma_start3A_368] : memref<25000x2x128xi32, #tpu.memory_space<hbm>> -> memref<25x2x128xi32, #tpu.memory_space<hbm>>
        tpu.enqueue_dma source(%arg12 : memref<25x2x128xi32, #tpu.memory_space<vmem>>) target(%dma_start3A_369 : memref<25x2x128xi32, #tpu.memory_space<hbm>>) target_semaphore(%arg18 : memref<!tpu.dma_semaphore, #tpu.memory_space<semaphore_mem>>)
      } else {
      }
      %gt3A_278 = arith.constant 0 : i32
      %gt3A_279 = arith.cmpi sgt, %add3A_245, %gt3A_278 : i32
      %convert_element_type3A_280 = arith.extui %gt3A_279 : i1 to i32
      %cond3A_281 = arith.constant 0 : i32
      %cond3A_282 = arith.cmpi ne, %convert_element_type3A_280, %cond3A_281 : i32
      scf.if %cond3A_282 {
        %dma_wait3A_364 = arith.constant 0 : i32
        %dma_wait3A_365 = arith.constant 0 : i32
        %dma_wait3A_366 = arith.constant 0 : i32
        %dma_wait3A_367 = arith.constant 0 : i32
        %dma_wait3A_368 = tpu.memref_slice %arg5[%dma_wait3A_364, %dma_wait3A_366, %dma_wait3A_365, %dma_wait3A_367] : memref<2x25000x8x128xf32, #tpu.memory_space<hbm>> -> memref<1x25x1x128xf32, #tpu.memory_space<hbm>>
        %dma_wait3A_369 = tpu.memref_squeeze %dma_wait3A_368 : memref<1x25x1x128xf32, #tpu.memory_space<hbm>> -> memref<25x128xf32, #tpu.memory_space<hbm>>
        %dma_wait3A_370 = arith.constant 0 : i32
        %dma_wait3A_371 = arith.constant 0 : i32
        %dma_wait3A_372 = tpu.memref_slice %arg5[%dma_wait3A_364, %dma_wait3A_370, %dma_wait3A_365, %dma_wait3A_371] : memref<2x25000x8x128xf32, #tpu.memory_space<hbm>> -> memref<1x25x1x128xf32, #tpu.memory_space<hbm>>
        %dma_wait3A_373 = tpu.memref_squeeze %dma_wait3A_372 : memref<1x25x1x128xf32, #tpu.memory_space<hbm>> -> memref<25x128xf32, #tpu.memory_space<hbm>>
        tpu.wait_dma2 semaphore(%arg17 : memref<!tpu.dma_semaphore, #tpu.memory_space<semaphore_mem>>) src(%arg8 : memref<25x128xf32, #tpu.memory_space<vmem>>) dst(%dma_wait3A_373 : memref<25x128xf32, #tpu.memory_space<hbm>>)
        %eq3A_374 = arith.constant 0 : i32
        %eq3A_375 = arith.cmpi eq, %arg1, %eq3A_374 : i32
        %convert_element_type3A_376 = arith.extui %eq3A_375 : i1 to i32
        %cond3A_377 = arith.constant 0 : i32
        %cond3A_378 = arith.cmpi ne, %convert_element_type3A_376, %cond3A_377 : i32
        scf.if %cond3A_378 {
          %dma_wait3A_379 = arith.constant 0 : i32
          %dma_wait3A_380 = arith.constant 0 : i32
          %dma_wait3A_381 = arith.constant 0 : i32
          %dma_wait3A_382 = tpu.memref_slice %arg6[%dma_wait3A_379, %dma_wait3A_380, %dma_wait3A_381] : memref<25000x2x128xi32, #tpu.memory_space<hbm>> -> memref<25x2x128xi32, #tpu.memory_space<hbm>>
          %dma_wait3A_383 = arith.constant 0 : i32
          %dma_wait3A_384 = arith.constant 0 : i32
          %dma_wait3A_385 = arith.constant 0 : i32
          %dma_wait3A_386 = tpu.memref_slice %arg6[%dma_wait3A_383, %dma_wait3A_384, %dma_wait3A_385] : memref<25000x2x128xi32, #tpu.memory_space<hbm>> -> memref<25x2x128xi32, #tpu.memory_space<hbm>>
          tpu.wait_dma2 semaphore(%arg17 : memref<!tpu.dma_semaphore, #tpu.memory_space<semaphore_mem>>) src(%arg11 : memref<25x2x128xi32, #tpu.memory_space<vmem>>) dst(%dma_wait3A_386 : memref<25x2x128xi32, #tpu.memory_space<hbm>>)
        } else {
        }
      } else {
      }
      %add3A_283 = arith.constant 2 : i32
      %add3A_284 = arith.addi %add3A_245, %add3A_283 : i32
      %mul3A_285 = arith.constant 25 : i32
      %mul3A_286 = arith.muli %add3A_284, %mul3A_285 : i32
      %add3A_287 = arith.addi %mul3A_35, %mul3A_286 : i32
      %dma_start3A_288 = arith.constant 0 : i32
      %dma_start3A_289 = tpu.memref_slice %arg2[%select_n3A, %add3A_287, %select_n3A_28, %dma_start3A_288] : memref<2x25000x8x128xf32, #tpu.memory_space<hbm>> -> memref<1x25x1x128xf32, #tpu.memory_space<hbm>>
      %dma_start3A_290 = tpu.memref_squeeze %dma_start3A_289 : memref<1x25x1x128xf32, #tpu.memory_space<hbm>> -> memref<25x128xf32, #tpu.memory_space<hbm>>
      %dma_start3A_291 = arith.constant 0 : i32
      %dma_start3A_292 = tpu.memref_slice %arg2[%select_n3A, %add3A_287, %select_n3A_28, %dma_start3A_291] : memref<2x25000x8x128xf32, #tpu.memory_space<hbm>> -> memref<1x25x1x128xf32, #tpu.memory_space<hbm>>
      %dma_start3A_293 = tpu.memref_squeeze %dma_start3A_292 : memref<1x25x1x128xf32, #tpu.memory_space<hbm>> -> memref<25x128xf32, #tpu.memory_space<hbm>>
      tpu.enqueue_dma source(%dma_start3A_293 : memref<25x128xf32, #tpu.memory_space<hbm>>) target(%arg8 : memref<25x128xf32, #tpu.memory_space<vmem>>) target_semaphore(%arg14 : memref<!tpu.dma_semaphore, #tpu.memory_space<semaphore_mem>>)
      %dma_start3A_294 = arith.constant 0 : i32
      %dma_start3A_295 = arith.constant 0 : i32
      %dma_start3A_296 = tpu.memref_slice %arg3[%add3A_287, %dma_start3A_294, %dma_start3A_295] : memref<25000x2x128xi32, #tpu.memory_space<hbm>> -> memref<25x2x128xi32, #tpu.memory_space<hbm>>
      %dma_start3A_297 = arith.constant 0 : i32
      %dma_start3A_298 = arith.constant 0 : i32
      %dma_start3A_299 = tpu.memref_slice %arg3[%add3A_287, %dma_start3A_297, %dma_start3A_298] : memref<25000x2x128xi32, #tpu.memory_space<hbm>> -> memref<25x2x128xi32, #tpu.memory_space<hbm>>
      tpu.enqueue_dma source(%dma_start3A_299 : memref<25x2x128xi32, #tpu.memory_space<hbm>>) target(%arg11 : memref<25x2x128xi32, #tpu.memory_space<vmem>>) target_semaphore(%arg14 : memref<!tpu.dma_semaphore, #tpu.memory_space<semaphore_mem>>)
      %parallel_loop3A_300 = arith.constant 0 : i32
      %parallel_loop3A_301 = arith.constant 25 : i32
      %parallel_loop3A_302 = arith.constant 1 : i32
      scf.for %parallel_loop3A_364 = %parallel_loop3A_300 to %parallel_loop3A_301 step %parallel_loop3A_302  : i32 {
        %parallel_loop3A_365 = arith.index_cast %parallel_loop3A_364 : i32 to index
        %parallel_loop3A_366 = arith.constant 0 : index
        %parallel_loop3A_367 = tpu.vector_load %arg9[%parallel_loop3A_365, %parallel_loop3A_366] {strides = array<i32>} : memref<25x128xf32, #tpu.memory_space<vmem>>, vector<16xf32>,
        %parallel_loop3A_368 = arith.constant 0 : i32
        %parallel_loop3A_369 = arith.index_cast %parallel_loop3A_364 : i32 to index
        %parallel_loop3A_370 = arith.index_cast %parallel_loop3A_368 : i32 to index
        %parallel_loop3A_371 = arith.constant 0 : index
        %parallel_loop3A_372 = tpu.vector_load %arg12[%parallel_loop3A_369, %parallel_loop3A_370, %parallel_loop3A_371] {strides = array<i32>} : memref<25x2x128xi32, #tpu.memory_space<vmem>>, vector<16xi32>,
        %parallel_loop3A_373 = arith.constant 1 : i32
        %parallel_loop3A_374 = arith.index_cast %parallel_loop3A_364 : i32 to index
        %parallel_loop3A_375 = arith.index_cast %parallel_loop3A_373 : i32 to index
        %parallel_loop3A_376 = arith.constant 0 : index
        %parallel_loop3A_377 = tpu.vector_load %arg12[%parallel_loop3A_374, %parallel_loop3A_375, %parallel_loop3A_376] {strides = array<i32>} : memref<25x2x128xi32, #tpu.memory_space<vmem>>, vector<16xi32>,
        tpu.vector_store_idx %arg7[%parallel_loop3A_372], %parallel_loop3A_367 {add = true} : memref<100352xf32, #tpu.memory_space<vmem>>[vector<16xi32>], vector<16xf32>,
        tpu.vector_store_idx %arg7[%parallel_loop3A_377], %parallel_loop3A_367 {add = true} : memref<100352xf32, #tpu.memory_space<vmem>>[vector<16xi32>], vector<16xf32>,
        %parallel_loop3A_378 = arith.index_cast %parallel_loop3A_364 : i32 to index
        %parallel_loop3A_379 = arith.constant 16 : index
        %parallel_loop3A_380 = tpu.vector_load %arg9[%parallel_loop3A_378, %parallel_loop3A_379] {strides = array<i32>} : memref<25x128xf32, #tpu.memory_space<vmem>>, vector<16xf32>,
        %parallel_loop3A_381 = arith.constant 0 : i32
        %parallel_loop3A_382 = arith.index_cast %parallel_loop3A_364 : i32 to index
        %parallel_loop3A_383 = arith.index_cast %parallel_loop3A_381 : i32 to index
        %parallel_loop3A_384 = arith.constant 16 : index
        %parallel_loop3A_385 = tpu.vector_load %arg12[%parallel_loop3A_382, %parallel_loop3A_383, %parallel_loop3A_384] {strides = array<i32>} : memref<25x2x128xi32, #tpu.memory_space<vmem>>, vector<16xi32>,
        %parallel_loop3A_386 = arith.constant 1 : i32
        %parallel_loop3A_387 = arith.index_cast %parallel_loop3A_364 : i32 to index
        %parallel_loop3A_388 = arith.index_cast %parallel_loop3A_386 : i32 to index
        %parallel_loop3A_389 = arith.constant 16 : index
        %parallel_loop3A_390 = tpu.vector_load %arg12[%parallel_loop3A_387, %parallel_loop3A_388, %parallel_loop3A_389] {strides = array<i32>} : memref<25x2x128xi32, #tpu.memory_space<vmem>>, vector<16xi32>,
        tpu.vector_store_idx %arg7[%parallel_loop3A_385], %parallel_loop3A_380 {add = true} : memref<100352xf32, #tpu.memory_space<vmem>>[vector<16xi32>], vector<16xf32>,
        tpu.vector_store_idx %arg7[%parallel_loop3A_390], %parallel_loop3A_380 {add = true} : memref<100352xf32, #tpu.memory_space<vmem>>[vector<16xi32>], vector<16xf32>,
        %parallel_loop3A_391 = arith.index_cast %parallel_loop3A_364 : i32 to index
        %parallel_loop3A_392 = arith.constant 32 : index
        %parallel_loop3A_393 = tpu.vector_load %arg9[%parallel_loop3A_391, %parallel_loop3A_392] {strides = array<i32>} : memref<25x128xf32, #tpu.memory_space<vmem>>, vector<16xf32>,
        %parallel_loop3A_394 = arith.constant 0 : i32
        %parallel_loop3A_395 = arith.index_cast %parallel_loop3A_364 : i32 to index
        %parallel_loop3A_396 = arith.index_cast %parallel_loop3A_394 : i32 to index
        %parallel_loop3A_397 = arith.constant 32 : index
        %parallel_loop3A_398 = tpu.vector_load %arg12[%parallel_loop3A_395, %parallel_loop3A_396, %parallel_loop3A_397] {strides = array<i32>} : memref<25x2x128xi32, #tpu.memory_space<vmem>>, vector<16xi32>,
        %parallel_loop3A_399 = arith.constant 1 : i32
        %parallel_loop3A_400 = arith.index_cast %parallel_loop3A_364 : i32 to index
        %parallel_loop3A_401 = arith.index_cast %parallel_loop3A_399 : i32 to index
        %parallel_loop3A_402 = arith.constant 32 : index
        %parallel_loop3A_403 = tpu.vector_load %arg12[%parallel_loop3A_400, %parallel_loop3A_401, %parallel_loop3A_402] {strides = array<i32>} : memref<25x2x128xi32, #tpu.memory_space<vmem>>, vector<16xi32>,
        tpu.vector_store_idx %arg7[%parallel_loop3A_398], %parallel_loop3A_393 {add = true} : memref<100352xf32, #tpu.memory_space<vmem>>[vector<16xi32>], vector<16xf32>,
        tpu.vector_store_idx %arg7[%parallel_loop3A_403], %parallel_loop3A_393 {add = true} : memref<100352xf32, #tpu.memory_space<vmem>>[vector<16xi32>], vector<16xf32>,
        %parallel_loop3A_404 = arith.index_cast %parallel_loop3A_364 : i32 to index
        %parallel_loop3A_405 = arith.constant 48 : index
        %parallel_loop3A_406 = tpu.vector_load %arg9[%parallel_loop3A_404, %parallel_loop3A_405] {strides = array<i32>} : memref<25x128xf32, #tpu.memory_space<vmem>>, vector<16xf32>,
        %parallel_loop3A_407 = arith.constant 0 : i32
        %parallel_loop3A_408 = arith.index_cast %parallel_loop3A_364 : i32 to index
        %parallel_loop3A_409 = arith.index_cast %parallel_loop3A_407 : i32 to index
        %parallel_loop3A_410 = arith.constant 48 : index
        %parallel_loop3A_411 = tpu.vector_load %arg12[%parallel_loop3A_408, %parallel_loop3A_409, %parallel_loop3A_410] {strides = array<i32>} : memref<25x2x128xi32, #tpu.memory_space<vmem>>, vector<16xi32>,
        %parallel_loop3A_412 = arith.constant 1 : i32
        %parallel_loop3A_413 = arith.index_cast %parallel_loop3A_364 : i32 to index
        %parallel_loop3A_414 = arith.index_cast %parallel_loop3A_412 : i32 to index
        %parallel_loop3A_415 = arith.constant 48 : index
        %parallel_loop3A_416 = tpu.vector_load %arg12[%parallel_loop3A_413, %parallel_loop3A_414, %parallel_loop3A_415] {strides = array<i32>} : memref<25x2x128xi32, #tpu.memory_space<vmem>>, vector<16xi32>,
        tpu.vector_store_idx %arg7[%parallel_loop3A_411], %parallel_loop3A_406 {add = true} : memref<100352xf32, #tpu.memory_space<vmem>>[vector<16xi32>], vector<16xf32>,
        tpu.vector_store_idx %arg7[%parallel_loop3A_416], %parallel_loop3A_406 {add = true} : memref<100352xf32, #tpu.memory_space<vmem>>[vector<16xi32>], vector<16xf32>,
        %parallel_loop3A_417 = arith.index_cast %parallel_loop3A_364 : i32 to index
        %parallel_loop3A_418 = arith.constant 64 : index
        %parallel_loop3A_419 = tpu.vector_load %arg9[%parallel_loop3A_417, %parallel_loop3A_418] {strides = array<i32>} : memref<25x128xf32, #tpu.memory_space<vmem>>, vector<16xf32>,
        %parallel_loop3A_420 = arith.constant 0 : i32
        %parallel_loop3A_421 = arith.index_cast %parallel_loop3A_364 : i32 to index
        %parallel_loop3A_422 = arith.index_cast %parallel_loop3A_420 : i32 to index
        %parallel_loop3A_423 = arith.constant 64 : index
        %parallel_loop3A_424 = tpu.vector_load %arg12[%parallel_loop3A_421, %parallel_loop3A_422, %parallel_loop3A_423] {strides = array<i32>} : memref<25x2x128xi32, #tpu.memory_space<vmem>>, vector<16xi32>,
        %parallel_loop3A_425 = arith.constant 1 : i32
        %parallel_loop3A_426 = arith.index_cast %parallel_loop3A_364 : i32 to index
        %parallel_loop3A_427 = arith.index_cast %parallel_loop3A_425 : i32 to index
        %parallel_loop3A_428 = arith.constant 64 : index
        %parallel_loop3A_429 = tpu.vector_load %arg12[%parallel_loop3A_426, %parallel_loop3A_427, %parallel_loop3A_428] {strides = array<i32>} : memref<25x2x128xi32, #tpu.memory_space<vmem>>, vector<16xi32>,
        tpu.vector_store_idx %arg7[%parallel_loop3A_424], %parallel_loop3A_419 {add = true} : memref<100352xf32, #tpu.memory_space<vmem>>[vector<16xi32>], vector<16xf32>,
        tpu.vector_store_idx %arg7[%parallel_loop3A_429], %parallel_loop3A_419 {add = true} : memref<100352xf32, #tpu.memory_space<vmem>>[vector<16xi32>], vector<16xf32>,
        %parallel_loop3A_430 = arith.index_cast %parallel_loop3A_364 : i32 to index
        %parallel_loop3A_431 = arith.constant 80 : index
        %parallel_loop3A_432 = tpu.vector_load %arg9[%parallel_loop3A_430, %parallel_loop3A_431] {strides = array<i32>} : memref<25x128xf32, #tpu.memory_space<vmem>>, vector<16xf32>,
        %parallel_loop3A_433 = arith.constant 0 : i32
        %parallel_loop3A_434 = arith.index_cast %parallel_loop3A_364 : i32 to index
        %parallel_loop3A_435 = arith.index_cast %parallel_loop3A_433 : i32 to index
        %parallel_loop3A_436 = arith.constant 80 : index
        %parallel_loop3A_437 = tpu.vector_load %arg12[%parallel_loop3A_434, %parallel_loop3A_435, %parallel_loop3A_436] {strides = array<i32>} : memref<25x2x128xi32, #tpu.memory_space<vmem>>, vector<16xi32>,
        %parallel_loop3A_438 = arith.constant 1 : i32
        %parallel_loop3A_439 = arith.index_cast %parallel_loop3A_364 : i32 to index
        %parallel_loop3A_440 = arith.index_cast %parallel_loop3A_438 : i32 to index
        %parallel_loop3A_441 = arith.constant 80 : index
        %parallel_loop3A_442 = tpu.vector_load %arg12[%parallel_loop3A_439, %parallel_loop3A_440, %parallel_loop3A_441] {strides = array<i32>} : memref<25x2x128xi32, #tpu.memory_space<vmem>>, vector<16xi32>,
        tpu.vector_store_idx %arg7[%parallel_loop3A_437], %parallel_loop3A_432 {add = true} : memref<100352xf32, #tpu.memory_space<vmem>>[vector<16xi32>], vector<16xf32>,
        tpu.vector_store_idx %arg7[%parallel_loop3A_442], %parallel_loop3A_432 {add = true} : memref<100352xf32, #tpu.memory_space<vmem>>[vector<16xi32>], vector<16xf32>,
        %parallel_loop3A_443 = arith.index_cast %parallel_loop3A_364 : i32 to index
        %parallel_loop3A_444 = arith.constant 96 : index
        %parallel_loop3A_445 = tpu.vector_load %arg9[%parallel_loop3A_443, %parallel_loop3A_444] {strides = array<i32>} : memref<25x128xf32, #tpu.memory_space<vmem>>, vector<16xf32>,
        %parallel_loop3A_446 = arith.constant 0 : i32
        %parallel_loop3A_447 = arith.index_cast %parallel_loop3A_364 : i32 to index
        %parallel_loop3A_448 = arith.index_cast %parallel_loop3A_446 : i32 to index
        %parallel_loop3A_449 = arith.constant 96 : index
        %parallel_loop3A_450 = tpu.vector_load %arg12[%parallel_loop3A_447, %parallel_loop3A_448, %parallel_loop3A_449] {strides = array<i32>} : memref<25x2x128xi32, #tpu.memory_space<vmem>>, vector<16xi32>,
        %parallel_loop3A_451 = arith.constant 1 : i32
        %parallel_loop3A_452 = arith.index_cast %parallel_loop3A_364 : i32 to index
        %parallel_loop3A_453 = arith.index_cast %parallel_loop3A_451 : i32 to index
        %parallel_loop3A_454 = arith.constant 96 : index
        %parallel_loop3A_455 = tpu.vector_load %arg12[%parallel_loop3A_452, %parallel_loop3A_453, %parallel_loop3A_454] {strides = array<i32>} : memref<25x2x128xi32, #tpu.memory_space<vmem>>, vector<16xi32>,
        tpu.vector_store_idx %arg7[%parallel_loop3A_450], %parallel_loop3A_445 {add = true} : memref<100352xf32, #tpu.memory_space<vmem>>[vector<16xi32>], vector<16xf32>,
        tpu.vector_store_idx %arg7[%parallel_loop3A_455], %parallel_loop3A_445 {add = true} : memref<100352xf32, #tpu.memory_space<vmem>>[vector<16xi32>], vector<16xf32>,
        %parallel_loop3A_456 = arith.index_cast %parallel_loop3A_364 : i32 to index
        %parallel_loop3A_457 = arith.constant 112 : index
        %parallel_loop3A_458 = tpu.vector_load %arg9[%parallel_loop3A_456, %parallel_loop3A_457] {strides = array<i32>} : memref<25x128xf32, #tpu.memory_space<vmem>>, vector<16xf32>,
        %parallel_loop3A_459 = arith.constant 0 : i32
        %parallel_loop3A_460 = arith.index_cast %parallel_loop3A_364 : i32 to index
        %parallel_loop3A_461 = arith.index_cast %parallel_loop3A_459 : i32 to index
        %parallel_loop3A_462 = arith.constant 112 : index
        %parallel_loop3A_463 = tpu.vector_load %arg12[%parallel_loop3A_460, %parallel_loop3A_461, %parallel_loop3A_462] {strides = array<i32>} : memref<25x2x128xi32, #tpu.memory_space<vmem>>, vector<16xi32>,
        %parallel_loop3A_464 = arith.constant 1 : i32
        %parallel_loop3A_465 = arith.index_cast %parallel_loop3A_364 : i32 to index
        %parallel_loop3A_466 = arith.index_cast %parallel_loop3A_464 : i32 to index
        %parallel_loop3A_467 = arith.constant 112 : index
        %parallel_loop3A_468 = tpu.vector_load %arg12[%parallel_loop3A_465, %parallel_loop3A_466, %parallel_loop3A_467] {strides = array<i32>} : memref<25x2x128xi32, #tpu.memory_space<vmem>>, vector<16xi32>,
        tpu.vector_store_idx %arg7[%parallel_loop3A_463], %parallel_loop3A_458 {add = true} : memref<100352xf32, #tpu.memory_space<vmem>>[vector<16xi32>], vector<16xf32>,
        tpu.vector_store_idx %arg7[%parallel_loop3A_468], %parallel_loop3A_458 {add = true} : memref<100352xf32, #tpu.memory_space<vmem>>[vector<16xi32>], vector<16xf32>,
      } {sc.loop_unroll_factor = 5 : i64, sc.parallel_access}
      %mul3A_303 = arith.constant 3 : i32
      %mul3A_304 = arith.muli %mul3A_303, %scan3A_181 : i32
      %add3A_305 = arith.constant 2 : i32
      %add3A_306 = arith.addi %mul3A_304, %add3A_305 : i32
      %dma_wait3A_307 = arith.constant 0 : i32
      %dma_wait3A_308 = arith.constant 0 : i32
      %dma_wait3A_309 = arith.constant 0 : i32
      %dma_wait3A_310 = arith.constant 0 : i32
      %dma_wait3A_311 = tpu.memref_slice %arg2[%dma_wait3A_307, %dma_wait3A_309, %dma_wait3A_308, %dma_wait3A_310] : memref<2x25000x8x128xf32, #tpu.memory_space<hbm>> -> memref<1x25x1x128xf32, #tpu.memory_space<hbm>>
      %dma_wait3A_312 = tpu.memref_squeeze %dma_wait3A_311 : memref<1x25x1x128xf32, #tpu.memory_space<hbm>> -> memref<25x128xf32, #tpu.memory_space<hbm>>
      %dma_wait3A_313 = arith.constant 0 : i32
      %dma_wait3A_314 = arith.constant 0 : i32
      %dma_wait3A_315 = tpu.memref_slice %arg2[%dma_wait3A_307, %dma_wait3A_313, %dma_wait3A_308, %dma_wait3A_314] : memref<2x25000x8x128xf32, #tpu.memory_space<hbm>> -> memref<1x25x1x128xf32, #tpu.memory_space<hbm>>
      %dma_wait3A_316 = tpu.memref_squeeze %dma_wait3A_315 : memref<1x25x1x128xf32, #tpu.memory_space<hbm>> -> memref<25x128xf32, #tpu.memory_space<hbm>>
      tpu.wait_dma2 semaphore(%arg16 : memref<!tpu.dma_semaphore, #tpu.memory_space<semaphore_mem>>) src(%dma_wait3A_316 : memref<25x128xf32, #tpu.memory_space<hbm>>) dst(%arg10 : memref<25x128xf32, #tpu.memory_space<vmem>>)
      %dma_wait3A_317 = arith.constant 0 : i32
      %dma_wait3A_318 = arith.constant 0 : i32
      %dma_wait3A_319 = arith.constant 0 : i32
      %dma_wait3A_320 = tpu.memref_slice %arg3[%dma_wait3A_317, %dma_wait3A_318, %dma_wait3A_319] : memref<25000x2x128xi32, #tpu.memory_space<hbm>> -> memref<25x2x128xi32, #tpu.memory_space<hbm>>
      %dma_wait3A_321 = arith.constant 0 : i32
      %dma_wait3A_322 = arith.constant 0 : i32
      %dma_wait3A_323 = arith.constant 0 : i32
      %dma_wait3A_324 = tpu.memref_slice %arg3[%dma_wait3A_321, %dma_wait3A_322, %dma_wait3A_323] : memref<25000x2x128xi32, #tpu.memory_space<hbm>> -> memref<25x2x128xi32, #tpu.memory_space<hbm>>
      tpu.wait_dma2 semaphore(%arg16 : memref<!tpu.dma_semaphore, #tpu.memory_space<semaphore_mem>>) src(%dma_wait3A_324 : memref<25x2x128xi32, #tpu.memory_space<hbm>>) dst(%arg13 : memref<25x2x128xi32, #tpu.memory_space<vmem>>)
      %mul3A_325 = arith.constant 25 : i32
      %mul3A_326 = arith.muli %add3A_306, %mul3A_325 : i32
      %add3A_327 = arith.addi %mul3A_35, %mul3A_326 : i32
      %dma_start3A_328 = arith.constant 0 : i32
      %dma_start3A_329 = tpu.memref_slice %arg5[%select_n3A, %add3A_327, %select_n3A_28, %dma_start3A_328] : memref<2x25000x8x128xf32, #tpu.memory_space<hbm>> -> memref<1x25x1x128xf32, #tpu.memory_space<hbm>>
      %dma_start3A_330 = tpu.memref_squeeze %dma_start3A_329 : memref<1x25x1x128xf32, #tpu.memory_space<hbm>> -> memref<25x128xf32, #tpu.memory_space<hbm>>
      %dma_start3A_331 = arith.constant 0 : i32
      %dma_start3A_332 = tpu.memref_slice %arg5[%select_n3A, %add3A_327, %select_n3A_28, %dma_start3A_331] : memref<2x25000x8x128xf32, #tpu.memory_space<hbm>> -> memref<1x25x1x128xf32, #tpu.memory_space<hbm>>
      %dma_start3A_333 = tpu.memref_squeeze %dma_start3A_332 : memref<1x25x1x128xf32, #tpu.memory_space<hbm>> -> memref<25x128xf32, #tpu.memory_space<hbm>>
      tpu.enqueue_dma source(%arg10 : memref<25x128xf32, #tpu.memory_space<vmem>>) target(%dma_start3A_333 : memref<25x128xf32, #tpu.memory_space<hbm>>) target_semaphore(%arg19 : memref<!tpu.dma_semaphore, #tpu.memory_space<semaphore_mem>>)
      %eq3A_334 = arith.constant 0 : i32
      %eq3A_335 = arith.cmpi eq, %arg1, %eq3A_334 : i32
      %convert_element_type3A_336 = arith.extui %eq3A_335 : i1 to i32
      %cond3A_337 = arith.constant 0 : i32
      %cond3A_338 = arith.cmpi ne, %convert_element_type3A_336, %cond3A_337 : i32
      scf.if %cond3A_338 {
        %dma_start3A_364 = arith.constant 0 : i32
        %dma_start3A_365 = arith.constant 0 : i32
        %dma_start3A_366 = tpu.memref_slice %arg6[%add3A_327, %dma_start3A_364, %dma_start3A_365] : memref<25000x2x128xi32, #tpu.memory_space<hbm>> -> memref<25x2x128xi32, #tpu.memory_space<hbm>>
        %dma_start3A_367 = arith.constant 0 : i32
        %dma_start3A_368 = arith.constant 0 : i32
        %dma_start3A_369 = tpu.memref_slice %arg6[%add3A_327, %dma_start3A_367, %dma_start3A_368] : memref<25000x2x128xi32, #tpu.memory_space<hbm>> -> memref<25x2x128xi32, #tpu.memory_space<hbm>>
        tpu.enqueue_dma source(%arg13 : memref<25x2x128xi32, #tpu.memory_space<vmem>>) target(%dma_start3A_369 : memref<25x2x128xi32, #tpu.memory_space<hbm>>) target_semaphore(%arg19 : memref<!tpu.dma_semaphore, #tpu.memory_space<semaphore_mem>>)
      } else {
      }
      %gt3A_339 = arith.constant 0 : i32
      %gt3A_340 = arith.cmpi sgt, %add3A_306, %gt3A_339 : i32
      %convert_element_type3A_341 = arith.extui %gt3A_340 : i1 to i32
      %cond3A_342 = arith.constant 0 : i32
      %cond3A_343 = arith.cmpi ne, %convert_element_type3A_341, %cond3A_342 : i32
      scf.if %cond3A_343 {
        %dma_wait3A_364 = arith.constant 0 : i32
        %dma_wait3A_365 = arith.constant 0 : i32
        %dma_wait3A_366 = arith.constant 0 : i32
        %dma_wait3A_367 = arith.constant 0 : i32
        %dma_wait3A_368 = tpu.memref_slice %arg5[%dma_wait3A_364, %dma_wait3A_366, %dma_wait3A_365, %dma_wait3A_367] : memref<2x25000x8x128xf32, #tpu.memory_space<hbm>> -> memref<1x25x1x128xf32, #tpu.memory_space<hbm>>
        %dma_wait3A_369 = tpu.memref_squeeze %dma_wait3A_368 : memref<1x25x1x128xf32, #tpu.memory_space<hbm>> -> memref<25x128xf32, #tpu.memory_space<hbm>>
        %dma_wait3A_370 = arith.constant 0 : i32
        %dma_wait3A_371 = arith.constant 0 : i32
        %dma_wait3A_372 = tpu.memref_slice %arg5[%dma_wait3A_364, %dma_wait3A_370, %dma_wait3A_365, %dma_wait3A_371] : memref<2x25000x8x128xf32, #tpu.memory_space<hbm>> -> memref<1x25x1x128xf32, #tpu.memory_space<hbm>>
        %dma_wait3A_373 = tpu.memref_squeeze %dma_wait3A_372 : memref<1x25x1x128xf32, #tpu.memory_space<hbm>> -> memref<25x128xf32, #tpu.memory_space<hbm>>
        tpu.wait_dma2 semaphore(%arg18 : memref<!tpu.dma_semaphore, #tpu.memory_space<semaphore_mem>>) src(%arg9 : memref<25x128xf32, #tpu.memory_space<vmem>>) dst(%dma_wait3A_373 : memref<25x128xf32, #tpu.memory_space<hbm>>)
        %eq3A_374 = arith.constant 0 : i32
        %eq3A_375 = arith.cmpi eq, %arg1, %eq3A_374 : i32
        %convert_element_type3A_376 = arith.extui %eq3A_375 : i1 to i32
        %cond3A_377 = arith.constant 0 : i32
        %cond3A_378 = arith.cmpi ne, %convert_element_type3A_376, %cond3A_377 : i32
        scf.if %cond3A_378 {
          %dma_wait3A_379 = arith.constant 0 : i32
          %dma_wait3A_380 = arith.constant 0 : i32
          %dma_wait3A_381 = arith.constant 0 : i32
          %dma_wait3A_382 = tpu.memref_slice %arg6[%dma_wait3A_379, %dma_wait3A_380, %dma_wait3A_381] : memref<25000x2x128xi32, #tpu.memory_space<hbm>> -> memref<25x2x128xi32, #tpu.memory_space<hbm>>
          %dma_wait3A_383 = arith.constant 0 : i32
          %dma_wait3A_384 = arith.constant 0 : i32
          %dma_wait3A_385 = arith.constant 0 : i32
          %dma_wait3A_386 = tpu.memref_slice %arg6[%dma_wait3A_383, %dma_wait3A_384, %dma_wait3A_385] : memref<25000x2x128xi32, #tpu.memory_space<hbm>> -> memref<25x2x128xi32, #tpu.memory_space<hbm>>
          tpu.wait_dma2 semaphore(%arg18 : memref<!tpu.dma_semaphore, #tpu.memory_space<semaphore_mem>>) src(%arg12 : memref<25x2x128xi32, #tpu.memory_space<vmem>>) dst(%dma_wait3A_386 : memref<25x2x128xi32, #tpu.memory_space<hbm>>)
        } else {
        }
      } else {
      }
      %add3A_344 = arith.constant 2 : i32
      %add3A_345 = arith.addi %add3A_306, %add3A_344 : i32
      %mul3A_346 = arith.constant 25 : i32
      %mul3A_347 = arith.muli %add3A_345, %mul3A_346 : i32
      %add3A_348 = arith.addi %mul3A_35, %mul3A_347 : i32
      %dma_start3A_349 = arith.constant 0 : i32
      %dma_start3A_350 = tpu.memref_slice %arg2[%select_n3A, %add3A_348, %select_n3A_28, %dma_start3A_349] : memref<2x25000x8x128xf32, #tpu.memory_space<hbm>> -> memref<1x25x1x128xf32, #tpu.memory_space<hbm>>
      %dma_start3A_351 = tpu.memref_squeeze %dma_start3A_350 : memref<1x25x1x128xf32, #tpu.memory_space<hbm>> -> memref<25x128xf32, #tpu.memory_space<hbm>>
      %dma_start3A_352 = arith.constant 0 : i32
      %dma_start3A_353 = tpu.memref_slice %arg2[%select_n3A, %add3A_348, %select_n3A_28, %dma_start3A_352] : memref<2x25000x8x128xf32, #tpu.memory_space<hbm>> -> memref<1x25x1x128xf32, #tpu.memory_space<hbm>>
      %dma_start3A_354 = tpu.memref_squeeze %dma_start3A_353 : memref<1x25x1x128xf32, #tpu.memory_space<hbm>> -> memref<25x128xf32, #tpu.memory_space<hbm>>
      tpu.enqueue_dma source(%dma_start3A_354 : memref<25x128xf32, #tpu.memory_space<hbm>>) target(%arg9 : memref<25x128xf32, #tpu.memory_space<vmem>>) target_semaphore(%arg15 : memref<!tpu.dma_semaphore, #tpu.memory_space<semaphore_mem>>)
      %dma_start3A_355 = arith.constant 0 : i32
      %dma_start3A_356 = arith.constant 0 : i32
      %dma_start3A_357 = tpu.memref_slice %arg3[%add3A_348, %dma_start3A_355, %dma_start3A_356] : memref<25000x2x128xi32, #tpu.memory_space<hbm>> -> memref<25x2x128xi32, #tpu.memory_space<hbm>>
      %dma_start3A_358 = arith.constant 0 : i32
      %dma_start3A_359 = arith.constant 0 : i32
      %dma_start3A_360 = tpu.memref_slice %arg3[%add3A_348, %dma_start3A_358, %dma_start3A_359] : memref<25000x2x128xi32, #tpu.memory_space<hbm>> -> memref<25x2x128xi32, #tpu.memory_space<hbm>>
      tpu.enqueue_dma source(%dma_start3A_360 : memref<25x2x128xi32, #tpu.memory_space<hbm>>) target(%arg12 : memref<25x2x128xi32, #tpu.memory_space<vmem>>) target_semaphore(%arg15 : memref<!tpu.dma_semaphore, #tpu.memory_space<semaphore_mem>>)
      %parallel_loop3A_361 = arith.constant 0 : i32
      %parallel_loop3A_362 = arith.constant 25 : i32
      %parallel_loop3A_363 = arith.constant 1 : i32
      scf.for %parallel_loop3A_364 = %parallel_loop3A_361 to %parallel_loop3A_362 step %parallel_loop3A_363  : i32 {
        %parallel_loop3A_365 = arith.index_cast %parallel_loop3A_364 : i32 to index
        %parallel_loop3A_366 = arith.constant 0 : index
        %parallel_loop3A_367 = tpu.vector_load %arg10[%parallel_loop3A_365, %parallel_loop3A_366] {strides = array<i32>} : memref<25x128xf32, #tpu.memory_space<vmem>>, vector<16xf32>,
        %parallel_loop3A_368 = arith.constant 0 : i32
        %parallel_loop3A_369 = arith.index_cast %parallel_loop3A_364 : i32 to index
        %parallel_loop3A_370 = arith.index_cast %parallel_loop3A_368 : i32 to index
        %parallel_loop3A_371 = arith.constant 0 : index
        %parallel_loop3A_372 = tpu.vector_load %arg13[%parallel_loop3A_369, %parallel_loop3A_370, %parallel_loop3A_371] {strides = array<i32>} : memref<25x2x128xi32, #tpu.memory_space<vmem>>, vector<16xi32>,
        %parallel_loop3A_373 = arith.constant 1 : i32
        %parallel_loop3A_374 = arith.index_cast %parallel_loop3A_364 : i32 to index
        %parallel_loop3A_375 = arith.index_cast %parallel_loop3A_373 : i32 to index
        %parallel_loop3A_376 = arith.constant 0 : index
        %parallel_loop3A_377 = tpu.vector_load %arg13[%parallel_loop3A_374, %parallel_loop3A_375, %parallel_loop3A_376] {strides = array<i32>} : memref<25x2x128xi32, #tpu.memory_space<vmem>>, vector<16xi32>,
        tpu.vector_store_idx %arg7[%parallel_loop3A_372], %parallel_loop3A_367 {add = true} : memref<100352xf32, #tpu.memory_space<vmem>>[vector<16xi32>], vector<16xf32>,
        tpu.vector_store_idx %arg7[%parallel_loop3A_377], %parallel_loop3A_367 {add = true} : memref<100352xf32, #tpu.memory_space<vmem>>[vector<16xi32>], vector<16xf32>,
        %parallel_loop3A_378 = arith.index_cast %parallel_loop3A_364 : i32 to index
        %parallel_loop3A_379 = arith.constant 16 : index
        %parallel_loop3A_380 = tpu.vector_load %arg10[%parallel_loop3A_378, %parallel_loop3A_379] {strides = array<i32>} : memref<25x128xf32, #tpu.memory_space<vmem>>, vector<16xf32>,
        %parallel_loop3A_381 = arith.constant 0 : i32
        %parallel_loop3A_382 = arith.index_cast %parallel_loop3A_364 : i32 to index
        %parallel_loop3A_383 = arith.index_cast %parallel_loop3A_381 : i32 to index
        %parallel_loop3A_384 = arith.constant 16 : index
        %parallel_loop3A_385 = tpu.vector_load %arg13[%parallel_loop3A_382, %parallel_loop3A_383, %parallel_loop3A_384] {strides = array<i32>} : memref<25x2x128xi32, #tpu.memory_space<vmem>>, vector<16xi32>,
        %parallel_loop3A_386 = arith.constant 1 : i32
        %parallel_loop3A_387 = arith.index_cast %parallel_loop3A_364 : i32 to index
        %parallel_loop3A_388 = arith.index_cast %parallel_loop3A_386 : i32 to index
        %parallel_loop3A_389 = arith.constant 16 : index
        %parallel_loop3A_390 = tpu.vector_load %arg13[%parallel_loop3A_387, %parallel_loop3A_388, %parallel_loop3A_389] {strides = array<i32>} : memref<25x2x128xi32, #tpu.memory_space<vmem>>, vector<16xi32>,
        tpu.vector_store_idx %arg7[%parallel_loop3A_385], %parallel_loop3A_380 {add = true} : memref<100352xf32, #tpu.memory_space<vmem>>[vector<16xi32>], vector<16xf32>,
        tpu.vector_store_idx %arg7[%parallel_loop3A_390], %parallel_loop3A_380 {add = true} : memref<100352xf32, #tpu.memory_space<vmem>>[vector<16xi32>], vector<16xf32>,
        %parallel_loop3A_391 = arith.index_cast %parallel_loop3A_364 : i32 to index
        %parallel_loop3A_392 = arith.constant 32 : index
        %parallel_loop3A_393 = tpu.vector_load %arg10[%parallel_loop3A_391, %parallel_loop3A_392] {strides = array<i32>} : memref<25x128xf32, #tpu.memory_space<vmem>>, vector<16xf32>,
        %parallel_loop3A_394 = arith.constant 0 : i32
        %parallel_loop3A_395 = arith.index_cast %parallel_loop3A_364 : i32 to index
        %parallel_loop3A_396 = arith.index_cast %parallel_loop3A_394 : i32 to index
        %parallel_loop3A_397 = arith.constant 32 : index
        %parallel_loop3A_398 = tpu.vector_load %arg13[%parallel_loop3A_395, %parallel_loop3A_396, %parallel_loop3A_397] {strides = array<i32>} : memref<25x2x128xi32, #tpu.memory_space<vmem>>, vector<16xi32>,
        %parallel_loop3A_399 = arith.constant 1 : i32
        %parallel_loop3A_400 = arith.index_cast %parallel_loop3A_364 : i32 to index
        %parallel_loop3A_401 = arith.index_cast %parallel_loop3A_399 : i32 to index
        %parallel_loop3A_402 = arith.constant 32 : index
        %parallel_loop3A_403 = tpu.vector_load %arg13[%parallel_loop3A_400, %parallel_loop3A_401, %parallel_loop3A_402] {strides = array<i32>} : memref<25x2x128xi32, #tpu.memory_space<vmem>>, vector<16xi32>,
        tpu.vector_store_idx %arg7[%parallel_loop3A_398], %parallel_loop3A_393 {add = true} : memref<100352xf32, #tpu.memory_space<vmem>>[vector<16xi32>], vector<16xf32>,
        tpu.vector_store_idx %arg7[%parallel_loop3A_403], %parallel_loop3A_393 {add = true} : memref<100352xf32, #tpu.memory_space<vmem>>[vector<16xi32>], vector<16xf32>,
        %parallel_loop3A_404 = arith.index_cast %parallel_loop3A_364 : i32 to index
        %parallel_loop3A_405 = arith.constant 48 : index
        %parallel_loop3A_406 = tpu.vector_load %arg10[%parallel_loop3A_404, %parallel_loop3A_405] {strides = array<i32>} : memref<25x128xf32, #tpu.memory_space<vmem>>, vector<16xf32>,
        %parallel_loop3A_407 = arith.constant 0 : i32
        %parallel_loop3A_408 = arith.index_cast %parallel_loop3A_364 : i32 to index
        %parallel_loop3A_409 = arith.index_cast %parallel_loop3A_407 : i32 to index
        %parallel_loop3A_410 = arith.constant 48 : index
        %parallel_loop3A_411 = tpu.vector_load %arg13[%parallel_loop3A_408, %parallel_loop3A_409, %parallel_loop3A_410] {strides = array<i32>} : memref<25x2x128xi32, #tpu.memory_space<vmem>>, vector<16xi32>,
        %parallel_loop3A_412 = arith.constant 1 : i32
        %parallel_loop3A_413 = arith.index_cast %parallel_loop3A_364 : i32 to index
        %parallel_loop3A_414 = arith.index_cast %parallel_loop3A_412 : i32 to index
        %parallel_loop3A_415 = arith.constant 48 : index
        %parallel_loop3A_416 = tpu.vector_load %arg13[%parallel_loop3A_413, %parallel_loop3A_414, %parallel_loop3A_415] {strides = array<i32>} : memref<25x2x128xi32, #tpu.memory_space<vmem>>, vector<16xi32>,
        tpu.vector_store_idx %arg7[%parallel_loop3A_411], %parallel_loop3A_406 {add = true} : memref<100352xf32, #tpu.memory_space<vmem>>[vector<16xi32>], vector<16xf32>,
        tpu.vector_store_idx %arg7[%parallel_loop3A_416], %parallel_loop3A_406 {add = true} : memref<100352xf32, #tpu.memory_space<vmem>>[vector<16xi32>], vector<16xf32>,
        %parallel_loop3A_417 = arith.index_cast %parallel_loop3A_364 : i32 to index
        %parallel_loop3A_418 = arith.constant 64 : index
        %parallel_loop3A_419 = tpu.vector_load %arg10[%parallel_loop3A_417, %parallel_loop3A_418] {strides = array<i32>} : memref<25x128xf32, #tpu.memory_space<vmem>>, vector<16xf32>,
        %parallel_loop3A_420 = arith.constant 0 : i32
        %parallel_loop3A_421 = arith.index_cast %parallel_loop3A_364 : i32 to index
        %parallel_loop3A_422 = arith.index_cast %parallel_loop3A_420 : i32 to index
        %parallel_loop3A_423 = arith.constant 64 : index
        %parallel_loop3A_424 = tpu.vector_load %arg13[%parallel_loop3A_421, %parallel_loop3A_422, %parallel_loop3A_423] {strides = array<i32>} : memref<25x2x128xi32, #tpu.memory_space<vmem>>, vector<16xi32>,
        %parallel_loop3A_425 = arith.constant 1 : i32
        %parallel_loop3A_426 = arith.index_cast %parallel_loop3A_364 : i32 to index
        %parallel_loop3A_427 = arith.index_cast %parallel_loop3A_425 : i32 to index
        %parallel_loop3A_428 = arith.constant 64 : index
        %parallel_loop3A_429 = tpu.vector_load %arg13[%parallel_loop3A_426, %parallel_loop3A_427, %parallel_loop3A_428] {strides = array<i32>} : memref<25x2x128xi32, #tpu.memory_space<vmem>>, vector<16xi32>,
        tpu.vector_store_idx %arg7[%parallel_loop3A_424], %parallel_loop3A_419 {add = true} : memref<100352xf32, #tpu.memory_space<vmem>>[vector<16xi32>], vector<16xf32>,
        tpu.vector_store_idx %arg7[%parallel_loop3A_429], %parallel_loop3A_419 {add = true} : memref<100352xf32, #tpu.memory_space<vmem>>[vector<16xi32>], vector<16xf32>,
        %parallel_loop3A_430 = arith.index_cast %parallel_loop3A_364 : i32 to index
        %parallel_loop3A_431 = arith.constant 80 : index
        %parallel_loop3A_432 = tpu.vector_load %arg10[%parallel_loop3A_430, %parallel_loop3A_431] {strides = array<i32>} : memref<25x128xf32, #tpu.memory_space<vmem>>, vector<16xf32>,
        %parallel_loop3A_433 = arith.constant 0 : i32
        %parallel_loop3A_434 = arith.index_cast %parallel_loop3A_364 : i32 to index
        %parallel_loop3A_435 = arith.index_cast %parallel_loop3A_433 : i32 to index
        %parallel_loop3A_436 = arith.constant 80 : index
        %parallel_loop3A_437 = tpu.vector_load %arg13[%parallel_loop3A_434, %parallel_loop3A_435, %parallel_loop3A_436] {strides = array<i32>} : memref<25x2x128xi32, #tpu.memory_space<vmem>>, vector<16xi32>,
        %parallel_loop3A_438 = arith.constant 1 : i32
        %parallel_loop3A_439 = arith.index_cast %parallel_loop3A_364 : i32 to index
        %parallel_loop3A_440 = arith.index_cast %parallel_loop3A_438 : i32 to index
        %parallel_loop3A_441 = arith.constant 80 : index
        %parallel_loop3A_442 = tpu.vector_load %arg13[%parallel_loop3A_439, %parallel_loop3A_440, %parallel_loop3A_441] {strides = array<i32>} : memref<25x2x128xi32, #tpu.memory_space<vmem>>, vector<16xi32>,
        tpu.vector_store_idx %arg7[%parallel_loop3A_437], %parallel_loop3A_432 {add = true} : memref<100352xf32, #tpu.memory_space<vmem>>[vector<16xi32>], vector<16xf32>,
        tpu.vector_store_idx %arg7[%parallel_loop3A_442], %parallel_loop3A_432 {add = true} : memref<100352xf32, #tpu.memory_space<vmem>>[vector<16xi32>], vector<16xf32>,
        %parallel_loop3A_443 = arith.index_cast %parallel_loop3A_364 : i32 to index
        %parallel_loop3A_444 = arith.constant 96 : index
        %parallel_loop3A_445 = tpu.vector_load %arg10[%parallel_loop3A_443, %parallel_loop3A_444] {strides = array<i32>} : memref<25x128xf32, #tpu.memory_space<vmem>>, vector<16xf32>,
        %parallel_loop3A_446 = arith.constant 0 : i32
        %parallel_loop3A_447 = arith.index_cast %parallel_loop3A_364 : i32 to index
        %parallel_loop3A_448 = arith.index_cast %parallel_loop3A_446 : i32 to index
        %parallel_loop3A_449 = arith.constant 96 : index
        %parallel_loop3A_450 = tpu.vector_load %arg13[%parallel_loop3A_447, %parallel_loop3A_448, %parallel_loop3A_449] {strides = array<i32>} : memref<25x2x128xi32, #tpu.memory_space<vmem>>, vector<16xi32>,
        %parallel_loop3A_451 = arith.constant 1 : i32
        %parallel_loop3A_452 = arith.index_cast %parallel_loop3A_364 : i32 to index
        %parallel_loop3A_453 = arith.index_cast %parallel_loop3A_451 : i32 to index
        %parallel_loop3A_454 = arith.constant 96 : index
        %parallel_loop3A_455 = tpu.vector_load %arg13[%parallel_loop3A_452, %parallel_loop3A_453, %parallel_loop3A_454] {strides = array<i32>} : memref<25x2x128xi32, #tpu.memory_space<vmem>>, vector<16xi32>,
        tpu.vector_store_idx %arg7[%parallel_loop3A_450], %parallel_loop3A_445 {add = true} : memref<100352xf32, #tpu.memory_space<vmem>>[vector<16xi32>], vector<16xf32>,
        tpu.vector_store_idx %arg7[%parallel_loop3A_455], %parallel_loop3A_445 {add = true} : memref<100352xf32, #tpu.memory_space<vmem>>[vector<16xi32>], vector<16xf32>,
        %parallel_loop3A_456 = arith.index_cast %parallel_loop3A_364 : i32 to index
        %parallel_loop3A_457 = arith.constant 112 : index
        %parallel_loop3A_458 = tpu.vector_load %arg10[%parallel_loop3A_456, %parallel_loop3A_457] {strides = array<i32>} : memref<25x128xf32, #tpu.memory_space<vmem>>, vector<16xf32>,
        %parallel_loop3A_459 = arith.constant 0 : i32
        %parallel_loop3A_460 = arith.index_cast %parallel_loop3A_364 : i32 to index
        %parallel_loop3A_461 = arith.index_cast %parallel_loop3A_459 : i32 to index
        %parallel_loop3A_462 = arith.constant 112 : index
        %parallel_loop3A_463 = tpu.vector_load %arg13[%parallel_loop3A_460, %parallel_loop3A_461, %parallel_loop3A_462] {strides = array<i32>} : memref<25x2x128xi32, #tpu.memory_space<vmem>>, vector<16xi32>,
        %parallel_loop3A_464 = arith.constant 1 : i32
        %parallel_loop3A_465 = arith.index_cast %parallel_loop3A_364 : i32 to index
        %parallel_loop3A_466 = arith.index_cast %parallel_loop3A_464 : i32 to index
        %parallel_loop3A_467 = arith.constant 112 : index
        %parallel_loop3A_468 = tpu.vector_load %arg13[%parallel_loop3A_465, %parallel_loop3A_466, %parallel_loop3A_467] {strides = array<i32>} : memref<25x2x128xi32, #tpu.memory_space<vmem>>, vector<16xi32>,
        tpu.vector_store_idx %arg7[%parallel_loop3A_463], %parallel_loop3A_458 {add = true} : memref<100352xf32, #tpu.memory_space<vmem>>[vector<16xi32>], vector<16xf32>,
        tpu.vector_store_idx %arg7[%parallel_loop3A_468], %parallel_loop3A_458 {add = true} : memref<100352xf32, #tpu.memory_space<vmem>>[vector<16xi32>], vector<16xf32>,
      } {sc.loop_unroll_factor = 5 : i64, sc.parallel_access}
    }
    %scan3A_68 = arith.constant 166 : i32
    %dma_wait3A = arith.constant 0 : i32
    %dma_wait3A_69 = arith.constant 0 : i32
    %dma_wait3A_70 = arith.constant 0 : i32
    %dma_wait3A_71 = arith.constant 0 : i32
    %dma_wait3A_72 = tpu.memref_slice %arg2[%dma_wait3A, %dma_wait3A_70, %dma_wait3A_69, %dma_wait3A_71] : memref<2x25000x8x128xf32, #tpu.memory_space<hbm>> -> memref<1x25x1x128xf32, #tpu.memory_space<hbm>>
    %dma_wait3A_73 = tpu.memref_squeeze %dma_wait3A_72 : memref<1x25x1x128xf32, #tpu.memory_space<hbm>> -> memref<25x128xf32, #tpu.memory_space<hbm>>
    %dma_wait3A_74 = arith.constant 0 : i32
    %dma_wait3A_75 = arith.constant 0 : i32
    %dma_wait3A_76 = tpu.memref_slice %arg2[%dma_wait3A, %dma_wait3A_74, %dma_wait3A_69, %dma_wait3A_75] : memref<2x25000x8x128xf32, #tpu.memory_space<hbm>> -> memref<1x25x1x128xf32, #tpu.memory_space<hbm>>
    %dma_wait3A_77 = tpu.memref_squeeze %dma_wait3A_76 : memref<1x25x1x128xf32, #tpu.memory_space<hbm>> -> memref<25x128xf32, #tpu.memory_space<hbm>>
    tpu.wait_dma2 semaphore(%arg14 : memref<!tpu.dma_semaphore, #tpu.memory_space<semaphore_mem>>) src(%dma_wait3A_77 : memref<25x128xf32, #tpu.memory_space<hbm>>) dst(%arg8 : memref<25x128xf32, #tpu.memory_space<vmem>>)
    %dma_wait3A_78 = arith.constant 0 : i32
    %dma_wait3A_79 = arith.constant 0 : i32
    %dma_wait3A_80 = arith.constant 0 : i32
    %dma_wait3A_81 = tpu.memref_slice %arg3[%dma_wait3A_78, %dma_wait3A_79, %dma_wait3A_80] : memref<25000x2x128xi32, #tpu.memory_space<hbm>> -> memref<25x2x128xi32, #tpu.memory_space<hbm>>
    %dma_wait3A_82 = arith.constant 0 : i32
    %dma_wait3A_83 = arith.constant 0 : i32
    %dma_wait3A_84 = arith.constant 0 : i32
    %dma_wait3A_85 = tpu.memref_slice %arg3[%dma_wait3A_82, %dma_wait3A_83, %dma_wait3A_84] : memref<25000x2x128xi32, #tpu.memory_space<hbm>> -> memref<25x2x128xi32, #tpu.memory_space<hbm>>
    tpu.wait_dma2 semaphore(%arg14 : memref<!tpu.dma_semaphore, #tpu.memory_space<semaphore_mem>>) src(%dma_wait3A_85 : memref<25x2x128xi32, #tpu.memory_space<hbm>>) dst(%arg11 : memref<25x2x128xi32, #tpu.memory_space<vmem>>)
    %add3A_86 = arith.constant 12450 : i32
    %add3A_87 = arith.addi %mul3A_35, %add3A_86 : i32
    %dma_start3A_88 = arith.constant 0 : i32
    %dma_start3A_89 = tpu.memref_slice %arg5[%select_n3A, %add3A_87, %select_n3A_28, %dma_start3A_88] : memref<2x25000x8x128xf32, #tpu.memory_space<hbm>> -> memref<1x25x1x128xf32, #tpu.memory_space<hbm>>
    %dma_start3A_90 = tpu.memref_squeeze %dma_start3A_89 : memref<1x25x1x128xf32, #tpu.memory_space<hbm>> -> memref<25x128xf32, #tpu.memory_space<hbm>>
    %dma_start3A_91 = arith.constant 0 : i32
    %dma_start3A_92 = tpu.memref_slice %arg5[%select_n3A, %add3A_87, %select_n3A_28, %dma_start3A_91] : memref<2x25000x8x128xf32, #tpu.memory_space<hbm>> -> memref<1x25x1x128xf32, #tpu.memory_space<hbm>>
    %dma_start3A_93 = tpu.memref_squeeze %dma_start3A_92 : memref<1x25x1x128xf32, #tpu.memory_space<hbm>> -> memref<25x128xf32, #tpu.memory_space<hbm>>
    tpu.enqueue_dma source(%arg8 : memref<25x128xf32, #tpu.memory_space<vmem>>) target(%dma_start3A_93 : memref<25x128xf32, #tpu.memory_space<hbm>>) target_semaphore(%arg17 : memref<!tpu.dma_semaphore, #tpu.memory_space<semaphore_mem>>)
    %eq3A_94 = arith.constant 0 : i32
    %eq3A_95 = arith.cmpi eq, %arg1, %eq3A_94 : i32
    %convert_element_type3A = arith.extui %eq3A_95 : i1 to i32
    %cond3A = arith.constant 0 : i32
    %cond3A_96 = arith.cmpi ne, %convert_element_type3A, %cond3A : i32
    scf.if %cond3A_96 {
      %dma_start3A_181 = arith.constant 0 : i32
      %dma_start3A_182 = arith.constant 0 : i32
      %dma_start3A_183 = tpu.memref_slice %arg6[%add3A_87, %dma_start3A_181, %dma_start3A_182] : memref<25000x2x128xi32, #tpu.memory_space<hbm>> -> memref<25x2x128xi32, #tpu.memory_space<hbm>>
      %dma_start3A_184 = arith.constant 0 : i32
      %dma_start3A_185 = arith.constant 0 : i32
      %dma_start3A_186 = tpu.memref_slice %arg6[%add3A_87, %dma_start3A_184, %dma_start3A_185] : memref<25000x2x128xi32, #tpu.memory_space<hbm>> -> memref<25x2x128xi32, #tpu.memory_space<hbm>>
      tpu.enqueue_dma source(%arg11 : memref<25x2x128xi32, #tpu.memory_space<vmem>>) target(%dma_start3A_186 : memref<25x2x128xi32, #tpu.memory_space<hbm>>) target_semaphore(%arg17 : memref<!tpu.dma_semaphore, #tpu.memory_space<semaphore_mem>>)
    } else {
    }
    %dma_wait3A_97 = arith.constant 0 : i32
    %dma_wait3A_98 = arith.constant 0 : i32
    %dma_wait3A_99 = arith.constant 0 : i32
    %dma_wait3A_100 = arith.constant 0 : i32
    %dma_wait3A_101 = tpu.memref_slice %arg5[%dma_wait3A_97, %dma_wait3A_99, %dma_wait3A_98, %dma_wait3A_100] : memref<2x25000x8x128xf32, #tpu.memory_space<hbm>> -> memref<1x25x1x128xf32, #tpu.memory_space<hbm>>
    %dma_wait3A_102 = tpu.memref_squeeze %dma_wait3A_101 : memref<1x25x1x128xf32, #tpu.memory_space<hbm>> -> memref<25x128xf32, #tpu.memory_space<hbm>>
    %dma_wait3A_103 = arith.constant 0 : i32
    %dma_wait3A_104 = arith.constant 0 : i32
    %dma_wait3A_105 = tpu.memref_slice %arg5[%dma_wait3A_97, %dma_wait3A_103, %dma_wait3A_98, %dma_wait3A_104] : memref<2x25000x8x128xf32, #tpu.memory_space<hbm>> -> memref<1x25x1x128xf32, #tpu.memory_space<hbm>>
    %dma_wait3A_106 = tpu.memref_squeeze %dma_wait3A_105 : memref<1x25x1x128xf32, #tpu.memory_space<hbm>> -> memref<25x128xf32, #tpu.memory_space<hbm>>
    tpu.wait_dma2 semaphore(%arg19 : memref<!tpu.dma_semaphore, #tpu.memory_space<semaphore_mem>>) src(%arg10 : memref<25x128xf32, #tpu.memory_space<vmem>>) dst(%dma_wait3A_106 : memref<25x128xf32, #tpu.memory_space<hbm>>)
    %eq3A_107 = arith.constant 0 : i32
    %eq3A_108 = arith.cmpi eq, %arg1, %eq3A_107 : i32
    %convert_element_type3A_109 = arith.extui %eq3A_108 : i1 to i32
    %cond3A_110 = arith.constant 0 : i32
    %cond3A_111 = arith.cmpi ne, %convert_element_type3A_109, %cond3A_110 : i32
    scf.if %cond3A_111 {
      %dma_wait3A_181 = arith.constant 0 : i32
      %dma_wait3A_182 = arith.constant 0 : i32
      %dma_wait3A_183 = arith.constant 0 : i32
      %dma_wait3A_184 = tpu.memref_slice %arg6[%dma_wait3A_181, %dma_wait3A_182, %dma_wait3A_183] : memref<25000x2x128xi32, #tpu.memory_space<hbm>> -> memref<25x2x128xi32, #tpu.memory_space<hbm>>
      %dma_wait3A_185 = arith.constant 0 : i32
      %dma_wait3A_186 = arith.constant 0 : i32
      %dma_wait3A_187 = arith.constant 0 : i32
      %dma_wait3A_188 = tpu.memref_slice %arg6[%dma_wait3A_185, %dma_wait3A_186, %dma_wait3A_187] : memref<25000x2x128xi32, #tpu.memory_space<hbm>> -> memref<25x2x128xi32, #tpu.memory_space<hbm>>
      tpu.wait_dma2 semaphore(%arg19 : memref<!tpu.dma_semaphore, #tpu.memory_space<semaphore_mem>>) src(%arg13 : memref<25x2x128xi32, #tpu.memory_space<vmem>>) dst(%dma_wait3A_188 : memref<25x2x128xi32, #tpu.memory_space<hbm>>)
    } else {
    }
    %parallel_loop3A = arith.constant 0 : i32
    %parallel_loop3A_112 = arith.constant 25 : i32
    %parallel_loop3A_113 = arith.constant 1 : i32
    scf.for %parallel_loop3A_181 = %parallel_loop3A to %parallel_loop3A_112 step %parallel_loop3A_113  : i32 {
      %parallel_loop3A_182 = arith.index_cast %parallel_loop3A_181 : i32 to index
      %parallel_loop3A_183 = arith.constant 0 : index
      %parallel_loop3A_184 = tpu.vector_load %arg8[%parallel_loop3A_182, %parallel_loop3A_183] {strides = array<i32>} : memref<25x128xf32, #tpu.memory_space<vmem>>, vector<16xf32>,
      %parallel_loop3A_185 = arith.constant 0 : i32
      %parallel_loop3A_186 = arith.index_cast %parallel_loop3A_181 : i32 to index
      %parallel_loop3A_187 = arith.index_cast %parallel_loop3A_185 : i32 to index
      %parallel_loop3A_188 = arith.constant 0 : index
      %parallel_loop3A_189 = tpu.vector_load %arg11[%parallel_loop3A_186, %parallel_loop3A_187, %parallel_loop3A_188] {strides = array<i32>} : memref<25x2x128xi32, #tpu.memory_space<vmem>>, vector<16xi32>,
      %parallel_loop3A_190 = arith.constant 1 : i32
      %parallel_loop3A_191 = arith.index_cast %parallel_loop3A_181 : i32 to index
      %parallel_loop3A_192 = arith.index_cast %parallel_loop3A_190 : i32 to index
      %parallel_loop3A_193 = arith.constant 0 : index
      %parallel_loop3A_194 = tpu.vector_load %arg11[%parallel_loop3A_191, %parallel_loop3A_192, %parallel_loop3A_193] {strides = array<i32>} : memref<25x2x128xi32, #tpu.memory_space<vmem>>, vector<16xi32>,
      tpu.vector_store_idx %arg7[%parallel_loop3A_189], %parallel_loop3A_184 {add = true} : memref<100352xf32, #tpu.memory_space<vmem>>[vector<16xi32>], vector<16xf32>,
      tpu.vector_store_idx %arg7[%parallel_loop3A_194], %parallel_loop3A_184 {add = true} : memref<100352xf32, #tpu.memory_space<vmem>>[vector<16xi32>], vector<16xf32>,
      %parallel_loop3A_195 = arith.index_cast %parallel_loop3A_181 : i32 to index
      %parallel_loop3A_196 = arith.constant 16 : index
      %parallel_loop3A_197 = tpu.vector_load %arg8[%parallel_loop3A_195, %parallel_loop3A_196] {strides = array<i32>} : memref<25x128xf32, #tpu.memory_space<vmem>>, vector<16xf32>,
      %parallel_loop3A_198 = arith.constant 0 : i32
      %parallel_loop3A_199 = arith.index_cast %parallel_loop3A_181 : i32 to index
      %parallel_loop3A_200 = arith.index_cast %parallel_loop3A_198 : i32 to index
      %parallel_loop3A_201 = arith.constant 16 : index
      %parallel_loop3A_202 = tpu.vector_load %arg11[%parallel_loop3A_199, %parallel_loop3A_200, %parallel_loop3A_201] {strides = array<i32>} : memref<25x2x128xi32, #tpu.memory_space<vmem>>, vector<16xi32>,
      %parallel_loop3A_203 = arith.constant 1 : i32
      %parallel_loop3A_204 = arith.index_cast %parallel_loop3A_181 : i32 to index
      %parallel_loop3A_205 = arith.index_cast %parallel_loop3A_203 : i32 to index
      %parallel_loop3A_206 = arith.constant 16 : index
      %parallel_loop3A_207 = tpu.vector_load %arg11[%parallel_loop3A_204, %parallel_loop3A_205, %parallel_loop3A_206] {strides = array<i32>} : memref<25x2x128xi32, #tpu.memory_space<vmem>>, vector<16xi32>,
      tpu.vector_store_idx %arg7[%parallel_loop3A_202], %parallel_loop3A_197 {add = true} : memref<100352xf32, #tpu.memory_space<vmem>>[vector<16xi32>], vector<16xf32>,
      tpu.vector_store_idx %arg7[%parallel_loop3A_207], %parallel_loop3A_197 {add = true} : memref<100352xf32, #tpu.memory_space<vmem>>[vector<16xi32>], vector<16xf32>,
      %parallel_loop3A_208 = arith.index_cast %parallel_loop3A_181 : i32 to index
      %parallel_loop3A_209 = arith.constant 32 : index
      %parallel_loop3A_210 = tpu.vector_load %arg8[%parallel_loop3A_208, %parallel_loop3A_209] {strides = array<i32>} : memref<25x128xf32, #tpu.memory_space<vmem>>, vector<16xf32>,
      %parallel_loop3A_211 = arith.constant 0 : i32
      %parallel_loop3A_212 = arith.index_cast %parallel_loop3A_181 : i32 to index
      %parallel_loop3A_213 = arith.index_cast %parallel_loop3A_211 : i32 to index
      %parallel_loop3A_214 = arith.constant 32 : index
      %parallel_loop3A_215 = tpu.vector_load %arg11[%parallel_loop3A_212, %parallel_loop3A_213, %parallel_loop3A_214] {strides = array<i32>} : memref<25x2x128xi32, #tpu.memory_space<vmem>>, vector<16xi32>,
      %parallel_loop3A_216 = arith.constant 1 : i32
      %parallel_loop3A_217 = arith.index_cast %parallel_loop3A_181 : i32 to index
      %parallel_loop3A_218 = arith.index_cast %parallel_loop3A_216 : i32 to index
      %parallel_loop3A_219 = arith.constant 32 : index
      %parallel_loop3A_220 = tpu.vector_load %arg11[%parallel_loop3A_217, %parallel_loop3A_218, %parallel_loop3A_219] {strides = array<i32>} : memref<25x2x128xi32, #tpu.memory_space<vmem>>, vector<16xi32>,
      tpu.vector_store_idx %arg7[%parallel_loop3A_215], %parallel_loop3A_210 {add = true} : memref<100352xf32, #tpu.memory_space<vmem>>[vector<16xi32>], vector<16xf32>,
      tpu.vector_store_idx %arg7[%parallel_loop3A_220], %parallel_loop3A_210 {add = true} : memref<100352xf32, #tpu.memory_space<vmem>>[vector<16xi32>], vector<16xf32>,
      %parallel_loop3A_221 = arith.index_cast %parallel_loop3A_181 : i32 to index
      %parallel_loop3A_222 = arith.constant 48 : index
      %parallel_loop3A_223 = tpu.vector_load %arg8[%parallel_loop3A_221, %parallel_loop3A_222] {strides = array<i32>} : memref<25x128xf32, #tpu.memory_space<vmem>>, vector<16xf32>,
      %parallel_loop3A_224 = arith.constant 0 : i32
      %parallel_loop3A_225 = arith.index_cast %parallel_loop3A_181 : i32 to index
      %parallel_loop3A_226 = arith.index_cast %parallel_loop3A_224 : i32 to index
      %parallel_loop3A_227 = arith.constant 48 : index
      %parallel_loop3A_228 = tpu.vector_load %arg11[%parallel_loop3A_225, %parallel_loop3A_226, %parallel_loop3A_227] {strides = array<i32>} : memref<25x2x128xi32, #tpu.memory_space<vmem>>, vector<16xi32>,
      %parallel_loop3A_229 = arith.constant 1 : i32
      %parallel_loop3A_230 = arith.index_cast %parallel_loop3A_181 : i32 to index
      %parallel_loop3A_231 = arith.index_cast %parallel_loop3A_229 : i32 to index
      %parallel_loop3A_232 = arith.constant 48 : index
      %parallel_loop3A_233 = tpu.vector_load %arg11[%parallel_loop3A_230, %parallel_loop3A_231, %parallel_loop3A_232] {strides = array<i32>} : memref<25x2x128xi32, #tpu.memory_space<vmem>>, vector<16xi32>,
      tpu.vector_store_idx %arg7[%parallel_loop3A_228], %parallel_loop3A_223 {add = true} : memref<100352xf32, #tpu.memory_space<vmem>>[vector<16xi32>], vector<16xf32>,
      tpu.vector_store_idx %arg7[%parallel_loop3A_233], %parallel_loop3A_223 {add = true} : memref<100352xf32, #tpu.memory_space<vmem>>[vector<16xi32>], vector<16xf32>,
      %parallel_loop3A_234 = arith.index_cast %parallel_loop3A_181 : i32 to index
      %parallel_loop3A_235 = arith.constant 64 : index
      %parallel_loop3A_236 = tpu.vector_load %arg8[%parallel_loop3A_234, %parallel_loop3A_235] {strides = array<i32>} : memref<25x128xf32, #tpu.memory_space<vmem>>, vector<16xf32>,
      %parallel_loop3A_237 = arith.constant 0 : i32
      %parallel_loop3A_238 = arith.index_cast %parallel_loop3A_181 : i32 to index
      %parallel_loop3A_239 = arith.index_cast %parallel_loop3A_237 : i32 to index
      %parallel_loop3A_240 = arith.constant 64 : index
      %parallel_loop3A_241 = tpu.vector_load %arg11[%parallel_loop3A_238, %parallel_loop3A_239, %parallel_loop3A_240] {strides = array<i32>} : memref<25x2x128xi32, #tpu.memory_space<vmem>>, vector<16xi32>,
      %parallel_loop3A_242 = arith.constant 1 : i32
      %parallel_loop3A_243 = arith.index_cast %parallel_loop3A_181 : i32 to index
      %parallel_loop3A_244 = arith.index_cast %parallel_loop3A_242 : i32 to index
      %parallel_loop3A_245 = arith.constant 64 : index
      %parallel_loop3A_246 = tpu.vector_load %arg11[%parallel_loop3A_243, %parallel_loop3A_244, %parallel_loop3A_245] {strides = array<i32>} : memref<25x2x128xi32, #tpu.memory_space<vmem>>, vector<16xi32>,
      tpu.vector_store_idx %arg7[%parallel_loop3A_241], %parallel_loop3A_236 {add = true} : memref<100352xf32, #tpu.memory_space<vmem>>[vector<16xi32>], vector<16xf32>,
      tpu.vector_store_idx %arg7[%parallel_loop3A_246], %parallel_loop3A_236 {add = true} : memref<100352xf32, #tpu.memory_space<vmem>>[vector<16xi32>], vector<16xf32>,
      %parallel_loop3A_247 = arith.index_cast %parallel_loop3A_181 : i32 to index
      %parallel_loop3A_248 = arith.constant 80 : index
      %parallel_loop3A_249 = tpu.vector_load %arg8[%parallel_loop3A_247, %parallel_loop3A_248] {strides = array<i32>} : memref<25x128xf32, #tpu.memory_space<vmem>>, vector<16xf32>,
      %parallel_loop3A_250 = arith.constant 0 : i32
      %parallel_loop3A_251 = arith.index_cast %parallel_loop3A_181 : i32 to index
      %parallel_loop3A_252 = arith.index_cast %parallel_loop3A_250 : i32 to index
      %parallel_loop3A_253 = arith.constant 80 : index
      %parallel_loop3A_254 = tpu.vector_load %arg11[%parallel_loop3A_251, %parallel_loop3A_252, %parallel_loop3A_253] {strides = array<i32>} : memref<25x2x128xi32, #tpu.memory_space<vmem>>, vector<16xi32>,
      %parallel_loop3A_255 = arith.constant 1 : i32
      %parallel_loop3A_256 = arith.index_cast %parallel_loop3A_181 : i32 to index
      %parallel_loop3A_257 = arith.index_cast %parallel_loop3A_255 : i32 to index
      %parallel_loop3A_258 = arith.constant 80 : index
      %parallel_loop3A_259 = tpu.vector_load %arg11[%parallel_loop3A_256, %parallel_loop3A_257, %parallel_loop3A_258] {strides = array<i32>} : memref<25x2x128xi32, #tpu.memory_space<vmem>>, vector<16xi32>,
      tpu.vector_store_idx %arg7[%parallel_loop3A_254], %parallel_loop3A_249 {add = true} : memref<100352xf32, #tpu.memory_space<vmem>>[vector<16xi32>], vector<16xf32>,
      tpu.vector_store_idx %arg7[%parallel_loop3A_259], %parallel_loop3A_249 {add = true} : memref<100352xf32, #tpu.memory_space<vmem>>[vector<16xi32>], vector<16xf32>,
      %parallel_loop3A_260 = arith.index_cast %parallel_loop3A_181 : i32 to index
      %parallel_loop3A_261 = arith.constant 96 : index
      %parallel_loop3A_262 = tpu.vector_load %arg8[%parallel_loop3A_260, %parallel_loop3A_261] {strides = array<i32>} : memref<25x128xf32, #tpu.memory_space<vmem>>, vector<16xf32>,
      %parallel_loop3A_263 = arith.constant 0 : i32
      %parallel_loop3A_264 = arith.index_cast %parallel_loop3A_181 : i32 to index
      %parallel_loop3A_265 = arith.index_cast %parallel_loop3A_263 : i32 to index
      %parallel_loop3A_266 = arith.constant 96 : index
      %parallel_loop3A_267 = tpu.vector_load %arg11[%parallel_loop3A_264, %parallel_loop3A_265, %parallel_loop3A_266] {strides = array<i32>} : memref<25x2x128xi32, #tpu.memory_space<vmem>>, vector<16xi32>,
      %parallel_loop3A_268 = arith.constant 1 : i32
      %parallel_loop3A_269 = arith.index_cast %parallel_loop3A_181 : i32 to index
      %parallel_loop3A_270 = arith.index_cast %parallel_loop3A_268 : i32 to index
      %parallel_loop3A_271 = arith.constant 96 : index
      %parallel_loop3A_272 = tpu.vector_load %arg11[%parallel_loop3A_269, %parallel_loop3A_270, %parallel_loop3A_271] {strides = array<i32>} : memref<25x2x128xi32, #tpu.memory_space<vmem>>, vector<16xi32>,
      tpu.vector_store_idx %arg7[%parallel_loop3A_267], %parallel_loop3A_262 {add = true} : memref<100352xf32, #tpu.memory_space<vmem>>[vector<16xi32>], vector<16xf32>,
      tpu.vector_store_idx %arg7[%parallel_loop3A_272], %parallel_loop3A_262 {add = true} : memref<100352xf32, #tpu.memory_space<vmem>>[vector<16xi32>], vector<16xf32>,
      %parallel_loop3A_273 = arith.index_cast %parallel_loop3A_181 : i32 to index
      %parallel_loop3A_274 = arith.constant 112 : index
      %parallel_loop3A_275 = tpu.vector_load %arg8[%parallel_loop3A_273, %parallel_loop3A_274] {strides = array<i32>} : memref<25x128xf32, #tpu.memory_space<vmem>>, vector<16xf32>,
      %parallel_loop3A_276 = arith.constant 0 : i32
      %parallel_loop3A_277 = arith.index_cast %parallel_loop3A_181 : i32 to index
      %parallel_loop3A_278 = arith.index_cast %parallel_loop3A_276 : i32 to index
      %parallel_loop3A_279 = arith.constant 112 : index
      %parallel_loop3A_280 = tpu.vector_load %arg11[%parallel_loop3A_277, %parallel_loop3A_278, %parallel_loop3A_279] {strides = array<i32>} : memref<25x2x128xi32, #tpu.memory_space<vmem>>, vector<16xi32>,
      %parallel_loop3A_281 = arith.constant 1 : i32
      %parallel_loop3A_282 = arith.index_cast %parallel_loop3A_181 : i32 to index
      %parallel_loop3A_283 = arith.index_cast %parallel_loop3A_281 : i32 to index
      %parallel_loop3A_284 = arith.constant 112 : index
      %parallel_loop3A_285 = tpu.vector_load %arg11[%parallel_loop3A_282, %parallel_loop3A_283, %parallel_loop3A_284] {strides = array<i32>} : memref<25x2x128xi32, #tpu.memory_space<vmem>>, vector<16xi32>,
      tpu.vector_store_idx %arg7[%parallel_loop3A_280], %parallel_loop3A_275 {add = true} : memref<100352xf32, #tpu.memory_space<vmem>>[vector<16xi32>], vector<16xf32>,
      tpu.vector_store_idx %arg7[%parallel_loop3A_285], %parallel_loop3A_275 {add = true} : memref<100352xf32, #tpu.memory_space<vmem>>[vector<16xi32>], vector<16xf32>,
    } {sc.loop_unroll_factor = 5 : i64, sc.parallel_access}
    %dma_wait3A_114 = arith.constant 0 : i32
    %dma_wait3A_115 = arith.constant 0 : i32
    %dma_wait3A_116 = arith.constant 0 : i32
    %dma_wait3A_117 = arith.constant 0 : i32
    %dma_wait3A_118 = tpu.memref_slice %arg2[%dma_wait3A_114, %dma_wait3A_116, %dma_wait3A_115, %dma_wait3A_117] : memref<2x25000x8x128xf32, #tpu.memory_space<hbm>> -> memref<1x25x1x128xf32, #tpu.memory_space<hbm>>
    %dma_wait3A_119 = tpu.memref_squeeze %dma_wait3A_118 : memref<1x25x1x128xf32, #tpu.memory_space<hbm>> -> memref<25x128xf32, #tpu.memory_space<hbm>>
    %dma_wait3A_120 = arith.constant 0 : i32
    %dma_wait3A_121 = arith.constant 0 : i32
    %dma_wait3A_122 = tpu.memref_slice %arg2[%dma_wait3A_114, %dma_wait3A_120, %dma_wait3A_115, %dma_wait3A_121] : memref<2x25000x8x128xf32, #tpu.memory_space<hbm>> -> memref<1x25x1x128xf32, #tpu.memory_space<hbm>>
    %dma_wait3A_123 = tpu.memref_squeeze %dma_wait3A_122 : memref<1x25x1x128xf32, #tpu.memory_space<hbm>> -> memref<25x128xf32, #tpu.memory_space<hbm>>
    tpu.wait_dma2 semaphore(%arg15 : memref<!tpu.dma_semaphore, #tpu.memory_space<semaphore_mem>>) src(%dma_wait3A_123 : memref<25x128xf32, #tpu.memory_space<hbm>>) dst(%arg9 : memref<25x128xf32, #tpu.memory_space<vmem>>)
    %dma_wait3A_124 = arith.constant 0 : i32
    %dma_wait3A_125 = arith.constant 0 : i32
    %dma_wait3A_126 = arith.constant 0 : i32
    %dma_wait3A_127 = tpu.memref_slice %arg3[%dma_wait3A_124, %dma_wait3A_125, %dma_wait3A_126] : memref<25000x2x128xi32, #tpu.memory_space<hbm>> -> memref<25x2x128xi32, #tpu.memory_space<hbm>>
    %dma_wait3A_128 = arith.constant 0 : i32
    %dma_wait3A_129 = arith.constant 0 : i32
    %dma_wait3A_130 = arith.constant 0 : i32
    %dma_wait3A_131 = tpu.memref_slice %arg3[%dma_wait3A_128, %dma_wait3A_129, %dma_wait3A_130] : memref<25000x2x128xi32, #tpu.memory_space<hbm>> -> memref<25x2x128xi32, #tpu.memory_space<hbm>>
    tpu.wait_dma2 semaphore(%arg15 : memref<!tpu.dma_semaphore, #tpu.memory_space<semaphore_mem>>) src(%dma_wait3A_131 : memref<25x2x128xi32, #tpu.memory_space<hbm>>) dst(%arg12 : memref<25x2x128xi32, #tpu.memory_space<vmem>>)
    %add3A_132 = arith.constant 12475 : i32
    %add3A_133 = arith.addi %mul3A_35, %add3A_132 : i32
    %dma_start3A_134 = arith.constant 0 : i32
    %dma_start3A_135 = tpu.memref_slice %arg5[%select_n3A, %add3A_133, %select_n3A_28, %dma_start3A_134] : memref<2x25000x8x128xf32, #tpu.memory_space<hbm>> -> memref<1x25x1x128xf32, #tpu.memory_space<hbm>>
    %dma_start3A_136 = tpu.memref_squeeze %dma_start3A_135 : memref<1x25x1x128xf32, #tpu.memory_space<hbm>> -> memref<25x128xf32, #tpu.memory_space<hbm>>
    %dma_start3A_137 = arith.constant 0 : i32
    %dma_start3A_138 = tpu.memref_slice %arg5[%select_n3A, %add3A_133, %select_n3A_28, %dma_start3A_137] : memref<2x25000x8x128xf32, #tpu.memory_space<hbm>> -> memref<1x25x1x128xf32, #tpu.memory_space<hbm>>
    %dma_start3A_139 = tpu.memref_squeeze %dma_start3A_138 : memref<1x25x1x128xf32, #tpu.memory_space<hbm>> -> memref<25x128xf32, #tpu.memory_space<hbm>>
    tpu.enqueue_dma source(%arg9 : memref<25x128xf32, #tpu.memory_space<vmem>>) target(%dma_start3A_139 : memref<25x128xf32, #tpu.memory_space<hbm>>) target_semaphore(%arg18 : memref<!tpu.dma_semaphore, #tpu.memory_space<semaphore_mem>>)
    %eq3A_140 = arith.constant 0 : i32
    %eq3A_141 = arith.cmpi eq, %arg1, %eq3A_140 : i32
    %convert_element_type3A_142 = arith.extui %eq3A_141 : i1 to i32
    %cond3A_143 = arith.constant 0 : i32
    %cond3A_144 = arith.cmpi ne, %convert_element_type3A_142, %cond3A_143 : i32
    scf.if %cond3A_144 {
      %dma_start3A_181 = arith.constant 0 : i32
      %dma_start3A_182 = arith.constant 0 : i32
      %dma_start3A_183 = tpu.memref_slice %arg6[%add3A_133, %dma_start3A_181, %dma_start3A_182] : memref<25000x2x128xi32, #tpu.memory_space<hbm>> -> memref<25x2x128xi32, #tpu.memory_space<hbm>>
      %dma_start3A_184 = arith.constant 0 : i32
      %dma_start3A_185 = arith.constant 0 : i32
      %dma_start3A_186 = tpu.memref_slice %arg6[%add3A_133, %dma_start3A_184, %dma_start3A_185] : memref<25000x2x128xi32, #tpu.memory_space<hbm>> -> memref<25x2x128xi32, #tpu.memory_space<hbm>>
      tpu.enqueue_dma source(%arg12 : memref<25x2x128xi32, #tpu.memory_space<vmem>>) target(%dma_start3A_186 : memref<25x2x128xi32, #tpu.memory_space<hbm>>) target_semaphore(%arg18 : memref<!tpu.dma_semaphore, #tpu.memory_space<semaphore_mem>>)
    } else {
    }
    %parallel_loop3A_145 = arith.constant 0 : i32
    %parallel_loop3A_146 = arith.constant 25 : i32
    %parallel_loop3A_147 = arith.constant 1 : i32
    scf.for %parallel_loop3A_181 = %parallel_loop3A_145 to %parallel_loop3A_146 step %parallel_loop3A_147  : i32 {
      %parallel_loop3A_182 = arith.index_cast %parallel_loop3A_181 : i32 to index
      %parallel_loop3A_183 = arith.constant 0 : index
      %parallel_loop3A_184 = tpu.vector_load %arg9[%parallel_loop3A_182, %parallel_loop3A_183] {strides = array<i32>} : memref<25x128xf32, #tpu.memory_space<vmem>>, vector<16xf32>,
      %parallel_loop3A_185 = arith.constant 0 : i32
      %parallel_loop3A_186 = arith.index_cast %parallel_loop3A_181 : i32 to index
      %parallel_loop3A_187 = arith.index_cast %parallel_loop3A_185 : i32 to index
      %parallel_loop3A_188 = arith.constant 0 : index
      %parallel_loop3A_189 = tpu.vector_load %arg12[%parallel_loop3A_186, %parallel_loop3A_187, %parallel_loop3A_188] {strides = array<i32>} : memref<25x2x128xi32, #tpu.memory_space<vmem>>, vector<16xi32>,
      %parallel_loop3A_190 = arith.constant 1 : i32
      %parallel_loop3A_191 = arith.index_cast %parallel_loop3A_181 : i32 to index
      %parallel_loop3A_192 = arith.index_cast %parallel_loop3A_190 : i32 to index
      %parallel_loop3A_193 = arith.constant 0 : index
      %parallel_loop3A_194 = tpu.vector_load %arg12[%parallel_loop3A_191, %parallel_loop3A_192, %parallel_loop3A_193] {strides = array<i32>} : memref<25x2x128xi32, #tpu.memory_space<vmem>>, vector<16xi32>,
      tpu.vector_store_idx %arg7[%parallel_loop3A_189], %parallel_loop3A_184 {add = true} : memref<100352xf32, #tpu.memory_space<vmem>>[vector<16xi32>], vector<16xf32>,
      tpu.vector_store_idx %arg7[%parallel_loop3A_194], %parallel_loop3A_184 {add = true} : memref<100352xf32, #tpu.memory_space<vmem>>[vector<16xi32>], vector<16xf32>,
      %parallel_loop3A_195 = arith.index_cast %parallel_loop3A_181 : i32 to index
      %parallel_loop3A_196 = arith.constant 16 : index
      %parallel_loop3A_197 = tpu.vector_load %arg9[%parallel_loop3A_195, %parallel_loop3A_196] {strides = array<i32>} : memref<25x128xf32, #tpu.memory_space<vmem>>, vector<16xf32>,
      %parallel_loop3A_198 = arith.constant 0 : i32
      %parallel_loop3A_199 = arith.index_cast %parallel_loop3A_181 : i32 to index
      %parallel_loop3A_200 = arith.index_cast %parallel_loop3A_198 : i32 to index
      %parallel_loop3A_201 = arith.constant 16 : index
      %parallel_loop3A_202 = tpu.vector_load %arg12[%parallel_loop3A_199, %parallel_loop3A_200, %parallel_loop3A_201] {strides = array<i32>} : memref<25x2x128xi32, #tpu.memory_space<vmem>>, vector<16xi32>,
      %parallel_loop3A_203 = arith.constant 1 : i32
      %parallel_loop3A_204 = arith.index_cast %parallel_loop3A_181 : i32 to index
      %parallel_loop3A_205 = arith.index_cast %parallel_loop3A_203 : i32 to index
      %parallel_loop3A_206 = arith.constant 16 : index
      %parallel_loop3A_207 = tpu.vector_load %arg12[%parallel_loop3A_204, %parallel_loop3A_205, %parallel_loop3A_206] {strides = array<i32>} : memref<25x2x128xi32, #tpu.memory_space<vmem>>, vector<16xi32>,
      tpu.vector_store_idx %arg7[%parallel_loop3A_202], %parallel_loop3A_197 {add = true} : memref<100352xf32, #tpu.memory_space<vmem>>[vector<16xi32>], vector<16xf32>,
      tpu.vector_store_idx %arg7[%parallel_loop3A_207], %parallel_loop3A_197 {add = true} : memref<100352xf32, #tpu.memory_space<vmem>>[vector<16xi32>], vector<16xf32>,
      %parallel_loop3A_208 = arith.index_cast %parallel_loop3A_181 : i32 to index
      %parallel_loop3A_209 = arith.constant 32 : index
      %parallel_loop3A_210 = tpu.vector_load %arg9[%parallel_loop3A_208, %parallel_loop3A_209] {strides = array<i32>} : memref<25x128xf32, #tpu.memory_space<vmem>>, vector<16xf32>,
      %parallel_loop3A_211 = arith.constant 0 : i32
      %parallel_loop3A_212 = arith.index_cast %parallel_loop3A_181 : i32 to index
      %parallel_loop3A_213 = arith.index_cast %parallel_loop3A_211 : i32 to index
      %parallel_loop3A_214 = arith.constant 32 : index
      %parallel_loop3A_215 = tpu.vector_load %arg12[%parallel_loop3A_212, %parallel_loop3A_213, %parallel_loop3A_214] {strides = array<i32>} : memref<25x2x128xi32, #tpu.memory_space<vmem>>, vector<16xi32>,
      %parallel_loop3A_216 = arith.constant 1 : i32
      %parallel_loop3A_217 = arith.index_cast %parallel_loop3A_181 : i32 to index
      %parallel_loop3A_218 = arith.index_cast %parallel_loop3A_216 : i32 to index
      %parallel_loop3A_219 = arith.constant 32 : index
      %parallel_loop3A_220 = tpu.vector_load %arg12[%parallel_loop3A_217, %parallel_loop3A_218, %parallel_loop3A_219] {strides = array<i32>} : memref<25x2x128xi32, #tpu.memory_space<vmem>>, vector<16xi32>,
      tpu.vector_store_idx %arg7[%parallel_loop3A_215], %parallel_loop3A_210 {add = true} : memref<100352xf32, #tpu.memory_space<vmem>>[vector<16xi32>], vector<16xf32>,
      tpu.vector_store_idx %arg7[%parallel_loop3A_220], %parallel_loop3A_210 {add = true} : memref<100352xf32, #tpu.memory_space<vmem>>[vector<16xi32>], vector<16xf32>,
      %parallel_loop3A_221 = arith.index_cast %parallel_loop3A_181 : i32 to index
      %parallel_loop3A_222 = arith.constant 48 : index
      %parallel_loop3A_223 = tpu.vector_load %arg9[%parallel_loop3A_221, %parallel_loop3A_222] {strides = array<i32>} : memref<25x128xf32, #tpu.memory_space<vmem>>, vector<16xf32>,
      %parallel_loop3A_224 = arith.constant 0 : i32
      %parallel_loop3A_225 = arith.index_cast %parallel_loop3A_181 : i32 to index
      %parallel_loop3A_226 = arith.index_cast %parallel_loop3A_224 : i32 to index
      %parallel_loop3A_227 = arith.constant 48 : index
      %parallel_loop3A_228 = tpu.vector_load %arg12[%parallel_loop3A_225, %parallel_loop3A_226, %parallel_loop3A_227] {strides = array<i32>} : memref<25x2x128xi32, #tpu.memory_space<vmem>>, vector<16xi32>,
      %parallel_loop3A_229 = arith.constant 1 : i32
      %parallel_loop3A_230 = arith.index_cast %parallel_loop3A_181 : i32 to index
      %parallel_loop3A_231 = arith.index_cast %parallel_loop3A_229 : i32 to index
      %parallel_loop3A_232 = arith.constant 48 : index
      %parallel_loop3A_233 = tpu.vector_load %arg12[%parallel_loop3A_230, %parallel_loop3A_231, %parallel_loop3A_232] {strides = array<i32>} : memref<25x2x128xi32, #tpu.memory_space<vmem>>, vector<16xi32>,
      tpu.vector_store_idx %arg7[%parallel_loop3A_228], %parallel_loop3A_223 {add = true} : memref<100352xf32, #tpu.memory_space<vmem>>[vector<16xi32>], vector<16xf32>,
      tpu.vector_store_idx %arg7[%parallel_loop3A_233], %parallel_loop3A_223 {add = true} : memref<100352xf32, #tpu.memory_space<vmem>>[vector<16xi32>], vector<16xf32>,
      %parallel_loop3A_234 = arith.index_cast %parallel_loop3A_181 : i32 to index
      %parallel_loop3A_235 = arith.constant 64 : index
      %parallel_loop3A_236 = tpu.vector_load %arg9[%parallel_loop3A_234, %parallel_loop3A_235] {strides = array<i32>} : memref<25x128xf32, #tpu.memory_space<vmem>>, vector<16xf32>,
      %parallel_loop3A_237 = arith.constant 0 : i32
      %parallel_loop3A_238 = arith.index_cast %parallel_loop3A_181 : i32 to index
      %parallel_loop3A_239 = arith.index_cast %parallel_loop3A_237 : i32 to index
      %parallel_loop3A_240 = arith.constant 64 : index
      %parallel_loop3A_241 = tpu.vector_load %arg12[%parallel_loop3A_238, %parallel_loop3A_239, %parallel_loop3A_240] {strides = array<i32>} : memref<25x2x128xi32, #tpu.memory_space<vmem>>, vector<16xi32>,
      %parallel_loop3A_242 = arith.constant 1 : i32
      %parallel_loop3A_243 = arith.index_cast %parallel_loop3A_181 : i32 to index
      %parallel_loop3A_244 = arith.index_cast %parallel_loop3A_242 : i32 to index
      %parallel_loop3A_245 = arith.constant 64 : index
      %parallel_loop3A_246 = tpu.vector_load %arg12[%parallel_loop3A_243, %parallel_loop3A_244, %parallel_loop3A_245] {strides = array<i32>} : memref<25x2x128xi32, #tpu.memory_space<vmem>>, vector<16xi32>,
      tpu.vector_store_idx %arg7[%parallel_loop3A_241], %parallel_loop3A_236 {add = true} : memref<100352xf32, #tpu.memory_space<vmem>>[vector<16xi32>], vector<16xf32>,
      tpu.vector_store_idx %arg7[%parallel_loop3A_246], %parallel_loop3A_236 {add = true} : memref<100352xf32, #tpu.memory_space<vmem>>[vector<16xi32>], vector<16xf32>,
      %parallel_loop3A_247 = arith.index_cast %parallel_loop3A_181 : i32 to index
      %parallel_loop3A_248 = arith.constant 80 : index
      %parallel_loop3A_249 = tpu.vector_load %arg9[%parallel_loop3A_247, %parallel_loop3A_248] {strides = array<i32>} : memref<25x128xf32, #tpu.memory_space<vmem>>, vector<16xf32>,
      %parallel_loop3A_250 = arith.constant 0 : i32
      %parallel_loop3A_251 = arith.index_cast %parallel_loop3A_181 : i32 to index
      %parallel_loop3A_252 = arith.index_cast %parallel_loop3A_250 : i32 to index
      %parallel_loop3A_253 = arith.constant 80 : index
      %parallel_loop3A_254 = tpu.vector_load %arg12[%parallel_loop3A_251, %parallel_loop3A_252, %parallel_loop3A_253] {strides = array<i32>} : memref<25x2x128xi32, #tpu.memory_space<vmem>>, vector<16xi32>,
      %parallel_loop3A_255 = arith.constant 1 : i32
      %parallel_loop3A_256 = arith.index_cast %parallel_loop3A_181 : i32 to index
      %parallel_loop3A_257 = arith.index_cast %parallel_loop3A_255 : i32 to index
      %parallel_loop3A_258 = arith.constant 80 : index
      %parallel_loop3A_259 = tpu.vector_load %arg12[%parallel_loop3A_256, %parallel_loop3A_257, %parallel_loop3A_258] {strides = array<i32>} : memref<25x2x128xi32, #tpu.memory_space<vmem>>, vector<16xi32>,
      tpu.vector_store_idx %arg7[%parallel_loop3A_254], %parallel_loop3A_249 {add = true} : memref<100352xf32, #tpu.memory_space<vmem>>[vector<16xi32>], vector<16xf32>,
      tpu.vector_store_idx %arg7[%parallel_loop3A_259], %parallel_loop3A_249 {add = true} : memref<100352xf32, #tpu.memory_space<vmem>>[vector<16xi32>], vector<16xf32>,
      %parallel_loop3A_260 = arith.index_cast %parallel_loop3A_181 : i32 to index
      %parallel_loop3A_261 = arith.constant 96 : index
      %parallel_loop3A_262 = tpu.vector_load %arg9[%parallel_loop3A_260, %parallel_loop3A_261] {strides = array<i32>} : memref<25x128xf32, #tpu.memory_space<vmem>>, vector<16xf32>,
      %parallel_loop3A_263 = arith.constant 0 : i32
      %parallel_loop3A_264 = arith.index_cast %parallel_loop3A_181 : i32 to index
      %parallel_loop3A_265 = arith.index_cast %parallel_loop3A_263 : i32 to index
      %parallel_loop3A_266 = arith.constant 96 : index
      %parallel_loop3A_267 = tpu.vector_load %arg12[%parallel_loop3A_264, %parallel_loop3A_265, %parallel_loop3A_266] {strides = array<i32>} : memref<25x2x128xi32, #tpu.memory_space<vmem>>, vector<16xi32>,
      %parallel_loop3A_268 = arith.constant 1 : i32
      %parallel_loop3A_269 = arith.index_cast %parallel_loop3A_181 : i32 to index
      %parallel_loop3A_270 = arith.index_cast %parallel_loop3A_268 : i32 to index
      %parallel_loop3A_271 = arith.constant 96 : index
      %parallel_loop3A_272 = tpu.vector_load %arg12[%parallel_loop3A_269, %parallel_loop3A_270, %parallel_loop3A_271] {strides = array<i32>} : memref<25x2x128xi32, #tpu.memory_space<vmem>>, vector<16xi32>,
      tpu.vector_store_idx %arg7[%parallel_loop3A_267], %parallel_loop3A_262 {add = true} : memref<100352xf32, #tpu.memory_space<vmem>>[vector<16xi32>], vector<16xf32>,
      tpu.vector_store_idx %arg7[%parallel_loop3A_272], %parallel_loop3A_262 {add = true} : memref<100352xf32, #tpu.memory_space<vmem>>[vector<16xi32>], vector<16xf32>,
      %parallel_loop3A_273 = arith.index_cast %parallel_loop3A_181 : i32 to index
      %parallel_loop3A_274 = arith.constant 112 : index
      %parallel_loop3A_275 = tpu.vector_load %arg9[%parallel_loop3A_273, %parallel_loop3A_274] {strides = array<i32>} : memref<25x128xf32, #tpu.memory_space<vmem>>, vector<16xf32>,
      %parallel_loop3A_276 = arith.constant 0 : i32
      %parallel_loop3A_277 = arith.index_cast %parallel_loop3A_181 : i32 to index
      %parallel_loop3A_278 = arith.index_cast %parallel_loop3A_276 : i32 to index
      %parallel_loop3A_279 = arith.constant 112 : index
      %parallel_loop3A_280 = tpu.vector_load %arg12[%parallel_loop3A_277, %parallel_loop3A_278, %parallel_loop3A_279] {strides = array<i32>} : memref<25x2x128xi32, #tpu.memory_space<vmem>>, vector<16xi32>,
      %parallel_loop3A_281 = arith.constant 1 : i32
      %parallel_loop3A_282 = arith.index_cast %parallel_loop3A_181 : i32 to index
      %parallel_loop3A_283 = arith.index_cast %parallel_loop3A_281 : i32 to index
      %parallel_loop3A_284 = arith.constant 112 : index
      %parallel_loop3A_285 = tpu.vector_load %arg12[%parallel_loop3A_282, %parallel_loop3A_283, %parallel_loop3A_284] {strides = array<i32>} : memref<25x2x128xi32, #tpu.memory_space<vmem>>, vector<16xi32>,
      tpu.vector_store_idx %arg7[%parallel_loop3A_280], %parallel_loop3A_275 {add = true} : memref<100352xf32, #tpu.memory_space<vmem>>[vector<16xi32>], vector<16xf32>,
      tpu.vector_store_idx %arg7[%parallel_loop3A_285], %parallel_loop3A_275 {add = true} : memref<100352xf32, #tpu.memory_space<vmem>>[vector<16xi32>], vector<16xf32>,
    } {sc.loop_unroll_factor = 5 : i64, sc.parallel_access}
    %dma_wait3A_148 = arith.constant 0 : i32
    %dma_wait3A_149 = arith.constant 0 : i32
    %dma_wait3A_150 = arith.constant 0 : i32
    %dma_wait3A_151 = arith.constant 0 : i32
    %dma_wait3A_152 = tpu.memref_slice %arg5[%dma_wait3A_148, %dma_wait3A_150, %dma_wait3A_149, %dma_wait3A_151] : memref<2x25000x8x128xf32, #tpu.memory_space<hbm>> -> memref<1x25x1x128xf32, #tpu.memory_space<hbm>>
    %dma_wait3A_153 = tpu.memref_squeeze %dma_wait3A_152 : memref<1x25x1x128xf32, #tpu.memory_space<hbm>> -> memref<25x128xf32, #tpu.memory_space<hbm>>
    %dma_wait3A_154 = arith.constant 0 : i32
    %dma_wait3A_155 = arith.constant 0 : i32
    %dma_wait3A_156 = tpu.memref_slice %arg5[%dma_wait3A_148, %dma_wait3A_154, %dma_wait3A_149, %dma_wait3A_155] : memref<2x25000x8x128xf32, #tpu.memory_space<hbm>> -> memref<1x25x1x128xf32, #tpu.memory_space<hbm>>
    %dma_wait3A_157 = tpu.memref_squeeze %dma_wait3A_156 : memref<1x25x1x128xf32, #tpu.memory_space<hbm>> -> memref<25x128xf32, #tpu.memory_space<hbm>>
    tpu.wait_dma2 semaphore(%arg17 : memref<!tpu.dma_semaphore, #tpu.memory_space<semaphore_mem>>) src(%arg8 : memref<25x128xf32, #tpu.memory_space<vmem>>) dst(%dma_wait3A_157 : memref<25x128xf32, #tpu.memory_space<hbm>>)
    %eq3A_158 = arith.constant 0 : i32
    %eq3A_159 = arith.cmpi eq, %arg1, %eq3A_158 : i32
    %convert_element_type3A_160 = arith.extui %eq3A_159 : i1 to i32
    %cond3A_161 = arith.constant 0 : i32
    %cond3A_162 = arith.cmpi ne, %convert_element_type3A_160, %cond3A_161 : i32
    scf.if %cond3A_162 {
      %dma_wait3A_181 = arith.constant 0 : i32
      %dma_wait3A_182 = arith.constant 0 : i32
      %dma_wait3A_183 = arith.constant 0 : i32
      %dma_wait3A_184 = tpu.memref_slice %arg6[%dma_wait3A_181, %dma_wait3A_182, %dma_wait3A_183] : memref<25000x2x128xi32, #tpu.memory_space<hbm>> -> memref<25x2x128xi32, #tpu.memory_space<hbm>>
      %dma_wait3A_185 = arith.constant 0 : i32
      %dma_wait3A_186 = arith.constant 0 : i32
      %dma_wait3A_187 = arith.constant 0 : i32
      %dma_wait3A_188 = tpu.memref_slice %arg6[%dma_wait3A_185, %dma_wait3A_186, %dma_wait3A_187] : memref<25000x2x128xi32, #tpu.memory_space<hbm>> -> memref<25x2x128xi32, #tpu.memory_space<hbm>>
      tpu.wait_dma2 semaphore(%arg17 : memref<!tpu.dma_semaphore, #tpu.memory_space<semaphore_mem>>) src(%arg11 : memref<25x2x128xi32, #tpu.memory_space<vmem>>) dst(%dma_wait3A_188 : memref<25x2x128xi32, #tpu.memory_space<hbm>>)
    } else {
    }
    %dma_wait3A_163 = arith.constant 0 : i32
    %dma_wait3A_164 = arith.constant 0 : i32
    %dma_wait3A_165 = arith.constant 0 : i32
    %dma_wait3A_166 = arith.constant 0 : i32
    %dma_wait3A_167 = tpu.memref_slice %arg5[%dma_wait3A_163, %dma_wait3A_165, %dma_wait3A_164, %dma_wait3A_166] : memref<2x25000x8x128xf32, #tpu.memory_space<hbm>> -> memref<1x25x1x128xf32, #tpu.memory_space<hbm>>
    %dma_wait3A_168 = tpu.memref_squeeze %dma_wait3A_167 : memref<1x25x1x128xf32, #tpu.memory_space<hbm>> -> memref<25x128xf32, #tpu.memory_space<hbm>>
    %dma_wait3A_169 = arith.constant 0 : i32
    %dma_wait3A_170 = arith.constant 0 : i32
    %dma_wait3A_171 = tpu.memref_slice %arg5[%dma_wait3A_163, %dma_wait3A_169, %dma_wait3A_164, %dma_wait3A_170] : memref<2x25000x8x128xf32, #tpu.memory_space<hbm>> -> memref<1x25x1x128xf32, #tpu.memory_space<hbm>>
    %dma_wait3A_172 = tpu.memref_squeeze %dma_wait3A_171 : memref<1x25x1x128xf32, #tpu.memory_space<hbm>> -> memref<25x128xf32, #tpu.memory_space<hbm>>
    tpu.wait_dma2 semaphore(%arg18 : memref<!tpu.dma_semaphore, #tpu.memory_space<semaphore_mem>>) src(%arg9 : memref<25x128xf32, #tpu.memory_space<vmem>>) dst(%dma_wait3A_172 : memref<25x128xf32, #tpu.memory_space<hbm>>)
    %eq3A_173 = arith.constant 0 : i32
    %eq3A_174 = arith.cmpi eq, %arg1, %eq3A_173 : i32
    %convert_element_type3A_175 = arith.extui %eq3A_174 : i1 to i32
    %cond3A_176 = arith.constant 0 : i32
    %cond3A_177 = arith.cmpi ne, %convert_element_type3A_175, %cond3A_176 : i32
    scf.if %cond3A_177 {
      %dma_wait3A_181 = arith.constant 0 : i32
      %dma_wait3A_182 = arith.constant 0 : i32
      %dma_wait3A_183 = arith.constant 0 : i32
      %dma_wait3A_184 = tpu.memref_slice %arg6[%dma_wait3A_181, %dma_wait3A_182, %dma_wait3A_183] : memref<25000x2x128xi32, #tpu.memory_space<hbm>> -> memref<25x2x128xi32, #tpu.memory_space<hbm>>
      %dma_wait3A_185 = arith.constant 0 : i32
      %dma_wait3A_186 = arith.constant 0 : i32
      %dma_wait3A_187 = arith.constant 0 : i32
      %dma_wait3A_188 = tpu.memref_slice %arg6[%dma_wait3A_185, %dma_wait3A_186, %dma_wait3A_187] : memref<25000x2x128xi32, #tpu.memory_space<hbm>> -> memref<25x2x128xi32, #tpu.memory_space<hbm>>
      tpu.wait_dma2 semaphore(%arg18 : memref<!tpu.dma_semaphore, #tpu.memory_space<semaphore_mem>>) src(%arg12 : memref<25x2x128xi32, #tpu.memory_space<vmem>>) dst(%dma_wait3A_188 : memref<25x2x128xi32, #tpu.memory_space<hbm>>)
    } else {
    }
    %mul3A_178 = arith.constant 16 : i32
    %mul3A_179 = arith.muli %arg0, %mul3A_178 : i32
    %add3A_180 = arith.addi %mul3A_179, %arg1 : i32
    "tpu.region"() ({
      %run_scoped3A = tpu.sem_alloc : memref<!tpu.dma_semaphore, #tpu.memory_space<semaphore_mem>>
      %dma_start3A_181 = arith.constant 0 : i32
      %dma_start3A_182 = tpu.memref_slice %arg4[%add3A_180, %dma_start3A_181] : memref<32x100352xf32, #tpu.memory_space<hbm>> -> memref<1x100352xf32, #tpu.memory_space<hbm>>
      %dma_start3A_183 = tpu.memref_squeeze %dma_start3A_182 : memref<1x100352xf32, #tpu.memory_space<hbm>> -> memref<100352xf32, #tpu.memory_space<hbm>>
      %dma_start3A_184 = arith.constant 0 : i32
      %dma_start3A_185 = tpu.memref_slice %arg4[%add3A_180, %dma_start3A_184] : memref<32x100352xf32, #tpu.memory_space<hbm>> -> memref<1x100352xf32, #tpu.memory_space<hbm>>
      %dma_start3A_186 = tpu.memref_squeeze %dma_start3A_185 : memref<1x100352xf32, #tpu.memory_space<hbm>> -> memref<100352xf32, #tpu.memory_space<hbm>>
      tpu.enqueue_dma source(%arg7 : memref<100352xf32, #tpu.memory_space<vmem>>) target(%dma_start3A_186 : memref<100352xf32, #tpu.memory_space<hbm>>) target_semaphore(%run_scoped3A : memref<!tpu.dma_semaphore, #tpu.memory_space<semaphore_mem>>)
      %dma_wait3A_187 = arith.constant 0 : i32
      %dma_wait3A_188 = tpu.memref_slice %arg4[%add3A_180, %dma_wait3A_187] : memref<32x100352xf32, #tpu.memory_space<hbm>> -> memref<1x100352xf32, #tpu.memory_space<hbm>>
      %dma_wait3A_189 = tpu.memref_squeeze %dma_wait3A_188 : memref<1x100352xf32, #tpu.memory_space<hbm>> -> memref<100352xf32, #tpu.memory_space<hbm>>
      %dma_wait3A_190 = arith.constant 0 : i32
      %dma_wait3A_191 = tpu.memref_slice %arg4[%add3A_180, %dma_wait3A_190] : memref<32x100352xf32, #tpu.memory_space<hbm>> -> memref<1x100352xf32, #tpu.memory_space<hbm>>
      %dma_wait3A_192 = tpu.memref_squeeze %dma_wait3A_191 : memref<1x100352xf32, #tpu.memory_space<hbm>> -> memref<100352xf32, #tpu.memory_space<hbm>>
      tpu.wait_dma2 semaphore(%run_scoped3A : memref<!tpu.dma_semaphore, #tpu.memory_space<semaphore_mem>>) src(%arg7 : memref<100352xf32, #tpu.memory_space<vmem>>) dst(%dma_wait3A_192 : memref<100352xf32, #tpu.memory_space<hbm>>)
      tpu.yield
    }) : () -> ()
    return
  }
}

module attributes {stable_mosaic.version = 14 : i64} {
  func.func @mm(%arg0: i32, %arg1: memref<1024x128xf32, #tpu.memory_space<vmem>>, %arg2: memref<32x1024xf32, #tpu.memory_space<vmem>>, %arg3: memref<144x128xf32, #tpu.memory_space<vmem>>, %arg4: memref<1x128xf32, #tpu.memory_space<vmem>>, %arg5: memref<1024x128xf32, #tpu.memory_space<vmem>>) attributes {dimension_semantics = [#tpu.dimension_semantics<arbitrary>], iteration_bounds = array<i64: 98>, scalar_prefetch = 0 : i64, scratch_operands = 0 : i64, tpu.core_type = #tpu.core_type<tc>, window_params = [{transform_indices = @transform_0, window_bounds = array<i64: 1024, 128>}, {transform_indices = @transform_1, window_bounds = array<i64: 32, 1024>}, {pipeline_mode = #tpu.pipeline_mode<synchronous>, transform_indices = @transform_2, window_bounds = array<i64: 144, 128>}, {pipeline_mode = #tpu.pipeline_mode<synchronous>, transform_indices = @transform_3, window_bounds = array<i64: 1, 128>}, {transform_indices = @transform_4, window_bounds = array<i64: 1024, 128>}]} {
    %get3A = arith.constant 0 : index
    %get3A_0 = arith.constant 0 : index
    %get3A_1 = vector.load %arg3[%get3A, %get3A_0] : memref<144x128xf32, #tpu.memory_space<vmem>>, vector<144x128xf32>
    %get3A_2 = arith.constant 0 : index
    %get3A_3 = arith.constant 0 : index
    %get3A_4 = vector.load %arg2[%get3A_2, %get3A_3] : memref<32x1024xf32, #tpu.memory_space<vmem>>, vector<32x1024xf32>
    %slice3A = vector.extract_strided_slice %get3A_4 {offsets = [0, 0], sizes = [16, 1024], strides = [1, 1]} : vector<32x1024xf32> to vector<16x1024xf32>
    %slice3A_5 = vector.extract_strided_slice %get3A_4 {offsets = [16, 0], sizes = [16, 1024], strides = [1, 1]} : vector<32x1024xf32> to vector<16x1024xf32>
    %add3A = arith.addf %slice3A, %slice3A_5 : vector<16x1024xf32>
    %get3A_6 = arith.constant 0 : index
    %get3A_7 = arith.constant 0 : index
    %get3A_8 = vector.load %arg1[%get3A_6, %get3A_7] : memref<1024x128xf32, #tpu.memory_space<vmem>>, vector<1024x128xf32>
    %slice3A_9 = vector.extract_strided_slice %get3A_1 {offsets = [0, 0], sizes = [128, 128], strides = [1, 1]} : vector<144x128xf32> to vector<128x128xf32>
    %dot_general3A = arith.constant dense<0.000000e+00> : vector<1024x128xf32>
    %dot_general3A_10 = tpu.matmul %get3A_8, %slice3A_9, %dot_general3A {dimension_numbers = #tpu.dot_dimension_numbers<[1], [0], [0], [1], [0, 0, 1, 1], [], []>, transpose_lhs_hint = false} : vector<1024x128xf32>, vector<128x128xf32>, vector<1024x128xf32> -> vector<1024x128xf32>
    %slice3A_11 = vector.extract_strided_slice %get3A_1 {offsets = [128, 0], sizes = [16, 128], strides = [1, 1]} : vector<144x128xf32> to vector<16x128xf32>
    %dot_general3A_12 = arith.constant dense<0.000000e+00> : vector<1024x128xf32>
    %dot_general3A_13 = tpu.matmul %add3A, %slice3A_11, %dot_general3A_12 {dimension_numbers = #tpu.dot_dimension_numbers<[0], [0], [1], [1], [0, 1, 1, 1], [], []>, transpose_lhs_hint = false} : vector<16x1024xf32>, vector<16x128xf32>, vector<1024x128xf32> -> vector<1024x128xf32>
    %add3A_14 = arith.addf %dot_general3A_10, %dot_general3A_13 : vector<1024x128xf32>
    %get3A_15 = arith.constant 0 : index
    %get3A_16 = arith.constant 0 : index
    %get3A_17 = vector.load %arg4[%get3A_15, %get3A_16] : memref<1x128xf32, #tpu.memory_space<vmem>>, vector<1x128xf32>
    %add3A_18 = vector.broadcast %get3A_17 : vector<1x128xf32> to vector<1024x128xf32>
    %add3A_19 = arith.addf %add3A_14, %add3A_18 : vector<1024x128xf32>
    %swap3A = arith.constant 0 : index
    %swap3A_20 = arith.constant 0 : index
    %swap3A_21 = vector.load %arg5[%swap3A, %swap3A_20] : memref<1024x128xf32, #tpu.memory_space<vmem>>, vector<1024x128xf32>
    tpu.vector_store %arg5[%swap3A, %swap3A_20], %add3A_19 {strides = array<i32>} : memref<1024x128xf32, #tpu.memory_space<vmem>>, vector<1024x128xf32>,
    return
  }
  func.func @transform_0(%arg0: i32) -> (i32, i32) {
    %c0_i32 = arith.constant 0 : i32
    %c0_i32_0 = arith.constant 0 : i32
    return %arg0, %c0_i32 : i32, i32
  }
  func.func @transform_1(%arg0: i32) -> (i32, i32) {
    %c0_i32 = arith.constant 0 : i32
    %c0_i32_0 = arith.constant 0 : i32
    return %c0_i32, %arg0 : i32, i32
  }
  func.func @transform_2(%arg0: i32) -> (i32, i32) {
    %c0_i32 = arith.constant 0 : i32
    %c0_i32_0 = arith.constant 0 : i32
    %c0_i32_1 = arith.constant 0 : i32
    return %c0_i32, %c0_i32_0 : i32, i32
  }
  func.func @transform_3(%arg0: i32) -> (i32, i32) {
    %c0_i32 = arith.constant 0 : i32
    %c0_i32_0 = arith.constant 0 : i32
    %c0_i32_1 = arith.constant 0 : i32
    return %c0_i32, %c0_i32_0 : i32, i32
  }
  func.func @transform_4(%arg0: i32) -> (i32, i32) {
    %c0_i32 = arith.constant 0 : i32
    %c0_i32_0 = arith.constant 0 : i32
    return %arg0, %c0_i32 : i32, i32
  }
}

</mosaic_0001>

<sc_bundles>
// kernel: kernel.4.cloned.1.call-start
scs
__scs_entry_jumppad:
0x0: {  	(pc) =	sbr.rel $0x88, $3  }
0x1: {  	(tag) =	ssettag $0x0;
	lr =	simm.s32 $0x1  }
0x2: {  	[smem:$0x3F9C] =	sst lr;
	_ =	strace $0xD0000000  }
0x3: {  	_ = 	snop  }
0x4: {  	_ = 	snop  }
0x5: {  	_ = 	snop  }
0x6: {  	_ = 	snop  }
0x7: {  	_ = 	snop  }
__scs_overlays_trampoline_lowered:
0x8: {  	[smem:$0x3FAB] =	sst s0  }
0x9: {  	[smem:$0x3FAC] =	sst s1  }
0xa: {  	[smem:$0x3FAD] =	sst s2  }
0xb: {  	[smem:$0x3FAE] =	sst s3  }
0xc: {  	[smem:$0x3FAF] =	sst s4  }
0xd: {  	[smem:$0x3FB0] =	sst s5  }
0xe: {  	[smem:$0x3FB1] =	sst s6  }
0xf: {  	[smem:$0x3FB2] =	sst s7  }
0x10: {  	[smem:$0x3FB3] =	sst s8  }
0x11: {  	[smem:$0x3FB4] =	sst s9;
	s0 =	simm.s32 @!p0 $0x0  }
0x12: {  	s1 =	sld [smem:$0x3F9A];
	s0 =	simm.s32 @p0 $0x1  }
0x13: {  	[smem:$0x3FB5] =	sst s0;
	s0 =	simm.s32 @!p1 $0x0  }
0x14: {  	s2 =	sld [smem:$0x3F99];
	s0 =	simm.s32 @p1 $0x1  }
0x15: {  	[smem:$0x3FB6] =	sst s0;
	s0 =	simm.s32 @!p2 $0x0  }
0x16: {  	s3 =	sld [smem:$0x3FDB];
	s0 =	simm.s32 @p2 $0x1  }
0x17: {  	s4 =	simm.s32 $0x1BF5;
	[smem:$0x3FB8] =	sst s0  }
0x18: {  	s0 =	sld [smem:$0x3F9B];
	_ =	swait.ge [sflag:s4], $0x0  }
0x19: {  	s7 =	sld [smem:$0x3F9C]  }
0x1a: {  	s8 =	sadd.s32 $0xFFFFE003, lr  }
0x1b: {  	s9 =	sadd.s32 $0xFFFFFEF7, lr;
	s5 =	simm.s32 $0xFFFFFFFF;
	p2 =	slt.u32 s8, $0xFFFFF086  }
0x1c: {  	p1 =	slt.u32 s9, $0xF7A;
	s5 =	simm.s32 @!p2 $0x0  }
0x1d: {  	s5 =	simm.s32 @p1 $0x1;
	p0 =	seq.s32 s7, s2  }
0x1e: {  	s7 =	smul.u32 @!p0 $0xF7A, s2;
	p2 =	seq.s32 @!p0 s5, $0x0  }
0x1f: {  	s9 =	smul.u32 $0xF7A, s1;
	s8 =	simm.s32 @!p0 $0x1BF5;
	p2 =	por !p2, p0  }
0x20: {  	[sflag:s8] =	ssyncset.s32 @!p0 $0xFFFFF086;
	s6 =	sadd.s32 @!p0 s3, s7;
	s7 =	simm.s32 @!p0 $0x108  }
0x21: {  	s3 =	sadd.s32 s3, s9;
	s6 =	sadd.s32 @!p0 $0x88, s6;
	s7 =	simm.s32 @p2 $0x1082  }
0x22: {  	[simem:s7], [sflag:s8] =	dma.local @!p0 [hbm:s6], $0xF7A  }
0x23: {  	s9 =	sor.u32 $0xD0000000, s2;
	s6 =	simm.s32 $0x108;
	_ =	swait.ge @!p0 [sflag:s8], $0x0  }
0x24: {  	s3 =	sadd.s32 $0x88, s3;
	s6 =	simm.s32 @!p1 $0x1082;
	[sflag:s4] =	ssyncset.s32 $0xFFFFF086  }
0x25: {  	[simem:s6], [sflag:s4] =	dma.local [hbm:s3], $0xF7A  }
0x26: {  	[smem:$0x3F9C] =	sst s1;
	(tag) =	ssettag s2;
	_ =	strace s9  }
0x27: {  	s1 =	sld [smem:$0x3FAC]  }
0x28: {  	s2 =	sld [smem:$0x3FAD]  }
0x29: {  	s4 =	sld [smem:$0x3FAF]  }
0x2a: {  	p0 =	seq.s32 s5, $0x0;
	s5 =	sld [smem:$0x3FB0]  }
0x2b: {  	s6 =	sld [smem:$0x3FB1]  }
0x2c: {  	s7 =	sld [smem:$0x3FB2]  }
0x2d: {  	s3 =	simm.s32 $0x108;
	s8 =	sld [smem:$0x3FB3]  }
0x2e: {  	s3 =	simm.s32 @!p0 $0x1082;
	s9 =	sld [smem:$0x3FB4]  }
0x2f: {  	lr =	sadd.s32 s0, s3;
	s0 =	sld [smem:$0x3FAB]  }
0x30: {  	s3 =	sld [smem:$0x3FAE]  }
0x31: {  	[smem:$0x3FB7] =	sst s10  }
0x32: {  	s10 =	sld [smem:$0x3FB5];
	_ =	sdelay $0x3  }
0x33: {  	p0 =	seq.s32 s10, $0x1;
	s10 =	sld [smem:$0x3FB7];
	_ =	sdelay $0x3  }
0x34: {  	[smem:$0x3FB7] =	sst s10  }
0x35: {  	s10 =	sld [smem:$0x3FB6];
	_ =	sdelay $0x3  }
0x36: {  	p1 =	seq.s32 s10, $0x1;
	s10 =	sld [smem:$0x3FB7];
	_ =	sdelay $0x3  }
0x37: {  	[smem:$0x3FB7] =	sst s10  }
0x38: {  	s10 =	sld [smem:$0x3FB8]  }
0x39: {  	_ = 	snop;
	(pc) =	sbr.ind lr, $3  }
0x3a: {  	_ = 	snop  }
0x3b: {  	_ = 	snop  }
0x3c: {  	p2 =	seq.s32 s10, $0x1;
	s10 =	sld [smem:$0x3FB7]  }
0x3d: {  	_ =	shalt  }
0x3e: {  	_ =	shalt  }
0x3f: {  	_ =	shalt  }
0x40: {  	_ =	shalt  }
0x41: {  	_ =	shalt  }
0x42: {  	_ =	shalt  }
0x43: {  	_ =	shalt  }
0x44: {  	_ =	shalt  }
0x45: {  	_ =	shalt  }
0x46: {  	_ =	shalt  }
0x47: {  	_ =	shalt  }
0x48: {  	_ =	shalt  }
0x49: {  	_ =	shalt  }
0x4a: {  	_ =	shalt  }
0x4b: {  	_ =	shalt  }
0x4c: {  	_ =	shalt  }
0x4d: {  	_ =	shalt  }
0x4e: {  	_ =	shalt  }
0x4f: {  	_ =	shalt  }
0x50: {  	_ =	shalt  }
0x51: {  	_ =	shalt  }
0x52: {  	_ =	shalt  }
0x53: {  	_ =	shalt  }
0x54: {  	_ =	shalt  }
0x55: {  	_ =	shalt  }
0x56: {  	_ =	shalt  }
0x57: {  	_ =	shalt  }
0x58: {  	_ =	shalt  }
0x59: {  	_ =	shalt  }
0x5a: {  	_ =	shalt  }
0x5b: {  	_ =	shalt  }
0x5c: {  	_ =	shalt  }
0x5d: {  	_ =	shalt  }
0x5e: {  	_ =	shalt  }
0x5f: {  	_ =	shalt  }
0x60: {  	_ =	shalt  }
0x61: {  	_ =	shalt  }
0x62: {  	_ =	shalt  }
0x63: {  	_ =	shalt  }
0x64: {  	_ =	shalt  }
0x65: {  	_ =	shalt  }
0x66: {  	_ =	shalt  }
0x67: {  	_ =	shalt  }
0x68: {  	_ =	shalt  }
0x69: {  	_ =	shalt  }
0x6a: {  	_ =	shalt  }
0x6b: {  	_ =	shalt  }
0x6c: {  	_ =	shalt  }
0x6d: {  	_ =	shalt  }
0x6e: {  	_ =	shalt  }
0x6f: {  	_ =	shalt  }
0x70: {  	_ =	shalt  }
0x71: {  	_ =	shalt  }
0x72: {  	_ =	shalt  }
0x73: {  	_ =	shalt  }
0x74: {  	_ =	shalt  }
0x75: {  	_ =	shalt  }
0x76: {  	_ =	shalt  }
0x77: {  	_ =	shalt  }
0x78: {  	_ =	shalt  }
0x79: {  	_ =	shalt  }
0x7a: {  	_ =	shalt  }
0x7b: {  	_ =	shalt  }
0x7c: {  	_ =	shalt  }
0x7d: {  	_ =	shalt  }
0x7e: {  	_ =	shalt  }
0x7f: {  	_ =	shalt  }
0x80: {  	_ =	shalt  }
0x81: {  	_ =	shalt  }
0x82: {  	_ =	shalt  }
0x83: {  	_ =	shalt  }
0x84: {  	_ =	shalt  }
0x85: {  	_ =	shalt  }
0x86: {  	_ =	shalt  }
0x87: {  	_ =	shalt  }
.Lfunc_end0:
.L_simem_size_0:
called_computation_lowered:
.L_overlay_start_0:
0x88: {  	s2 =	sld [smem:$0x3FD9]  }
0x89: {  	s3 =	sld [smem:$0x3FFE];
	_ =	sdelay $0x1  }
0x8a: {  	s1 =	srdreg.scid  }
0x8b: {  	s0 =	sand.u32 $0x1, s1  }
0x8c: {  	s15 =	sshll.u32 s0, $0xA;
	s2 =	sadd.s32 s3, s2  }
0x8d: {  	s2 =	sadd.s32 s2, s15  }
0x8e: {  	[smem:$0x3FC3] =	sst s2  }
0x8f: {  	_ = 	snop  }
0x90: {  	s2 =	sld [smem:$0x3FD0];
	_ =	sdelay $0x1  }
0x91: {  	s16 =	sld [smem:$0x3FC8]  }
0x92: {  	s5 =	simm.s32 $0xA;
	s6 =	simm.s32 $0x10;
	s4 =	sld [smem:$0x3FC7]  }
0x93: {  	[smem:s6], [sflag:s5] =	dma.local [hbm:s2], $0x1  }
0x94: {  	_ =	swait.eq [sflag:s5], $0x1  }
0x95: {  	s17 =	sld [smem:$0x10];
	[sflag:s5] =	ssyncset.done $0x0  }
0x96: {  	s18 =	sld [smem:$0x11];
	[sflag:s5] =	ssyncadd.s32 $0xFFFFFFFF  }
0x97: {  	s19 =	sld [smem:$0x12];
	(tm) =	ssettm $0x1  }
0x98: {  	s7 =	sld [smem:$0x3FFB];
	_ =	sdelay $0x3  }
0x99: {  	_ =	strace s7  }
0x9a: {  	s7 =	sld [smem:$0x3FFC];
	_ =	sdelay $0x3  }
0x9b: {  	_ =	strace s7  }
0x9c: {  	s7 =	sld [smem:$0x3FFD];
	_ =	sdelay $0x3  }
0x9d: {  	_ =	strace s7  }
0x9e: {  	_ =	strace $0x8FFFFFFF  }
0x9f: {  	s20 =	sld [smem:$0x3FDB];
	_ =	sdelay $0x1  }
0xa0: {  	s8 =	simm.s32 $_scs_section_size  }
0xa1: {  	s9 =	simm.s32 $_size__tile_overlayer_lowered;
	s10 =	simm.s32 $_tile_overlayer_lowered  }
0xa2: {  	s23 =	simm.s32 $0x1BFF;
	s22 =	sshll.u32 s10, $0x1;
	s7 =	sadd.s32 s8, s20  }
0xa3: {  	s11 =	simm.s32 $0x0;
	s21 =	sshll.u32 s9, $0x1;
	s9 =	sadd.s32 s22, s7  }
0xa4: {  	[timem:s11], [sflag:s23] =	dma.local [hbm:s9], s21  }
0xa5: {  	_ =	swait.ge [sflag:s23], s21  }
0xa6: {  	s8 =	ssub.s32 $0x0, s21;
	[sflag:s23] =	ssyncset.done $0x0  }
0xa7: {  	[sflag:s23] =	ssyncadd.s32 s8;
	_ =	sdelay $0x1  }
0xa8: {  	s24 =	simm.s32 $0x1B8B  }
0xa9: {  	_ =	swait.ge [sflag:s24], $0x1  }
0xaa: {  	[sflag:s24] =	ssyncset.done $0x0  }
0xab: {  	s25 =	simm.s32 $0x1B8E;
	[sflag:s24] =	ssyncadd.s32 $0xFFFFFFFF  }
0xac: {  	s26 =	simm.s32 $execute0_lowered;
	[smem:$0x3FD2] =	sst s25  }
0xad: {  	s8 =	sshll.u32 s26, $0x1;
	_ =	strace $0x80000046;
	[dreg:$0x1] =	wrdreg $0xFFFFFFFF  }
0xae: {  	s28 =	simm.s32 $_size_execute0_lowered;
	s7 =	sadd.s32 s7, s8;
	[dreg:$0x0] =	wrdreg $0x0  }
0xaf: {  	s8 =	sshll.u32 s28, $0x1;
	[dreg:$0x2] =	wrdreg s7  }
0xb0: {  	[dreg:$0x3] =	wrdreg s8  }
0xb1: {  	[dreg:$0x4] =	wrdreg $0xC0  }
0xb2: {  	_ =	task [dreg:s11], $0x5FFFF  }
0xb3: {  	[dreg:$0x1] =	wrdreg $0xFFFFFFFF  }
0xb4: {  	[dreg:$0x0] =	wrdreg $0x60  }
0xb5: {  	[dreg:$0x2] =	wrdreg s16  }
0xb6: {  	[dreg:$0x3] =	wrdreg s4  }
0xb7: {  	[dreg:$0x4] =	wrdreg s17  }
0xb8: {  	[dreg:$0x5] =	wrdreg s18  }
0xb9: {  	[dreg:$0x6] =	wrdreg s19  }
0xba: {  	[dreg:$0x7] =	wrdreg $0x9  }
0xbb: {  	_ =	task.clear_ibuf [dreg:s11], $0x8FFFF;
	_ =	strace $0x90000046  }
0xbc: {  	s29 =	simm.s32 $0x9;
	_ =	strace $0x80000048  }
0xbd: {  	_ =	swait.ge [sflag:s29], $0x1  }
0xbe: {  	[sflag:s29] =	ssyncadd.s32 $0xFFFFFFFF  }
0xbf: {  	_ =	strace $0x90000048  }
0xc0: {  	_ =	sfence  }
0xc1: {  	s30 =	sld [smem:$0x0];
	_ =	sdelay $0x2  }
0xc2: {  	s31 =	sshll.u32 s1, $0xD;
	s1 =	sshrl.u32 s1, $0x2  }
0xc3: {  	s3 =	sand.u32 $0x4000, s31;
	s1 =	sadd.s32 s1, s30  }
0xc4: {  	s0 =	sor.u32 s3, s0;
	s1 =	sshll.u32 s1, $0x11  }
0xc5: {  	s0 =	sor.u32 s1, s0  }
0xc6: {  	s0 =	sadd.s32 $0x8F2B, s0  }
0xc7: {  	[sflag:s0] =	ssyncadd.remote.s32 $0x1  }
0xc8: {  	_ =	sfence.sel $0xFFFF  }
0xc9: {  	[dreg:$0x0] =	wrdreg $0xFFFFFFFF;
	(pc) =	sbr.abs _section_cstart, $3  }
0xca: {  	[dreg:$0x1] =	wrdreg $0xFFFFFFFF  }
0xcb: {  	_ =	task.clear_ibuf [dreg:s11], $0x2FFFF;
	_ =	strace $0x9FFFFFFF  }
0xcc: {  	(tm) =	ssettm $0x7FFFFFFF  }
0xcd: {  	_ =	shalt  }
tec
execute0_lowered:
.L_overlay_start_1:
0x0: {  	(tag) =	ssettag $0x1  }
0x1: {  	s0 =	rddreg [dreg:$0x0]  }
0x2: {  	s1 =	rddreg [dreg:$0x1]  }
0x3: {  	s3 =	rddreg [dreg:$0x2];
	s5 =	srdreg.scid  }
0x4: {  	s2 =	rddreg [dreg:$0x3];
	s4 =	stileid.u32;
	s7 =	simm.s32 $0x0  }
0x5: {  	s28 =	simm.s32 $0x19480;
	s29 =	simm.s32 $0x1C680;
	s30 =	simm.s32 $0x1  }
0x6: {  	s31 =	simm.s32 $0x1A100;
	s9 =	sand.u32 $0x1, s5;
	s5 =	rddreg [dreg:$0x4]  }
0x7: {  	s8 =	sshrl.u32 s4, $0x3;
	[smem:$0x7FF] =	sst s7;
	s6 =	smul.u32 $0x30D4, s9  }
0x8: {  	s12 =	sshll.u32 s4, $0x7;
	p0 =	sne.s32 s4, $0x0;
	s10 =	smul.u32 $0x186A000, s8  }
0x9: {  	s18 =	smul.u32 $0xC35000, s9;
	_ =	strace $0x80000047;
	s11 =	ssub.s32 $0x2, s9  }
0xa: {  	s12 =	sand.u32 $0x380, s12;
	s16 =	smul.u32 $0x61A80, s9;
	s9 =	sshll.u32 s9, $0x4  }
0xb: {  	s14 =	sshrl.u32 s11, $0x1;
	s9 =	sor.u32 s4, s9;
	s13 =	sadd.s32 s18, s10  }
0xc: {  	s8 =	sadd.s32 $0x19, s6;
	s11 =	ssub.s32 s11, s14;
	s20 =	sadd.s32 s1, s16  }
0xd: {  	s17 =	sadd.s32 $0x30A2, s6;
	s14 =	sadd.s32 $0x32, s6;
	s16 =	sadd.s32 $0x64, s6  }
0xe: {  	s9 =	smul.u32 $0x3100, s9;
	s13 =	sor.u32 s12, s13;
	s15 =	sshll.u32 s8, $0xA  }
0xf: {  	[dreg:$0x7] =	wrdreg s20;
	s21 =	sshll.u32 s8, $0x5;
	s23 =	sshll.u32 s17, $0xA  }
0x10: {  	s24 =	sshll.u32 s17, $0x5;
	s26 =	smax.u32 s11, $0x1;
	s17 =	simm.s32 $0x0  }
0x11: {  	s13 =	sshrl.u32 s13, $0x3;
	s15 =	sadd.s32 s10, s15;
	s22 =	sadd.s32 s1, s21  }
0x12: {  	s18 =	sadd.s32 s10, s23;
	s3 =	sadd.s32 s3, s9;
	[dreg:$0xf] =	wrdreg s26  }
0x13: {  	s23 =	simm.s32 $0x80;
	s26 =	simm.s32 $0x1AD80;
	s9 =	simm.s32 $0x2  }
0x14: {  	s13 =	sadd.s32 s0, s13;
	s19 =	sor.u32 s12, s15;
	[dreg:$0x9] =	wrdreg s22  }
0x15: {  	s15 =	sadd.s32 $0x4B, s6;
	s18 =	sor.u32 s12, s18;
	[dreg:$0xe] =	wrdreg s3  }
0x16: {  	[dreg:$0x6] =	wrdreg s13;
	s13 =	sshrl.u32 s19, $0x3;
	s19 =	sadd.s32 $0x30BB, s6  }
0x17: {  	s18 =	sshrl.u32 s18, $0x3;
	s13 =	sadd.s32 s0, s13;
	s20 =	sshll.u32 s19, $0xA  }
0x18: {  	[dreg:$0x8] =	wrdreg s13;
	s13 =	sor.u32 s12, s10;
	s10 =	sadd.s32 s10, s20  }
0x19: {  	s3 =	simm.s32 $0x1DF80;
	s18 =	sadd.s32 s2, s18;
	s10 =	sor.u32 s12, s10  }
0x1a: {  	[dreg:$0xa] =	wrdreg s18;
	s12 =	sadd.s32 s5, s24;
	s10 =	sshrl.u32 s10, $0x3  }
0x1b: {  	s25 =	sshll.u32 s19, $0x5;
	[dreg:$0xb] =	wrdreg s12;
	s10 =	sadd.s32 s2, s10  }
0x1c: {  	s24 =	simm.s32 $0x400;
	[dreg:$0xc] =	wrdreg s10;
	s10 =	sadd.s32 s5, s25  }
0x1d: {  	v0 =	vimm.f32 $0.0e+00;
	s25 =	simm.s32 $0x18800;
	[dreg:$0xd] =	wrdreg s10;
	s10 =	simm.s32 $0x3  }
.LBB2_1:
0x1e: {  	s12 =	simm.s32 $0x100;
	s11 =	simm.s32 $0x0  }
.LBB2_2:
0x1f: {  	p1 =	sne.s32 s12, $0x61F00;
	[tilespmem:s11+$0x30] =	vst v0;
	s18 =	smov.u32 s12;
	s12 =	sadd.s32 $0x100, s12  }
.Ltmp0:
0x20: {  	[tilespmem:s11+$0x20] =	vst v0;
	(pc) =	sbr.rel @p1 .LBB2_2-.Ltmp0, $3  }
0x21: {  	[tilespmem:s11+$0x0] =	vst v0  }
0x22: {  	[tilespmem:s11+$0x10] =	vst v0;
	_ =	sdelay $0x1  }
0x23: {  	s11 =	sshra.s32 s18, $0x2  }
0x24: {  	[tilespmem:s11+$0x30] =	vst v0  }
0x25: {  	[tilespmem:s11+$0x20] =	vst v0  }
0x26: {  	[tilespmem:s11+$0x0] =	vst v0  }
0x27: {  	[tilespmem:s11+$0x10] =	vst v0;
	s19 =	rddreg [dreg:$0x6]  }
0x28: {  	[tilespmem:s25], [sflag:$0x1] =	stream.strided.gather [hbm4b:s19+s23], $0xC80, s24, s23, $0x38;
	[tilespmem:$0x1F880] =	vst v63  }
0x29: {  	s18 =	simm.s32 $0x0;
	s20 =	rddreg [dreg:$0x7]  }
0x2a: {  	[tilespmem:s26], [sflag:$0x1] =	stream.linear.gather [hbm4b:s20+s18], $0x1900, $0x38;
	[tilespmem:$0x1F880] =	vst v63  }
0x2b: {  	s21 =	rddreg [dreg:$0x8]  }
0x2c: {  	[tilespmem:s28], [sflag:$0x2] =	stream.strided.gather [hbm4b:s21+s23], $0xC80, s24, s23, $0x38;
	[tilespmem:$0x1F880] =	vst v63  }
0x2d: {  	s22 =	rddreg [dreg:$0x9]  }
0x2e: {  	[tilespmem:s29], [sflag:$0x2] =	stream.linear.gather [hbm4b:s22+s18], $0x1900, $0x38;
	[tilespmem:$0x1F880] =	vst v63  }
.LBB2_4:
0x2f: {  	s19 =	smul.u32 $0x4B, s18  }
0x30: {  	_ =	swait.ge [sflag:s30], $0xC80  }
0x31: {  	[sflag:s30] =	ssyncset.done $0x0;
	s11 =	sadd.s32 s6, s19  }
0x32: {  	[sflag:s30] =	ssyncadd.s32 $0xFFFFF380;
	s12 =	sshll.u32 s11, $0xA  }
0x33: {  	_ =	swait.ge [sflag:s30], $0x1900;
	s12 =	sadd.s32 s13, s12  }
0x34: {  	s20 =	simm.s32 @!p0 $0x1AD80;
	[sflag:s30] =	ssyncset.done $0x0;
	s12 =	sshrl.u32 s12, $0x3  }
0x35: {  	s11 =	sshll.u32 @!p0 s11, $0x5;
	[sflag:s30] =	ssyncadd.s32 $0xFFFFE700;
	s12 =	sadd.s32 s2, s12  }
0x36: {  	[hbm4b:s12+s23] =	stream.strided.scatter [tilespmem:s25], [sflag:$0x4], $0xC80, s24, s23, $0x38;
	[tilespmem:$0x1F880] =	vst v63  }
0x37: {  	p1 =	seq.s32 s18, $0x0;
	s11 =	sadd.s32 @!p0 s5, s11;
	s12 =	simm.s32 @!p0 $0x0  }
0x38: {  	[hbm4b:s11+s12] =	stream.linear.scatter @!p0 [tilespmem:s20], [sflag:$0x4], $0x1900, $0x38;
	[tilespmem:$0x1F880] =	vst v63  }
0x39: {  	s11 =	simm.s32 @!p1 $0x6  }
0x3a: {  	p2 =	sne.s32 @!p1 s4, $0x0;
	_ =	swait.ge @!p1 [sflag:s11], $0xC80  }
0x3b: {  	p2 =	por p2, p1;
	s12 =	sadd.s32 s19, s14;
	[sflag:s11] =	ssyncset.done @!p1 $0x0  }
0x3c: {  	s22 =	sshll.u32 s12, $0xA;
	[sflag:s11] =	ssyncadd.s32 @!p1 $0xFFFFF380;
	s11 =	simm.s32 @!p2 $0x6  }
0x3d: {  	s20 =	sadd.s32 s13, s22;
	_ =	swait.ge @!p2 [sflag:s11], $0x1900  }
0x3e: {  	s21 =	sshrl.u32 s20, $0x3;
	[sflag:s11] =	ssyncset.done @!p2 $0x0  }
0x3f: {  	s20 =	sadd.s32 s0, s21;
	[sflag:s11] =	ssyncadd.s32 @!p2 $0xFFFFE700  }
0x40: {  	[tilespmem:s31], [sflag:$0x3] =	stream.strided.gather [hbm4b:s20+s23], $0xC80, s24, s23, $0x38;
	[tilespmem:$0x1F880] =	vst v63  }
0x41: {  	s20 =	sshll.u32 s12, $0x5  }
0x42: {  	s12 =	simm.s32 $0x1B000;
	s22 =	sadd.s32 s1, s20  }
0x43: {  	[tilespmem:s3], [sflag:$0x3] =	stream.linear.gather [hbm4b:s22+s7], $0x1900, $0x38;
	[tilespmem:$0x1F880] =	vst v63  }
0x44: {  	v1 =	vld [tilespmem:s12+$0x180]  }
0x45: {  	v2 =	vld [tilespmem:s12+$0x200]  }
0x46: {  	s22 =	simm.s32 $0x18940;
	v3 =	vld [tilespmem:s12+$0xFFFFFD80]  }
0x47: {  	v4 =	vld [tilespmem:s22+$0xC0]  }
0x48: {  	v5 =	vld [tilespmem:s12+$0xFFFFFE00]  }
0x49: {  	v6 =	vld [tilespmem:s12+$0xFFFFFE80]  }
0x4a: {  	v7 =	vld [tilespmem:s12+$0xFFFFFF00]  }
0x4b: {  	v8 =	vld [tilespmem:s12+$0xFFFFFF80]  }
0x4c: {  	v10 =	vld [tilespmem:s12+$0x80]  }
0x4d: {  	v12 =	vld [tilespmem:s22+$0xFFFFFF40]  }
0x4e: {  	v15 =	vld [tilespmem:s22+$0xFFFFFEC0]  }
0x4f: {  	v11 =	vld [tilespmem:s12+$0x100]  }
0x50: {  	v13 =	vld [tilespmem:s22+$0xFFFFFFC0]  }
0x51: {  	[tilespmem:v1+s7+$0x0] =	vst.idx.add.f32.msk $0xffff, v4  }
0x52: {  	[tilespmem:v6+s7+$0x0] =	vst.idx.add.f32.msk $0xffff, v12  }
0x53: {  	[tilespmem:v3+s7+$0x0] =	vst.idx.add.f32.msk $0xffff, v15  }
0x54: {  	[tilespmem:v2+s7+$0x0] =	vst.idx.add.f32.msk $0xffff, v4  }
0x55: {  	v4 =	vld [tilespmem:s12+$0x0]  }
0x56: {  	[tilespmem:v7+s7+$0x0] =	vst.idx.add.f32.msk $0xffff, v12  }
0x57: {  	v1 =	vld [tilespmem:s12+$0x190]  }
0x58: {  	v2 =	vld [tilespmem:s12+$0x210]  }
0x59: {  	[tilespmem:v8+s7+$0x0] =	vst.idx.add.f32.msk $0xffff, v13  }
0x5a: {  	v9 =	vld [tilespmem:s22+$0xD0]  }
0x5b: {  	[tilespmem:v5+s7+$0x0] =	vst.idx.add.f32.msk $0xffff, v15  }
0x5c: {  	v5 =	vld [tilespmem:s12+$0xFFFFFE10]  }
0x5d: {  	v6 =	vld [tilespmem:s12+$0xFFFFFE90]  }
0x5e: {  	v7 =	vld [tilespmem:s12+$0xFFFFFF10]  }
0x5f: {  	[tilespmem:v1+s7+$0x0] =	vst.idx.add.f32.msk $0xffff, v9  }
0x60: {  	[tilespmem:v2+s7+$0x0] =	vst.idx.add.f32.msk $0xffff, v9  }
0x61: {  	v1 =	vld [tilespmem:s12+$0x1A0]  }
0x62: {  	v2 =	vld [tilespmem:s12+$0x220]  }
0x63: {  	v59 =	vld [tilespmem:s22+$0xFFFFFED0]  }
0x64: {  	v14 =	vld [tilespmem:s22+$0xE0]  }
0x65: {  	v60 =	vld [tilespmem:s22+$0xFFFFFF50]  }
0x66: {  	[tilespmem:v4+s7+$0x0] =	vst.idx.add.f32.msk $0xffff, v13  }
0x67: {  	v8 =	vld [tilespmem:s12+$0xFFFFFF90]  }
0x68: {  	v9 =	vld [tilespmem:s22+$0x40]  }
0x69: {  	[tilespmem:v1+s7+$0x0] =	vst.idx.add.f32.msk $0xffff, v14  }
0x6a: {  	[tilespmem:v2+s7+$0x0] =	vst.idx.add.f32.msk $0xffff, v14  }
0x6b: {  	v1 =	vld [tilespmem:s12+$0x1B0]  }
0x6c: {  	v2 =	vld [tilespmem:s12+$0x230]  }
0x6d: {  	[tilespmem:v6+s7+$0x0] =	vst.idx.add.f32.msk $0xffff, v60  }
0x6e: {  	v3 =	vld [tilespmem:s22+$0xF0]  }
0x6f: {  	[tilespmem:v10+s7+$0x0] =	vst.idx.add.f32.msk $0xffff, v9  }
0x70: {  	[tilespmem:v11+s7+$0x0] =	vst.idx.add.f32.msk $0xffff, v9  }
0x71: {  	v10 =	vld [tilespmem:s12+$0x90]  }
0x72: {  	v61 =	vld [tilespmem:s22+$0x50]  }
0x73: {  	[tilespmem:v1+s7+$0x0] =	vst.idx.add.f32.msk $0xffff, v3  }
0x74: {  	[tilespmem:v2+s7+$0x0] =	vst.idx.add.f32.msk $0xffff, v3  }
0x75: {  	v1 =	vld [tilespmem:s12+$0x1C0]  }
0x76: {  	v2 =	vld [tilespmem:s12+$0x240]  }
0x77: {  	[tilespmem:v7+s7+$0x0] =	vst.idx.add.f32.msk $0xffff, v60  }
0x78: {  	v4 =	vld [tilespmem:s22+$0x100]  }
0x79: {  	v11 =	vld [tilespmem:s12+$0x110]  }
0x7a: {  	[tilespmem:v10+s7+$0x0] =	vst.idx.add.f32.msk $0xffff, v61  }
0x7b: {  	v10 =	vld [tilespmem:s22+$0xFFFFFF60]  }
0x7c: {  	v3 =	vld [tilespmem:s12+$0xFFFFFD90]  }
0x7d: {  	[tilespmem:v1+s7+$0x0] =	vst.idx.add.f32.msk $0xffff, v4  }
0x7e: {  	[tilespmem:v2+s7+$0x0] =	vst.idx.add.f32.msk $0xffff, v4  }
0x7f: {  	v1 =	vld [tilespmem:s12+$0x1D0]  }
0x80: {  	v2 =	vld [tilespmem:s12+$0x250]  }
0x81: {  	[tilespmem:v11+s7+$0x0] =	vst.idx.add.f32.msk $0xffff, v61  }
0x82: {  	v9 =	vld [tilespmem:s22+$0x110]  }
0x83: {  	v7 =	vld [tilespmem:s12+$0xA0]  }
0x84: {  	v62 =	vld [tilespmem:s22+$0x60]  }
0x85: {  	[tilespmem:v3+s7+$0x0] =	vst.idx.add.f32.msk $0xffff, v59  }
0x86: {  	v4 =	vld [tilespmem:s12+$0x10]  }
0x87: {  	[tilespmem:v1+s7+$0x0] =	vst.idx.add.f32.msk $0xffff, v9  }
0x88: {  	[tilespmem:v2+s7+$0x0] =	vst.idx.add.f32.msk $0xffff, v9  }
0x89: {  	v9 =	vld [tilespmem:s22+$0xFFFFFFD0]  }
0x8a: {  	[tilespmem:v5+s7+$0x0] =	vst.idx.add.f32.msk $0xffff, v59  }
0x8b: {  	v1 =	vld [tilespmem:s12+$0x1E0]  }
0x8c: {  	v2 =	vld [tilespmem:s12+$0x260]  }
0x8d: {  	v14 =	vld [tilespmem:s22+$0x120]  }
0x8e: {  	[tilespmem:v8+s7+$0x0] =	vst.idx.add.f32.msk $0xffff, v9  }
0x8f: {  	v8 =	vld [tilespmem:s22+$0xFFFFFEE0]  }
0x90: {  	[tilespmem:v4+s7+$0x0] =	vst.idx.add.f32.msk $0xffff, v9  }
0x91: {  	v4 =	vld [tilespmem:s12+$0xFFFFFF20]  }
0x92: {  	v9 =	vld [tilespmem:s12+$0x120]  }
0x93: {  	[tilespmem:v7+s7+$0x0] =	vst.idx.add.f32.msk $0xffff, v62  }
0x94: {  	v5 =	vld [tilespmem:s12+$0xFFFFFFA0]  }
0x95: {  	v6 =	vld [tilespmem:s12+$0x20]  }
0x96: {  	v11 =	vld [tilespmem:s22+$0xFFFFFFE0]  }
0x97: {  	[tilespmem:v1+s7+$0x0] =	vst.idx.add.f32.msk $0xffff, v14  }
0x98: {  	[tilespmem:v2+s7+$0x0] =	vst.idx.add.f32.msk $0xffff, v14  }
0x99: {  	v1 =	vld [tilespmem:s12+$0x1F0]  }
0x9a: {  	v2 =	vld [tilespmem:s12+$0x270]  }
0x9b: {  	v3 =	vld [tilespmem:s22+$0x130]  }
0x9c: {  	[tilespmem:v9+s7+$0x0] =	vst.idx.add.f32.msk $0xffff, v62  }
0x9d: {  	[tilespmem:v5+s7+$0x0] =	vst.idx.add.f32.msk $0xffff, v11  }
0x9e: {  	v7 =	vld [tilespmem:s12+$0xB0]  }
0x9f: {  	v9 =	vld [tilespmem:s12+$0x130]  }
0xa0: {  	v12 =	vld [tilespmem:s22+$0x70]  }
0xa1: {  	[tilespmem:v6+s7+$0x0] =	vst.idx.add.f32.msk $0xffff, v11  }
0xa2: {  	v5 =	vld [tilespmem:s12+$0xFFFFFFB0]  }
0xa3: {  	v6 =	vld [tilespmem:s12+$0x30]  }
0xa4: {  	v11 =	vld [tilespmem:s22+$0xFFFFFFF0]  }
0xa5: {  	[tilespmem:v1+s7+$0x0] =	vst.idx.add.f32.msk $0xffff, v3  }
0xa6: {  	v1 =	vld [tilespmem:s12+$0xFFFFFDA0]  }
0xa7: {  	[tilespmem:v2+s7+$0x0] =	vst.idx.add.f32.msk $0xffff, v3  }
0xa8: {  	v2 =	vld [tilespmem:s12+$0xFFFFFE20]  }
0xa9: {  	v3 =	vld [tilespmem:s12+$0xFFFFFEA0]  }
0xaa: {  	[tilespmem:v7+s7+$0x0] =	vst.idx.add.f32.msk $0xffff, v12  }
0xab: {  	[tilespmem:v9+s7+$0x0] =	vst.idx.add.f32.msk $0xffff, v12  }
0xac: {  	[tilespmem:v5+s7+$0x0] =	vst.idx.add.f32.msk $0xffff, v11  }
0xad: {  	v7 =	vld [tilespmem:s12+$0xC0]  }
0xae: {  	v9 =	vld [tilespmem:s12+$0x140]  }
0xaf: {  	v12 =	vld [tilespmem:s22+$0x80]  }
0xb0: {  	[tilespmem:v6+s7+$0x0] =	vst.idx.add.f32.msk $0xffff, v11  }
0xb1: {  	[tilespmem:v1+s7+$0x0] =	vst.idx.add.f32.msk $0xffff, v8  }
0xb2: {  	v5 =	vld [tilespmem:s12+$0xFFFFFFC0]  }
0xb3: {  	v6 =	vld [tilespmem:s12+$0x40]  }
0xb4: {  	v11 =	vld [tilespmem:s22+$0x0]  }
0xb5: {  	[tilespmem:v2+s7+$0x0] =	vst.idx.add.f32.msk $0xffff, v8  }
0xb6: {  	[tilespmem:v3+s7+$0x0] =	vst.idx.add.f32.msk $0xffff, v10  }
0xb7: {  	[tilespmem:v4+s7+$0x0] =	vst.idx.add.f32.msk $0xffff, v10  }
0xb8: {  	v1 =	vld [tilespmem:s12+$0xFFFFFDB0]  }
0xb9: {  	v2 =	vld [tilespmem:s12+$0xFFFFFE30]  }
0xba: {  	v8 =	vld [tilespmem:s22+$0xFFFFFEF0]  }
0xbb: {  	v3 =	vld [tilespmem:s12+$0xFFFFFEB0]  }
0xbc: {  	v4 =	vld [tilespmem:s12+$0xFFFFFF30]  }
0xbd: {  	v10 =	vld [tilespmem:s22+$0xFFFFFF70]  }
0xbe: {  	[tilespmem:v7+s7+$0x0] =	vst.idx.add.f32.msk $0xffff, v12  }
0xbf: {  	[tilespmem:v9+s7+$0x0] =	vst.idx.add.f32.msk $0xffff, v12  }
0xc0: {  	[tilespmem:v5+s7+$0x0] =	vst.idx.add.f32.msk $0xffff, v11  }
0xc1: {  	v7 =	vld [tilespmem:s12+$0xD0]  }
0xc2: {  	v9 =	vld [tilespmem:s12+$0x150]  }
0xc3: {  	v12 =	vld [tilespmem:s22+$0x90]  }
0xc4: {  	[tilespmem:v6+s7+$0x0] =	vst.idx.add.f32.msk $0xffff, v11  }
0xc5: {  	[tilespmem:v1+s7+$0x0] =	vst.idx.add.f32.msk $0xffff, v8  }
0xc6: {  	v5 =	vld [tilespmem:s12+$0xFFFFFFD0]  }
0xc7: {  	v6 =	vld [tilespmem:s12+$0x50]  }
0xc8: {  	v11 =	vld [tilespmem:s22+$0x10]  }
0xc9: {  	[tilespmem:v2+s7+$0x0] =	vst.idx.add.f32.msk $0xffff, v8  }
0xca: {  	[tilespmem:v3+s7+$0x0] =	vst.idx.add.f32.msk $0xffff, v10  }
0xcb: {  	[tilespmem:v4+s7+$0x0] =	vst.idx.add.f32.msk $0xffff, v10  }
0xcc: {  	v1 =	vld [tilespmem:s12+$0xFFFFFDC0]  }
0xcd: {  	v2 =	vld [tilespmem:s12+$0xFFFFFE40]  }
0xce: {  	v8 =	vld [tilespmem:s22+$0xFFFFFF00]  }
0xcf: {  	v3 =	vld [tilespmem:s12+$0xFFFFFEC0]  }
0xd0: {  	v4 =	vld [tilespmem:s12+$0xFFFFFF40]  }
0xd1: {  	v10 =	vld [tilespmem:s22+$0xFFFFFF80]  }
0xd2: {  	[tilespmem:v7+s7+$0x0] =	vst.idx.add.f32.msk $0xffff, v12  }
0xd3: {  	[tilespmem:v9+s7+$0x0] =	vst.idx.add.f32.msk $0xffff, v12  }
0xd4: {  	[tilespmem:v5+s7+$0x0] =	vst.idx.add.f32.msk $0xffff, v11  }
0xd5: {  	v7 =	vld [tilespmem:s12+$0xE0]  }
0xd6: {  	v9 =	vld [tilespmem:s12+$0x160]  }
0xd7: {  	v12 =	vld [tilespmem:s22+$0xA0]  }
0xd8: {  	[tilespmem:v6+s7+$0x0] =	vst.idx.add.f32.msk $0xffff, v11  }
0xd9: {  	[tilespmem:v1+s7+$0x0] =	vst.idx.add.f32.msk $0xffff, v8  }
0xda: {  	v5 =	vld [tilespmem:s12+$0xFFFFFFE0]  }
0xdb: {  	v6 =	vld [tilespmem:s12+$0x60]  }
0xdc: {  	v11 =	vld [tilespmem:s22+$0x20]  }
0xdd: {  	[tilespmem:v2+s7+$0x0] =	vst.idx.add.f32.msk $0xffff, v8  }
0xde: {  	[tilespmem:v3+s7+$0x0] =	vst.idx.add.f32.msk $0xffff, v10  }
0xdf: {  	[tilespmem:v4+s7+$0x0] =	vst.idx.add.f32.msk $0xffff, v10  }
0xe0: {  	v1 =	vld [tilespmem:s12+$0xFFFFFDD0]  }
0xe1: {  	v2 =	vld [tilespmem:s12+$0xFFFFFE50]  }
0xe2: {  	v8 =	vld [tilespmem:s22+$0xFFFFFF10]  }
0xe3: {  	v3 =	vld [tilespmem:s12+$0xFFFFFED0]  }
0xe4: {  	v4 =	vld [tilespmem:s12+$0xFFFFFF50]  }
0xe5: {  	v10 =	vld [tilespmem:s22+$0xFFFFFF90]  }
0xe6: {  	[tilespmem:v7+s7+$0x0] =	vst.idx.add.f32.msk $0xffff, v12  }
0xe7: {  	[tilespmem:v9+s7+$0x0] =	vst.idx.add.f32.msk $0xffff, v12  }
0xe8: {  	[tilespmem:v5+s7+$0x0] =	vst.idx.add.f32.msk $0xffff, v11  }
0xe9: {  	[tilespmem:v6+s7+$0x0] =	vst.idx.add.f32.msk $0xffff, v11  }
0xea: {  	[tilespmem:v1+s7+$0x0] =	vst.idx.add.f32.msk $0xffff, v8  }
0xeb: {  	[tilespmem:v2+s7+$0x0] =	vst.idx.add.f32.msk $0xffff, v8  }
0xec: {  	[tilespmem:v3+s7+$0x0] =	vst.idx.add.f32.msk $0xffff, v10  }
0xed: {  	[tilespmem:v4+s7+$0x0] =	vst.idx.add.f32.msk $0xffff, v10  }
0xee: {  	v1 =	vld [tilespmem:s12+$0xFFFFFDE0]  }
0xef: {  	v2 =	vld [tilespmem:s12+$0xFFFFFE60]  }
0xf0: {  	v8 =	vld [tilespmem:s22+$0xFFFFFF20]  }
0xf1: {  	v3 =	vld [tilespmem:s12+$0xFFFFFEE0]  }
0xf2: {  	v6 =	vld [tilespmem:s12+$0xFFFFFFF0]  }
0xf3: {  	v4 =	vld [tilespmem:s12+$0xFFFFFF60]  }
0xf4: {  	v10 =	vld [tilespmem:s22+$0xFFFFFFA0]  }
0xf5: {  	v5 =	vld [tilespmem:s22+$0x30]  }
0xf6: {  	[tilespmem:v1+s7+$0x0] =	vst.idx.add.f32.msk $0xffff, v8  }
0xf7: {  	v1 =	vld [tilespmem:s12+$0x170]  }
0xf8: {  	[tilespmem:v2+s7+$0x0] =	vst.idx.add.f32.msk $0xffff, v8  }
0xf9: {  	[tilespmem:v3+s7+$0x0] =	vst.idx.add.f32.msk $0xffff, v10  }
0xfa: {  	v3 =	vld [tilespmem:s12+$0xF0]  }
0xfb: {  	[tilespmem:v4+s7+$0x0] =	vst.idx.add.f32.msk $0xffff, v10  }
0xfc: {  	v2 =	vld [tilespmem:s12+$0xFFFFFDF0]  }
0xfd: {  	v11 =	vld [tilespmem:s12+$0xFFFFFE70]  }
0xfe: {  	v4 =	vld [tilespmem:s12+$0x70]  }
0xff: {  	v63 =	vld [tilespmem:s22+$0xFFFFFF30]  }
0x100: {  	v10 =	vld [tilespmem:s22+$0xB0]  }
0x101: {  	v9 =	vld [tilespmem:s12+$0xFFFFFEF0]  }
0x102: {  	v7 =	vld [tilespmem:s12+$0xFFFFFF70]  }
0x103: {  	v8 =	vld [tilespmem:s22+$0xFFFFFFB0]  }
0x104: {  	[tilespmem:v2+s7+$0x0] =	vst.idx.add.f32.msk $0xffff, v63  }
0x105: {  	s11 =	simm.s32 $0x0;
	s12 =	simm.s32 $0x1B500;
	[tilespmem:v11+s7+$0x0] =	vst.idx.add.f32.msk $0xffff, v63  }
.LBB2_5:
0x106: {  	v11 =	vld [tilespmem:s12+$0x180]  }
0x107: {  	v12 =	vld [tilespmem:s12+$0x200];
	v2 =	vmov v10  }
0x108: {  	s22 =	sadd.s32 $0x280, s22;
	v10 =	vld [tilespmem:s12+$0xFFFFFD80]  }
0x109: {  	v13 =	vld [tilespmem:s22+$0xC0]  }
0x10a: {  	v14 =	vld [tilespmem:s12+$0xFFFFFE00]  }
0x10b: {  	v15 =	vld [tilespmem:s12+$0xFFFFFE80]  }
0x10c: {  	v16 =	vld [tilespmem:s12+$0xFFFFFF00]  }
0x10d: {  	v17 =	vld [tilespmem:s12+$0xFFFFFF80]  }
0x10e: {  	s11 =	sadd.s32 $0x5, s11;
	[tilespmem:v11+s7+$0x0] =	vst.idx.add.f32.msk $0xffff, v13  }
0x10f: {  	p1 =	slt.u32 s11, $0x14;
	[tilespmem:v12+s7+$0x0] =	vst.idx.add.f32.msk $0xffff, v13  }
0x110: {  	v11 =	vld [tilespmem:s12+$0x190]  }
0x111: {  	v12 =	vld [tilespmem:s12+$0x210]  }
0x112: {  	v13 =	vld [tilespmem:s12+$0x0]  }
0x113: {  	v18 =	vld [tilespmem:s22+$0xD0]  }
0x114: {  	v19 =	vld [tilespmem:s12+$0x80]  }
0x115: {  	v20 =	vld [tilespmem:s12+$0x100]  }
0x116: {  	v21 =	vld [tilespmem:s22+$0xFFFFFF40]  }
0x117: {  	v22 =	vld [tilespmem:s22+$0xFFFFFFC0]  }
0x118: {  	[tilespmem:v11+s7+$0x0] =	vst.idx.add.f32.msk $0xffff, v18  }
0x119: {  	[tilespmem:v12+s7+$0x0] =	vst.idx.add.f32.msk $0xffff, v18  }
0x11a: {  	v11 =	vld [tilespmem:s12+$0x1A0]  }
0x11b: {  	v12 =	vld [tilespmem:s12+$0x220]  }
0x11c: {  	v18 =	vld [tilespmem:s22+$0x40]  }
0x11d: {  	v23 =	vld [tilespmem:s22+$0xE0]  }
0x11e: {  	v24 =	vld [tilespmem:s22+$0xFFFFFEC0]  }
0x11f: {  	[tilespmem:v15+s7+$0x0] =	vst.idx.add.f32.msk $0xffff, v21  }
0x120: {  	[tilespmem:v16+s7+$0x0] =	vst.idx.add.f32.msk $0xffff, v21  }
0x121: {  	[tilespmem:v17+s7+$0x0] =	vst.idx.add.f32.msk $0xffff, v22  }
0x122: {  	[tilespmem:v11+s7+$0x0] =	vst.idx.add.f32.msk $0xffff, v23  }
0x123: {  	[tilespmem:v12+s7+$0x0] =	vst.idx.add.f32.msk $0xffff, v23  }
0x124: {  	v11 =	vld [tilespmem:s12+$0x1B0]  }
0x125: {  	v12 =	vld [tilespmem:s12+$0x230]  }
0x126: {  	[tilespmem:v10+s7+$0x0] =	vst.idx.add.f32.msk $0xffff, v24  }
0x127: {  	v10 =	vld [tilespmem:s22+$0xF0]  }
0x128: {  	[tilespmem:v14+s7+$0x0] =	vst.idx.add.f32.msk $0xffff, v24  }
0x129: {  	[tilespmem:v13+s7+$0x0] =	vst.idx.add.f32.msk $0xffff, v22  }
0x12a: {  	[tilespmem:v19+s7+$0x0] =	vst.idx.add.f32.msk $0xffff, v18  }
0x12b: {  	[tilespmem:v20+s7+$0x0] =	vst.idx.add.f32.msk $0xffff, v18  }
0x12c: {  	[tilespmem:v11+s7+$0x0] =	vst.idx.add.f32.msk $0xffff, v10  }
0x12d: {  	[tilespmem:v12+s7+$0x0] =	vst.idx.add.f32.msk $0xffff, v10  }
0x12e: {  	v10 =	vld [tilespmem:s12+$0x1C0]  }
0x12f: {  	v11 =	vld [tilespmem:s12+$0x240]  }
0x130: {  	v12 =	vld [tilespmem:s12+$0xFFFFFD90]  }
0x131: {  	v13 =	vld [tilespmem:s22+$0x100]  }
0x132: {  	v14 =	vld [tilespmem:s12+$0xFFFFFE10]  }
0x133: {  	v15 =	vld [tilespmem:s12+$0xFFFFFE90]  }
0x134: {  	v16 =	vld [tilespmem:s12+$0xFFFFFF10]  }
0x135: {  	v17 =	vld [tilespmem:s12+$0xFFFFFF90]  }
0x136: {  	[tilespmem:v10+s7+$0x0] =	vst.idx.add.f32.msk $0xffff, v13  }
0x137: {  	[tilespmem:v11+s7+$0x0] =	vst.idx.add.f32.msk $0xffff, v13  }
0x138: {  	v10 =	vld [tilespmem:s12+$0x1D0]  }
0x139: {  	v11 =	vld [tilespmem:s12+$0x250]  }
0x13a: {  	v13 =	vld [tilespmem:s12+$0x10]  }
0x13b: {  	v18 =	vld [tilespmem:s22+$0x110]  }
0x13c: {  	v19 =	vld [tilespmem:s12+$0x90]  }
0x13d: {  	v20 =	vld [tilespmem:s12+$0x110]  }
0x13e: {  	v21 =	vld [tilespmem:s22+$0xFFFFFED0]  }
0x13f: {  	v22 =	vld [tilespmem:s22+$0xFFFFFF50]  }
0x140: {  	[tilespmem:v10+s7+$0x0] =	vst.idx.add.f32.msk $0xffff, v18  }
0x141: {  	[tilespmem:v11+s7+$0x0] =	vst.idx.add.f32.msk $0xffff, v18  }
0x142: {  	v10 =	vld [tilespmem:s12+$0x1E0]  }
0x143: {  	v11 =	vld [tilespmem:s12+$0x260]  }
0x144: {  	v18 =	vld [tilespmem:s22+$0xFFFFFFD0]  }
0x145: {  	v23 =	vld [tilespmem:s22+$0x120]  }
0x146: {  	v24 =	vld [tilespmem:s22+$0x50]  }
0x147: {  	[tilespmem:v12+s7+$0x0] =	vst.idx.add.f32.msk $0xffff, v21  }
0x148: {  	[tilespmem:v14+s7+$0x0] =	vst.idx.add.f32.msk $0xffff, v21  }
0x149: {  	[tilespmem:v15+s7+$0x0] =	vst.idx.add.f32.msk $0xffff, v22  }
0x14a: {  	[tilespmem:v10+s7+$0x0] =	vst.idx.add.f32.msk $0xffff, v23  }
0x14b: {  	[tilespmem:v11+s7+$0x0] =	vst.idx.add.f32.msk $0xffff, v23  }
0x14c: {  	v10 =	vld [tilespmem:s12+$0x1F0]  }
0x14d: {  	v11 =	vld [tilespmem:s12+$0x270]  }
0x14e: {  	[tilespmem:v16+s7+$0x0] =	vst.idx.add.f32.msk $0xffff, v22  }
0x14f: {  	v12 =	vld [tilespmem:s22+$0x130]  }
0x150: {  	[tilespmem:v17+s7+$0x0] =	vst.idx.add.f32.msk $0xffff, v18  }
0x151: {  	[tilespmem:v13+s7+$0x0] =	vst.idx.add.f32.msk $0xffff, v18  }
0x152: {  	[tilespmem:v19+s7+$0x0] =	vst.idx.add.f32.msk $0xffff, v24  }
0x153: {  	[tilespmem:v20+s7+$0x0] =	vst.idx.add.f32.msk $0xffff, v24  }
0x154: {  	[tilespmem:v10+s7+$0x0] =	vst.idx.add.f32.msk $0xffff, v12  }
0x155: {  	[tilespmem:v11+s7+$0x0] =	vst.idx.add.f32.msk $0xffff, v12  }
0x156: {  	v10 =	vld [tilespmem:s12+$0xFFFFFDA0]  }
0x157: {  	v11 =	vld [tilespmem:s12+$0xFFFFFE20]  }
0x158: {  	v12 =	vld [tilespmem:s12+$0xFFFFFEA0]  }
0x159: {  	v13 =	vld [tilespmem:s12+$0xFFFFFF20]  }
0x15a: {  	v14 =	vld [tilespmem:s12+$0xFFFFFFA0]  }
0x15b: {  	v15 =	vld [tilespmem:s12+$0x20]  }
0x15c: {  	v16 =	vld [tilespmem:s12+$0xA0]  }
0x15d: {  	v17 =	vld [tilespmem:s12+$0x120]  }
0x15e: {  	v18 =	vld [tilespmem:s22+$0xFFFFFEE0]  }
0x15f: {  	v19 =	vld [tilespmem:s22+$0xFFFFFF60]  }
0x160: {  	v20 =	vld [tilespmem:s22+$0xFFFFFFE0]  }
0x161: {  	v21 =	vld [tilespmem:s22+$0x60]  }
0x162: {  	[tilespmem:v9+s7+$0x0] =	vst.idx.add.f32.msk $0xffff, v8  }
0x163: {  	[tilespmem:v10+s7+$0x0] =	vst.idx.add.f32.msk $0xffff, v18  }
0x164: {  	[tilespmem:v11+s7+$0x0] =	vst.idx.add.f32.msk $0xffff, v18  }
0x165: {  	[tilespmem:v12+s7+$0x0] =	vst.idx.add.f32.msk $0xffff, v19  }
0x166: {  	[tilespmem:v13+s7+$0x0] =	vst.idx.add.f32.msk $0xffff, v19  }
0x167: {  	[tilespmem:v14+s7+$0x0] =	vst.idx.add.f32.msk $0xffff, v20  }
0x168: {  	[tilespmem:v15+s7+$0x0] =	vst.idx.add.f32.msk $0xffff, v20  }
0x169: {  	[tilespmem:v16+s7+$0x0] =	vst.idx.add.f32.msk $0xffff, v21  }
0x16a: {  	[tilespmem:v17+s7+$0x0] =	vst.idx.add.f32.msk $0xffff, v21  }
0x16b: {  	v9 =	vld [tilespmem:s12+$0xFFFFFDB0]  }
0x16c: {  	v10 =	vld [tilespmem:s12+$0xFFFFFE30]  }
0x16d: {  	v11 =	vld [tilespmem:s12+$0xFFFFFEB0]  }
0x16e: {  	v12 =	vld [tilespmem:s12+$0xFFFFFF30]  }
0x16f: {  	v13 =	vld [tilespmem:s12+$0xFFFFFFB0]  }
0x170: {  	v14 =	vld [tilespmem:s12+$0x30]  }
0x171: {  	v15 =	vld [tilespmem:s12+$0xB0]  }
0x172: {  	v16 =	vld [tilespmem:s12+$0x130]  }
0x173: {  	v17 =	vld [tilespmem:s22+$0xFFFFFEF0]  }
0x174: {  	v18 =	vld [tilespmem:s22+$0xFFFFFF70]  }
0x175: {  	v19 =	vld [tilespmem:s22+$0xFFFFFFF0]  }
0x176: {  	v20 =	vld [tilespmem:s22+$0x70]  }
0x177: {  	[tilespmem:v7+s7+$0x0] =	vst.idx.add.f32.msk $0xffff, v8  }
0x178: {  	[tilespmem:v9+s7+$0x0] =	vst.idx.add.f32.msk $0xffff, v17  }
0x179: {  	[tilespmem:v10+s7+$0x0] =	vst.idx.add.f32.msk $0xffff, v17  }
0x17a: {  	[tilespmem:v11+s7+$0x0] =	vst.idx.add.f32.msk $0xffff, v18  }
0x17b: {  	[tilespmem:v12+s7+$0x0] =	vst.idx.add.f32.msk $0xffff, v18  }
0x17c: {  	[tilespmem:v13+s7+$0x0] =	vst.idx.add.f32.msk $0xffff, v19  }
0x17d: {  	[tilespmem:v14+s7+$0x0] =	vst.idx.add.f32.msk $0xffff, v19  }
0x17e: {  	[tilespmem:v15+s7+$0x0] =	vst.idx.add.f32.msk $0xffff, v20  }
0x17f: {  	[tilespmem:v16+s7+$0x0] =	vst.idx.add.f32.msk $0xffff, v20  }
0x180: {  	v7 =	vld [tilespmem:s12+$0xFFFFFDC0]  }
0x181: {  	v8 =	vld [tilespmem:s12+$0xFFFFFE40]  }
0x182: {  	v9 =	vld [tilespmem:s12+$0xFFFFFEC0]  }
0x183: {  	v10 =	vld [tilespmem:s12+$0xFFFFFF40]  }
0x184: {  	v11 =	vld [tilespmem:s12+$0xFFFFFFC0]  }
0x185: {  	v12 =	vld [tilespmem:s12+$0x40]  }
0x186: {  	v13 =	vld [tilespmem:s12+$0xC0]  }
0x187: {  	v14 =	vld [tilespmem:s12+$0x140]  }
0x188: {  	v15 =	vld [tilespmem:s22+$0xFFFFFF00]  }
0x189: {  	v16 =	vld [tilespmem:s22+$0xFFFFFF80]  }
0x18a: {  	v17 =	vld [tilespmem:s22+$0x0]  }
0x18b: {  	v18 =	vld [tilespmem:s22+$0x80]  }
0x18c: {  	[tilespmem:v6+s7+$0x0] =	vst.idx.add.f32.msk $0xffff, v5  }
0x18d: {  	[tilespmem:v7+s7+$0x0] =	vst.idx.add.f32.msk $0xffff, v15  }
0x18e: {  	[tilespmem:v8+s7+$0x0] =	vst.idx.add.f32.msk $0xffff, v15  }
0x18f: {  	[tilespmem:v9+s7+$0x0] =	vst.idx.add.f32.msk $0xffff, v16  }
0x190: {  	[tilespmem:v10+s7+$0x0] =	vst.idx.add.f32.msk $0xffff, v16  }
0x191: {  	[tilespmem:v11+s7+$0x0] =	vst.idx.add.f32.msk $0xffff, v17  }
0x192: {  	[tilespmem:v12+s7+$0x0] =	vst.idx.add.f32.msk $0xffff, v17  }
0x193: {  	[tilespmem:v13+s7+$0x0] =	vst.idx.add.f32.msk $0xffff, v18  }
0x194: {  	[tilespmem:v14+s7+$0x0] =	vst.idx.add.f32.msk $0xffff, v18  }
0x195: {  	v6 =	vld [tilespmem:s12+$0xFFFFFDD0]  }
0x196: {  	v7 =	vld [tilespmem:s12+$0xFFFFFE50]  }
0x197: {  	v8 =	vld [tilespmem:s12+$0xFFFFFED0]  }
0x198: {  	v9 =	vld [tilespmem:s12+$0xFFFFFF50]  }
0x199: {  	v10 =	vld [tilespmem:s12+$0xFFFFFFD0]  }
0x19a: {  	v11 =	vld [tilespmem:s12+$0x50]  }
0x19b: {  	v12 =	vld [tilespmem:s12+$0xD0]  }
0x19c: {  	v13 =	vld [tilespmem:s12+$0x150]  }
0x19d: {  	v14 =	vld [tilespmem:s22+$0xFFFFFF10]  }
0x19e: {  	v15 =	vld [tilespmem:s22+$0xFFFFFF90]  }
0x19f: {  	v16 =	vld [tilespmem:s22+$0x10]  }
0x1a0: {  	v17 =	vld [tilespmem:s22+$0x90]  }
0x1a1: {  	[tilespmem:v4+s7+$0x0] =	vst.idx.add.f32.msk $0xffff, v5  }
0x1a2: {  	[tilespmem:v6+s7+$0x0] =	vst.idx.add.f32.msk $0xffff, v14  }
0x1a3: {  	[tilespmem:v7+s7+$0x0] =	vst.idx.add.f32.msk $0xffff, v14  }
0x1a4: {  	[tilespmem:v8+s7+$0x0] =	vst.idx.add.f32.msk $0xffff, v15  }
0x1a5: {  	[tilespmem:v9+s7+$0x0] =	vst.idx.add.f32.msk $0xffff, v15  }
0x1a6: {  	[tilespmem:v10+s7+$0x0] =	vst.idx.add.f32.msk $0xffff, v16  }
0x1a7: {  	[tilespmem:v11+s7+$0x0] =	vst.idx.add.f32.msk $0xffff, v16  }
0x1a8: {  	[tilespmem:v12+s7+$0x0] =	vst.idx.add.f32.msk $0xffff, v17  }
0x1a9: {  	[tilespmem:v13+s7+$0x0] =	vst.idx.add.f32.msk $0xffff, v17  }
0x1aa: {  	v4 =	vld [tilespmem:s12+$0xFFFFFDE0]  }
0x1ab: {  	v5 =	vld [tilespmem:s12+$0xFFFFFE60]  }
0x1ac: {  	v6 =	vld [tilespmem:s12+$0xFFFFFEE0]  }
0x1ad: {  	v7 =	vld [tilespmem:s12+$0xFFFFFF60]  }
0x1ae: {  	v8 =	vld [tilespmem:s12+$0xFFFFFFE0]  }
0x1af: {  	v9 =	vld [tilespmem:s12+$0x60]  }
0x1b0: {  	v10 =	vld [tilespmem:s12+$0xE0]  }
0x1b1: {  	v11 =	vld [tilespmem:s12+$0x160]  }
0x1b2: {  	v12 =	vld [tilespmem:s22+$0xFFFFFF20]  }
0x1b3: {  	v13 =	vld [tilespmem:s22+$0xFFFFFFA0]  }
0x1b4: {  	v14 =	vld [tilespmem:s22+$0x20]  }
0x1b5: {  	v15 =	vld [tilespmem:s22+$0xA0]  }
0x1b6: {  	[tilespmem:v3+s7+$0x0] =	vst.idx.add.f32.msk $0xffff, v2  }
0x1b7: {  	[tilespmem:v4+s7+$0x0] =	vst.idx.add.f32.msk $0xffff, v12  }
0x1b8: {  	[tilespmem:v5+s7+$0x0] =	vst.idx.add.f32.msk $0xffff, v12  }
0x1b9: {  	[tilespmem:v6+s7+$0x0] =	vst.idx.add.f32.msk $0xffff, v13  }
0x1ba: {  	[tilespmem:v7+s7+$0x0] =	vst.idx.add.f32.msk $0xffff, v13  }
0x1bb: {  	[tilespmem:v8+s7+$0x0] =	vst.idx.add.f32.msk $0xffff, v14  }
0x1bc: {  	[tilespmem:v9+s7+$0x0] =	vst.idx.add.f32.msk $0xffff, v14  }
0x1bd: {  	[tilespmem:v10+s7+$0x0] =	vst.idx.add.f32.msk $0xffff, v15  }
0x1be: {  	[tilespmem:v11+s7+$0x0] =	vst.idx.add.f32.msk $0xffff, v15  }
0x1bf: {  	v11 =	vld [tilespmem:s12+$0xFFFFFDF0]  }
0x1c0: {  	v12 =	vld [tilespmem:s12+$0xFFFFFE70]  }
0x1c1: {  	v9 =	vld [tilespmem:s12+$0xFFFFFEF0]  }
0x1c2: {  	v7 =	vld [tilespmem:s12+$0xFFFFFF70]  }
0x1c3: {  	v6 =	vld [tilespmem:s12+$0xFFFFFFF0]  }
0x1c4: {  	v4 =	vld [tilespmem:s12+$0x70]  }
0x1c5: {  	v3 =	vld [tilespmem:s12+$0xF0]  }
0x1c6: {  	v13 =	vld [tilespmem:s12+$0x170]  }
0x1c7: {  	v14 =	vld [tilespmem:s22+$0xFFFFFF30]  }
0x1c8: {  	v8 =	vld [tilespmem:s22+$0xFFFFFFB0]  }
.Ltmp1:
0x1c9: {  	v5 =	vld [tilespmem:s22+$0x30];
	(pc) =	sbr.rel @p1 .LBB2_5-.Ltmp1, $4  }
0x1ca: {  	v10 =	vld [tilespmem:s22+$0xB0]  }
0x1cb: {  	[tilespmem:v1+s7+$0x0] =	vst.idx.add.f32.msk $0xffff, v2;
	v1 =	vmov v13  }
0x1cc: {  	[tilespmem:v11+s7+$0x0] =	vst.idx.add.f32.msk $0xffff, v14  }
0x1cd: {  	s12 =	sadd.s32 $0x500, s12;
	[tilespmem:v12+s7+$0x0] =	vst.idx.add.f32.msk $0xffff, v14  }
0x1ce: {  	_ =	sdelay $0x3  }
0x1cf: {  	[tilespmem:v9+s7+$0x0] =	vst.idx.add.f32.msk $0xffff, v8  }
0x1d0: {  	[tilespmem:v6+s7+$0x0] =	vst.idx.add.f32.msk $0xffff, v5  }
0x1d1: {  	[tilespmem:v7+s7+$0x0] =	vst.idx.add.f32.msk $0xffff, v8  }
0x1d2: {  	[tilespmem:v4+s7+$0x0] =	vst.idx.add.f32.msk $0xffff, v5  }
0x1d3: {  	[tilespmem:v3+s7+$0x0] =	vst.idx.add.f32.msk $0xffff, v10  }
0x1d4: {  	[tilespmem:v1+s7+$0x0] =	vst.idx.add.f32.msk $0xffff, v10  }
0x1d5: {  	_ =	swait.ge [sflag:s9], $0xC80  }
0x1d6: {  	s11 =	sadd.s32 s19, s8;
	[sflag:s9] =	ssyncset.done $0x0  }
0x1d7: {  	s12 =	sshll.u32 s11, $0xA;
	[sflag:s9] =	ssyncadd.s32 $0xFFFFF380  }
0x1d8: {  	s12 =	sadd.s32 s13, s12;
	_ =	swait.ge [sflag:s9], $0x1900  }
0x1d9: {  	s12 =	sshrl.u32 s12, $0x3;
	[sflag:s9] =	ssyncset.done $0x0  }
0x1da: {  	s12 =	sadd.s32 s2, s12;
	[sflag:s9] =	ssyncadd.s32 $0xFFFFE700  }
0x1db: {  	[hbm4b:s12+s23] =	stream.strided.scatter [tilespmem:s28], [sflag:$0x5], $0xC80, s24, s23, $0x38;
	[tilespmem:$0x1F880] =	vst v63  }
0x1dc: {  	s12 =	simm.s32 @p0 $0x4  }
0x1dd: {  	_ =	swait.ge @p0 [sflag:s12], $0xC80  }
0x1de: {  	s22 =	simm.s32 @!p0 $0x1C680;
	s11 =	sshll.u32 @!p0 s11, $0x5;
	[sflag:s12] =	ssyncset.done @p0 $0x0  }
0x1df: {  	s11 =	sadd.s32 @!p0 s5, s11;
	[sflag:s12] =	ssyncadd.s32 @p0 $0xFFFFF380;
	s12 =	simm.s32 @!p0 $0x0  }
0x1e0: {  	[hbm4b:s11+s12] =	stream.linear.scatter @!p0 [tilespmem:s22], [sflag:$0x5], $0x1900, $0x38;
	[tilespmem:$0x1F880] =	vst v63  }
0x1e1: {  	s11 =	simm.s32 @!p0 $0x4  }
0x1e2: {  	_ =	swait.ge @!p0 [sflag:s11], $0xC80  }
0x1e3: {  	s12 =	sadd.s32 s19, s15;
	[sflag:s11] =	ssyncset.done @!p0 $0x0  }
0x1e4: {  	s22 =	sshll.u32 s12, $0xA;
	[sflag:s11] =	ssyncadd.s32 @!p0 $0xFFFFF380  }
0x1e5: {  	s22 =	sadd.s32 s13, s22;
	_ =	swait.ge @!p0 [sflag:s11], $0x1900  }
0x1e6: {  	s22 =	sshrl.u32 s22, $0x3;
	[sflag:s11] =	ssyncset.done @!p0 $0x0  }
0x1e7: {  	s22 =	sadd.s32 s0, s22;
	[sflag:s11] =	ssyncadd.s32 @!p0 $0xFFFFE700  }
0x1e8: {  	[tilespmem:s25], [sflag:$0x1] =	stream.strided.gather [hbm4b:s22+s23], $0xC80, s24, s23, $0x38;
	[tilespmem:$0x1F880] =	vst v63  }
0x1e9: {  	s22 =	sshll.u32 s12, $0x5  }
0x1ea: {  	s12 =	simm.s32 $0x1C900;
	s11 =	sadd.s32 s1, s22  }
0x1eb: {  	[tilespmem:s26], [sflag:$0x1] =	stream.linear.gather [hbm4b:s11+s7], $0x1900, $0x38;
	[tilespmem:$0x1F880] =	vst v63  }
0x1ec: {  	v1 =	vld [tilespmem:s12+$0x180]  }
0x1ed: {  	v2 =	vld [tilespmem:s12+$0x200]  }
0x1ee: {  	s22 =	simm.s32 $0x195C0;
	v3 =	vld [tilespmem:s12+$0xFFFFFD80]  }
0x1ef: {  	v4 =	vld [tilespmem:s22+$0xC0]  }
0x1f0: {  	v5 =	vld [tilespmem:s12+$0xFFFFFE00]  }
0x1f1: {  	v6 =	vld [tilespmem:s12+$0xFFFFFE80]  }
0x1f2: {  	v7 =	vld [tilespmem:s12+$0xFFFFFF00]  }
0x1f3: {  	v8 =	vld [tilespmem:s12+$0xFFFFFF80]  }
0x1f4: {  	v10 =	vld [tilespmem:s12+$0x80]  }
0x1f5: {  	v12 =	vld [tilespmem:s22+$0xFFFFFF40]  }
0x1f6: {  	v15 =	vld [tilespmem:s22+$0xFFFFFEC0]  }
0x1f7: {  	v11 =	vld [tilespmem:s12+$0x100]  }
0x1f8: {  	v13 =	vld [tilespmem:s22+$0xFFFFFFC0]  }
0x1f9: {  	[tilespmem:v1+s7+$0x0] =	vst.idx.add.f32.msk $0xffff, v4  }
0x1fa: {  	[tilespmem:v6+s7+$0x0] =	vst.idx.add.f32.msk $0xffff, v12  }
0x1fb: {  	[tilespmem:v3+s7+$0x0] =	vst.idx.add.f32.msk $0xffff, v15  }
0x1fc: {  	[tilespmem:v2+s7+$0x0] =	vst.idx.add.f32.msk $0xffff, v4  }
0x1fd: {  	v4 =	vld [tilespmem:s12+$0x0]  }
0x1fe: {  	[tilespmem:v7+s7+$0x0] =	vst.idx.add.f32.msk $0xffff, v12  }
0x1ff: {  	v1 =	vld [tilespmem:s12+$0x190]  }
0x200: {  	v2 =	vld [tilespmem:s12+$0x210]  }
0x201: {  	[tilespmem:v8+s7+$0x0] =	vst.idx.add.f32.msk $0xffff, v13  }
0x202: {  	v9 =	vld [tilespmem:s22+$0xD0]  }
0x203: {  	[tilespmem:v5+s7+$0x0] =	vst.idx.add.f32.msk $0xffff, v15  }
0x204: {  	v5 =	vld [tilespmem:s12+$0xFFFFFE10]  }
0x205: {  	v6 =	vld [tilespmem:s12+$0xFFFFFE90]  }
0x206: {  	v7 =	vld [tilespmem:s12+$0xFFFFFF10]  }
0x207: {  	[tilespmem:v1+s7+$0x0] =	vst.idx.add.f32.msk $0xffff, v9  }
0x208: {  	[tilespmem:v2+s7+$0x0] =	vst.idx.add.f32.msk $0xffff, v9  }
0x209: {  	v1 =	vld [tilespmem:s12+$0x1A0]  }
0x20a: {  	v2 =	vld [tilespmem:s12+$0x220]  }
0x20b: {  	v59 =	vld [tilespmem:s22+$0xFFFFFED0]  }
0x20c: {  	v14 =	vld [tilespmem:s22+$0xE0]  }
0x20d: {  	v60 =	vld [tilespmem:s22+$0xFFFFFF50]  }
0x20e: {  	[tilespmem:v4+s7+$0x0] =	vst.idx.add.f32.msk $0xffff, v13  }
0x20f: {  	v8 =	vld [tilespmem:s12+$0xFFFFFF90]  }
0x210: {  	v9 =	vld [tilespmem:s22+$0x40]  }
0x211: {  	[tilespmem:v1+s7+$0x0] =	vst.idx.add.f32.msk $0xffff, v14  }
0x212: {  	[tilespmem:v2+s7+$0x0] =	vst.idx.add.f32.msk $0xffff, v14  }
0x213: {  	v1 =	vld [tilespmem:s12+$0x1B0]  }
0x214: {  	v2 =	vld [tilespmem:s12+$0x230]  }
0x215: {  	[tilespmem:v6+s7+$0x0] =	vst.idx.add.f32.msk $0xffff, v60  }
0x216: {  	v3 =	vld [tilespmem:s22+$0xF0]  }
0x217: {  	[tilespmem:v10+s7+$0x0] =	vst.idx.add.f32.msk $0xffff, v9  }
0x218: {  	[tilespmem:v11+s7+$0x0] =	vst.idx.add.f32.msk $0xffff, v9  }
0x219: {  	v10 =	vld [tilespmem:s12+$0x90]  }
0x21a: {  	v61 =	vld [tilespmem:s22+$0x50]  }
0x21b: {  	[tilespmem:v1+s7+$0x0] =	vst.idx.add.f32.msk $0xffff, v3  }
0x21c: {  	[tilespmem:v2+s7+$0x0] =	vst.idx.add.f32.msk $0xffff, v3  }
0x21d: {  	v1 =	vld [tilespmem:s12+$0x1C0]  }
0x21e: {  	v2 =	vld [tilespmem:s12+$0x240]  }
0x21f: {  	[tilespmem:v7+s7+$0x0] =	vst.idx.add.f32.msk $0xffff, v60  }
0x220: {  	v4 =	vld [tilespmem:s22+$0x100]  }
0x221: {  	v11 =	vld [tilespmem:s12+$0x110]  }
0x222: {  	[tilespmem:v10+s7+$0x0] =	vst.idx.add.f32.msk $0xffff, v61  }
0x223: {  	v10 =	vld [tilespmem:s22+$0xFFFFFF60]  }
0x224: {  	v3 =	vld [tilespmem:s12+$0xFFFFFD90]  }
0x225: {  	[tilespmem:v1+s7+$0x0] =	vst.idx.add.f32.msk $0xffff, v4  }
0x226: {  	[tilespmem:v2+s7+$0x0] =	vst.idx.add.f32.msk $0xffff, v4  }
0x227: {  	v1 =	vld [tilespmem:s12+$0x1D0]  }
0x228: {  	v2 =	vld [tilespmem:s12+$0x250]  }
0x229: {  	[tilespmem:v11+s7+$0x0] =	vst.idx.add.f32.msk $0xffff, v61  }
0x22a: {  	v9 =	vld [tilespmem:s22+$0x110]  }
0x22b: {  	v7 =	vld [tilespmem:s12+$0xA0]  }
0x22c: {  	v62 =	vld [tilespmem:s22+$0x60]  }
0x22d: {  	[tilespmem:v3+s7+$0x0] =	vst.idx.add.f32.msk $0xffff, v59  }
0x22e: {  	v4 =	vld [tilespmem:s12+$0x10]  }
0x22f: {  	[tilespmem:v1+s7+$0x0] =	vst.idx.add.f32.msk $0xffff, v9  }
0x230: {  	[tilespmem:v2+s7+$0x0] =	vst.idx.add.f32.msk $0xffff, v9  }
0x231: {  	v9 =	vld [tilespmem:s22+$0xFFFFFFD0]  }
0x232: {  	[tilespmem:v5+s7+$0x0] =	vst.idx.add.f32.msk $0xffff, v59  }
0x233: {  	v1 =	vld [tilespmem:s12+$0x1E0]  }
0x234: {  	v2 =	vld [tilespmem:s12+$0x260]  }
0x235: {  	v14 =	vld [tilespmem:s22+$0x120]  }
0x236: {  	[tilespmem:v8+s7+$0x0] =	vst.idx.add.f32.msk $0xffff, v9  }
0x237: {  	v8 =	vld [tilespmem:s22+$0xFFFFFEE0]  }
0x238: {  	[tilespmem:v4+s7+$0x0] =	vst.idx.add.f32.msk $0xffff, v9  }
0x239: {  	v4 =	vld [tilespmem:s12+$0xFFFFFF20]  }
0x23a: {  	v9 =	vld [tilespmem:s12+$0x120]  }
0x23b: {  	[tilespmem:v7+s7+$0x0] =	vst.idx.add.f32.msk $0xffff, v62  }
0x23c: {  	v5 =	vld [tilespmem:s12+$0xFFFFFFA0]  }
0x23d: {  	v6 =	vld [tilespmem:s12+$0x20]  }
0x23e: {  	v11 =	vld [tilespmem:s22+$0xFFFFFFE0]  }
0x23f: {  	[tilespmem:v1+s7+$0x0] =	vst.idx.add.f32.msk $0xffff, v14  }
0x240: {  	[tilespmem:v2+s7+$0x0] =	vst.idx.add.f32.msk $0xffff, v14  }
0x241: {  	v1 =	vld [tilespmem:s12+$0x1F0]  }
0x242: {  	v2 =	vld [tilespmem:s12+$0x270]  }
0x243: {  	v3 =	vld [tilespmem:s22+$0x130]  }
0x244: {  	[tilespmem:v9+s7+$0x0] =	vst.idx.add.f32.msk $0xffff, v62  }
0x245: {  	[tilespmem:v5+s7+$0x0] =	vst.idx.add.f32.msk $0xffff, v11  }
0x246: {  	v7 =	vld [tilespmem:s12+$0xB0]  }
0x247: {  	v9 =	vld [tilespmem:s12+$0x130]  }
0x248: {  	v12 =	vld [tilespmem:s22+$0x70]  }
0x249: {  	[tilespmem:v6+s7+$0x0] =	vst.idx.add.f32.msk $0xffff, v11  }
0x24a: {  	v5 =	vld [tilespmem:s12+$0xFFFFFFB0]  }
0x24b: {  	v6 =	vld [tilespmem:s12+$0x30]  }
0x24c: {  	v11 =	vld [tilespmem:s22+$0xFFFFFFF0]  }
0x24d: {  	[tilespmem:v1+s7+$0x0] =	vst.idx.add.f32.msk $0xffff, v3  }
0x24e: {  	v1 =	vld [tilespmem:s12+$0xFFFFFDA0]  }
0x24f: {  	[tilespmem:v2+s7+$0x0] =	vst.idx.add.f32.msk $0xffff, v3  }
0x250: {  	v2 =	vld [tilespmem:s12+$0xFFFFFE20]  }
0x251: {  	v3 =	vld [tilespmem:s12+$0xFFFFFEA0]  }
0x252: {  	[tilespmem:v7+s7+$0x0] =	vst.idx.add.f32.msk $0xffff, v12  }
0x253: {  	[tilespmem:v9+s7+$0x0] =	vst.idx.add.f32.msk $0xffff, v12  }
0x254: {  	[tilespmem:v5+s7+$0x0] =	vst.idx.add.f32.msk $0xffff, v11  }
0x255: {  	v7 =	vld [tilespmem:s12+$0xC0]  }
0x256: {  	v9 =	vld [tilespmem:s12+$0x140]  }
0x257: {  	v12 =	vld [tilespmem:s22+$0x80]  }
0x258: {  	[tilespmem:v6+s7+$0x0] =	vst.idx.add.f32.msk $0xffff, v11  }
0x259: {  	[tilespmem:v1+s7+$0x0] =	vst.idx.add.f32.msk $0xffff, v8  }
0x25a: {  	v5 =	vld [tilespmem:s12+$0xFFFFFFC0]  }
0x25b: {  	v6 =	vld [tilespmem:s12+$0x40]  }
0x25c: {  	v11 =	vld [tilespmem:s22+$0x0]  }
0x25d: {  	[tilespmem:v2+s7+$0x0] =	vst.idx.add.f32.msk $0xffff, v8  }
0x25e: {  	[tilespmem:v3+s7+$0x0] =	vst.idx.add.f32.msk $0xffff, v10  }
0x25f: {  	[tilespmem:v4+s7+$0x0] =	vst.idx.add.f32.msk $0xffff, v10  }
0x260: {  	v1 =	vld [tilespmem:s12+$0xFFFFFDB0]  }
0x261: {  	v2 =	vld [tilespmem:s12+$0xFFFFFE30]  }
0x262: {  	v8 =	vld [tilespmem:s22+$0xFFFFFEF0]  }
0x263: {  	v3 =	vld [tilespmem:s12+$0xFFFFFEB0]  }
0x264: {  	v4 =	vld [tilespmem:s12+$0xFFFFFF30]  }
0x265: {  	v10 =	vld [tilespmem:s22+$0xFFFFFF70]  }
0x266: {  	[tilespmem:v7+s7+$0x0] =	vst.idx.add.f32.msk $0xffff, v12  }
0x267: {  	[tilespmem:v9+s7+$0x0] =	vst.idx.add.f32.msk $0xffff, v12  }
0x268: {  	[tilespmem:v5+s7+$0x0] =	vst.idx.add.f32.msk $0xffff, v11  }
0x269: {  	v7 =	vld [tilespmem:s12+$0xD0]  }
0x26a: {  	v9 =	vld [tilespmem:s12+$0x150]  }
0x26b: {  	v12 =	vld [tilespmem:s22+$0x90]  }
0x26c: {  	[tilespmem:v6+s7+$0x0] =	vst.idx.add.f32.msk $0xffff, v11  }
0x26d: {  	[tilespmem:v1+s7+$0x0] =	vst.idx.add.f32.msk $0xffff, v8  }
0x26e: {  	v5 =	vld [tilespmem:s12+$0xFFFFFFD0]  }
0x26f: {  	v6 =	vld [tilespmem:s12+$0x50]  }
0x270: {  	v11 =	vld [tilespmem:s22+$0x10]  }
0x271: {  	[tilespmem:v2+s7+$0x0] =	vst.idx.add.f32.msk $0xffff, v8  }
0x272: {  	[tilespmem:v3+s7+$0x0] =	vst.idx.add.f32.msk $0xffff, v10  }
0x273: {  	[tilespmem:v4+s7+$0x0] =	vst.idx.add.f32.msk $0xffff, v10  }
0x274: {  	v1 =	vld [tilespmem:s12+$0xFFFFFDC0]  }
0x275: {  	v2 =	vld [tilespmem:s12+$0xFFFFFE40]  }
0x276: {  	v8 =	vld [tilespmem:s22+$0xFFFFFF00]  }
0x277: {  	v3 =	vld [tilespmem:s12+$0xFFFFFEC0]  }
0x278: {  	v4 =	vld [tilespmem:s12+$0xFFFFFF40]  }
0x279: {  	v10 =	vld [tilespmem:s22+$0xFFFFFF80]  }
0x27a: {  	[tilespmem:v7+s7+$0x0] =	vst.idx.add.f32.msk $0xffff, v12  }
0x27b: {  	[tilespmem:v9+s7+$0x0] =	vst.idx.add.f32.msk $0xffff, v12  }
0x27c: {  	[tilespmem:v5+s7+$0x0] =	vst.idx.add.f32.msk $0xffff, v11  }
0x27d: {  	v7 =	vld [tilespmem:s12+$0xE0]  }
0x27e: {  	v9 =	vld [tilespmem:s12+$0x160]  }
0x27f: {  	v12 =	vld [tilespmem:s22+$0xA0]  }
0x280: {  	[tilespmem:v6+s7+$0x0] =	vst.idx.add.f32.msk $0xffff, v11  }
0x281: {  	[tilespmem:v1+s7+$0x0] =	vst.idx.add.f32.msk $0xffff, v8  }
0x282: {  	v5 =	vld [tilespmem:s12+$0xFFFFFFE0]  }
0x283: {  	v6 =	vld [tilespmem:s12+$0x60]  }
0x284: {  	v11 =	vld [tilespmem:s22+$0x20]  }
0x285: {  	[tilespmem:v2+s7+$0x0] =	vst.idx.add.f32.msk $0xffff, v8  }
0x286: {  	[tilespmem:v3+s7+$0x0] =	vst.idx.add.f32.msk $0xffff, v10  }
0x287: {  	[tilespmem:v4+s7+$0x0] =	vst.idx.add.f32.msk $0xffff, v10  }
0x288: {  	v1 =	vld [tilespmem:s12+$0xFFFFFDD0]  }
0x289: {  	v2 =	vld [tilespmem:s12+$0xFFFFFE50]  }
0x28a: {  	v8 =	vld [tilespmem:s22+$0xFFFFFF10]  }
0x28b: {  	v3 =	vld [tilespmem:s12+$0xFFFFFED0]  }
0x28c: {  	v4 =	vld [tilespmem:s12+$0xFFFFFF50]  }
0x28d: {  	v10 =	vld [tilespmem:s22+$0xFFFFFF90]  }
0x28e: {  	[tilespmem:v7+s7+$0x0] =	vst.idx.add.f32.msk $0xffff, v12  }
0x28f: {  	[tilespmem:v9+s7+$0x0] =	vst.idx.add.f32.msk $0xffff, v12  }
0x290: {  	[tilespmem:v5+s7+$0x0] =	vst.idx.add.f32.msk $0xffff, v11  }
0x291: {  	[tilespmem:v6+s7+$0x0] =	vst.idx.add.f32.msk $0xffff, v11  }
0x292: {  	[tilespmem:v1+s7+$0x0] =	vst.idx.add.f32.msk $0xffff, v8  }
0x293: {  	[tilespmem:v2+s7+$0x0] =	vst.idx.add.f32.msk $0xffff, v8  }
0x294: {  	[tilespmem:v3+s7+$0x0] =	vst.idx.add.f32.msk $0xffff, v10  }
0x295: {  	[tilespmem:v4+s7+$0x0] =	vst.idx.add.f32.msk $0xffff, v10  }
0x296: {  	v1 =	vld [tilespmem:s12+$0xFFFFFDE0]  }
0x297: {  	v2 =	vld [tilespmem:s12+$0xFFFFFE60]  }
0x298: {  	v8 =	vld [tilespmem:s22+$0xFFFFFF20]  }
0x299: {  	v3 =	vld [tilespmem:s12+$0xFFFFFEE0]  }
0x29a: {  	v6 =	vld [tilespmem:s12+$0xFFFFFFF0]  }
0x29b: {  	v4 =	vld [tilespmem:s12+$0xFFFFFF60]  }
0x29c: {  	v10 =	vld [tilespmem:s22+$0xFFFFFFA0]  }
0x29d: {  	v5 =	vld [tilespmem:s22+$0x30]  }
0x29e: {  	[tilespmem:v1+s7+$0x0] =	vst.idx.add.f32.msk $0xffff, v8  }
0x29f: {  	v1 =	vld [tilespmem:s12+$0x170]  }
0x2a0: {  	[tilespmem:v2+s7+$0x0] =	vst.idx.add.f32.msk $0xffff, v8  }
0x2a1: {  	[tilespmem:v3+s7+$0x0] =	vst.idx.add.f32.msk $0xffff, v10  }
0x2a2: {  	v3 =	vld [tilespmem:s12+$0xF0]  }
0x2a3: {  	[tilespmem:v4+s7+$0x0] =	vst.idx.add.f32.msk $0xffff, v10  }
0x2a4: {  	v2 =	vld [tilespmem:s12+$0xFFFFFDF0]  }
0x2a5: {  	v11 =	vld [tilespmem:s12+$0xFFFFFE70]  }
0x2a6: {  	v4 =	vld [tilespmem:s12+$0x70]  }
0x2a7: {  	v63 =	vld [tilespmem:s22+$0xFFFFFF30]  }
0x2a8: {  	v10 =	vld [tilespmem:s22+$0xB0]  }
0x2a9: {  	v9 =	vld [tilespmem:s12+$0xFFFFFEF0]  }
0x2aa: {  	v7 =	vld [tilespmem:s12+$0xFFFFFF70]  }
0x2ab: {  	v8 =	vld [tilespmem:s22+$0xFFFFFFB0]  }
0x2ac: {  	[tilespmem:v2+s7+$0x0] =	vst.idx.add.f32.msk $0xffff, v63  }
0x2ad: {  	s11 =	simm.s32 $0x0;
	s12 =	simm.s32 $0x1CE00;
	[tilespmem:v11+s7+$0x0] =	vst.idx.add.f32.msk $0xffff, v63  }
.LBB2_7:
0x2ae: {  	v11 =	vld [tilespmem:s12+$0x180]  }
0x2af: {  	v12 =	vld [tilespmem:s12+$0x200];
	v2 =	vmov v10  }
0x2b0: {  	s22 =	sadd.s32 $0x280, s22;
	v10 =	vld [tilespmem:s12+$0xFFFFFD80]  }
0x2b1: {  	v13 =	vld [tilespmem:s22+$0xC0]  }
0x2b2: {  	v14 =	vld [tilespmem:s12+$0xFFFFFE00]  }
0x2b3: {  	v15 =	vld [tilespmem:s12+$0xFFFFFE80]  }
0x2b4: {  	v16 =	vld [tilespmem:s12+$0xFFFFFF00]  }
0x2b5: {  	v17 =	vld [tilespmem:s12+$0xFFFFFF80]  }
0x2b6: {  	s11 =	sadd.s32 $0x5, s11;
	[tilespmem:v11+s7+$0x0] =	vst.idx.add.f32.msk $0xffff, v13  }
0x2b7: {  	p1 =	slt.u32 s11, $0x14;
	[tilespmem:v12+s7+$0x0] =	vst.idx.add.f32.msk $0xffff, v13  }
0x2b8: {  	v11 =	vld [tilespmem:s12+$0x190]  }
0x2b9: {  	v12 =	vld [tilespmem:s12+$0x210]  }
0x2ba: {  	v13 =	vld [tilespmem:s12+$0x0]  }
0x2bb: {  	v18 =	vld [tilespmem:s22+$0xD0]  }
0x2bc: {  	v19 =	vld [tilespmem:s12+$0x80]  }
0x2bd: {  	v20 =	vld [tilespmem:s12+$0x100]  }
0x2be: {  	v21 =	vld [tilespmem:s22+$0xFFFFFF40]  }
0x2bf: {  	v22 =	vld [tilespmem:s22+$0xFFFFFFC0]  }
0x2c0: {  	[tilespmem:v11+s7+$0x0] =	vst.idx.add.f32.msk $0xffff, v18  }
0x2c1: {  	[tilespmem:v12+s7+$0x0] =	vst.idx.add.f32.msk $0xffff, v18  }
0x2c2: {  	v11 =	vld [tilespmem:s12+$0x1A0]  }
0x2c3: {  	v12 =	vld [tilespmem:s12+$0x220]  }
0x2c4: {  	v18 =	vld [tilespmem:s22+$0x40]  }
0x2c5: {  	v23 =	vld [tilespmem:s22+$0xE0]  }
0x2c6: {  	v24 =	vld [tilespmem:s22+$0xFFFFFEC0]  }
0x2c7: {  	[tilespmem:v15+s7+$0x0] =	vst.idx.add.f32.msk $0xffff, v21  }
0x2c8: {  	[tilespmem:v16+s7+$0x0] =	vst.idx.add.f32.msk $0xffff, v21  }
0x2c9: {  	[tilespmem:v17+s7+$0x0] =	vst.idx.add.f32.msk $0xffff, v22  }
0x2ca: {  	[tilespmem:v11+s7+$0x0] =	vst.idx.add.f32.msk $0xffff, v23  }
0x2cb: {  	[tilespmem:v12+s7+$0x0] =	vst.idx.add.f32.msk $0xffff, v23  }
0x2cc: {  	v11 =	vld [tilespmem:s12+$0x1B0]  }
0x2cd: {  	v12 =	vld [tilespmem:s12+$0x230]  }
0x2ce: {  	[tilespmem:v10+s7+$0x0] =	vst.idx.add.f32.msk $0xffff, v24  }
0x2cf: {  	v10 =	vld [tilespmem:s22+$0xF0]  }
0x2d0: {  	[tilespmem:v14+s7+$0x0] =	vst.idx.add.f32.msk $0xffff, v24  }
0x2d1: {  	[tilespmem:v13+s7+$0x0] =	vst.idx.add.f32.msk $0xffff, v22  }
0x2d2: {  	[tilespmem:v19+s7+$0x0] =	vst.idx.add.f32.msk $0xffff, v18  }
0x2d3: {  	[tilespmem:v20+s7+$0x0] =	vst.idx.add.f32.msk $0xffff, v18  }
0x2d4: {  	[tilespmem:v11+s7+$0x0] =	vst.idx.add.f32.msk $0xffff, v10  }
0x2d5: {  	[tilespmem:v12+s7+$0x0] =	vst.idx.add.f32.msk $0xffff, v10  }
0x2d6: {  	v10 =	vld [tilespmem:s12+$0x1C0]  }
0x2d7: {  	v11 =	vld [tilespmem:s12+$0x240]  }
0x2d8: {  	v12 =	vld [tilespmem:s12+$0xFFFFFD90]  }
0x2d9: {  	v13 =	vld [tilespmem:s22+$0x100]  }
0x2da: {  	v14 =	vld [tilespmem:s12+$0xFFFFFE10]  }
0x2db: {  	v15 =	vld [tilespmem:s12+$0xFFFFFE90]  }
0x2dc: {  	v16 =	vld [tilespmem:s12+$0xFFFFFF10]  }
0x2dd: {  	v17 =	vld [tilespmem:s12+$0xFFFFFF90]  }
0x2de: {  	[tilespmem:v10+s7+$0x0] =	vst.idx.add.f32.msk $0xffff, v13  }
0x2df: {  	[tilespmem:v11+s7+$0x0] =	vst.idx.add.f32.msk $0xffff, v13  }
0x2e0: {  	v10 =	vld [tilespmem:s12+$0x1D0]  }
0x2e1: {  	v11 =	vld [tilespmem:s12+$0x250]  }
0x2e2: {  	v13 =	vld [tilespmem:s12+$0x10]  }
0x2e3: {  	v18 =	vld [tilespmem:s22+$0x110]  }
0x2e4: {  	v19 =	vld [tilespmem:s12+$0x90]  }
0x2e5: {  	v20 =	vld [tilespmem:s12+$0x110]  }
0x2e6: {  	v21 =	vld [tilespmem:s22+$0xFFFFFED0]  }
0x2e7: {  	v22 =	vld [tilespmem:s22+$0xFFFFFF50]  }
0x2e8: {  	[tilespmem:v10+s7+$0x0] =	vst.idx.add.f32.msk $0xffff, v18  }
0x2e9: {  	[tilespmem:v11+s7+$0x0] =	vst.idx.add.f32.msk $0xffff, v18  }
0x2ea: {  	v10 =	vld [tilespmem:s12+$0x1E0]  }
0x2eb: {  	v11 =	vld [tilespmem:s12+$0x260]  }
0x2ec: {  	v18 =	vld [tilespmem:s22+$0xFFFFFFD0]  }
0x2ed: {  	v23 =	vld [tilespmem:s22+$0x120]  }
0x2ee: {  	v24 =	vld [tilespmem:s22+$0x50]  }
0x2ef: {  	[tilespmem:v12+s7+$0x0] =	vst.idx.add.f32.msk $0xffff, v21  }
0x2f0: {  	[tilespmem:v14+s7+$0x0] =	vst.idx.add.f32.msk $0xffff, v21  }
0x2f1: {  	[tilespmem:v15+s7+$0x0] =	vst.idx.add.f32.msk $0xffff, v22  }
0x2f2: {  	[tilespmem:v10+s7+$0x0] =	vst.idx.add.f32.msk $0xffff, v23  }
0x2f3: {  	[tilespmem:v11+s7+$0x0] =	vst.idx.add.f32.msk $0xffff, v23  }
0x2f4: {  	v10 =	vld [tilespmem:s12+$0x1F0]  }
0x2f5: {  	v11 =	vld [tilespmem:s12+$0x270]  }
0x2f6: {  	[tilespmem:v16+s7+$0x0] =	vst.idx.add.f32.msk $0xffff, v22  }
0x2f7: {  	v12 =	vld [tilespmem:s22+$0x130]  }
0x2f8: {  	[tilespmem:v17+s7+$0x0] =	vst.idx.add.f32.msk $0xffff, v18  }
0x2f9: {  	[tilespmem:v13+s7+$0x0] =	vst.idx.add.f32.msk $0xffff, v18  }
0x2fa: {  	[tilespmem:v19+s7+$0x0] =	vst.idx.add.f32.msk $0xffff, v24  }
0x2fb: {  	[tilespmem:v20+s7+$0x0] =	vst.idx.add.f32.msk $0xffff, v24  }
0x2fc: {  	[tilespmem:v10+s7+$0x0] =	vst.idx.add.f32.msk $0xffff, v12  }
0x2fd: {  	[tilespmem:v11+s7+$0x0] =	vst.idx.add.f32.msk $0xffff, v12  }
0x2fe: {  	v10 =	vld [tilespmem:s12+$0xFFFFFDA0]  }
0x2ff: {  	v11 =	vld [tilespmem:s12+$0xFFFFFE20]  }
0x300: {  	v12 =	vld [tilespmem:s12+$0xFFFFFEA0]  }
0x301: {  	v13 =	vld [tilespmem:s12+$0xFFFFFF20]  }
0x302: {  	v14 =	vld [tilespmem:s12+$0xFFFFFFA0]  }
0x303: {  	v15 =	vld [tilespmem:s12+$0x20]  }
0x304: {  	v16 =	vld [tilespmem:s12+$0xA0]  }
0x305: {  	v17 =	vld [tilespmem:s12+$0x120]  }
0x306: {  	v18 =	vld [tilespmem:s22+$0xFFFFFEE0]  }
0x307: {  	v19 =	vld [tilespmem:s22+$0xFFFFFF60]  }
0x308: {  	v20 =	vld [tilespmem:s22+$0xFFFFFFE0]  }
0x309: {  	v21 =	vld [tilespmem:s22+$0x60]  }
0x30a: {  	[tilespmem:v9+s7+$0x0] =	vst.idx.add.f32.msk $0xffff, v8  }
0x30b: {  	[tilespmem:v10+s7+$0x0] =	vst.idx.add.f32.msk $0xffff, v18  }
0x30c: {  	[tilespmem:v11+s7+$0x0] =	vst.idx.add.f32.msk $0xffff, v18  }
0x30d: {  	[tilespmem:v12+s7+$0x0] =	vst.idx.add.f32.msk $0xffff, v19  }
0x30e: {  	[tilespmem:v13+s7+$0x0] =	vst.idx.add.f32.msk $0xffff, v19  }
0x30f: {  	[tilespmem:v14+s7+$0x0] =	vst.idx.add.f32.msk $0xffff, v20  }
0x310: {  	[tilespmem:v15+s7+$0x0] =	vst.idx.add.f32.msk $0xffff, v20  }
0x311: {  	[tilespmem:v16+s7+$0x0] =	vst.idx.add.f32.msk $0xffff, v21  }
0x312: {  	[tilespmem:v17+s7+$0x0] =	vst.idx.add.f32.msk $0xffff, v21  }
0x313: {  	v9 =	vld [tilespmem:s12+$0xFFFFFDB0]  }
0x314: {  	v10 =	vld [tilespmem:s12+$0xFFFFFE30]  }
0x315: {  	v11 =	vld [tilespmem:s12+$0xFFFFFEB0]  }
0x316: {  	v12 =	vld [tilespmem:s12+$0xFFFFFF30]  }
0x317: {  	v13 =	vld [tilespmem:s12+$0xFFFFFFB0]  }
0x318: {  	v14 =	vld [tilespmem:s12+$0x30]  }
0x319: {  	v15 =	vld [tilespmem:s12+$0xB0]  }
0x31a: {  	v16 =	vld [tilespmem:s12+$0x130]  }
0x31b: {  	v17 =	vld [tilespmem:s22+$0xFFFFFEF0]  }
0x31c: {  	v18 =	vld [tilespmem:s22+$0xFFFFFF70]  }
0x31d: {  	v19 =	vld [tilespmem:s22+$0xFFFFFFF0]  }
0x31e: {  	v20 =	vld [tilespmem:s22+$0x70]  }
0x31f: {  	[tilespmem:v7+s7+$0x0] =	vst.idx.add.f32.msk $0xffff, v8  }
0x320: {  	[tilespmem:v9+s7+$0x0] =	vst.idx.add.f32.msk $0xffff, v17  }
0x321: {  	[tilespmem:v10+s7+$0x0] =	vst.idx.add.f32.msk $0xffff, v17  }
0x322: {  	[tilespmem:v11+s7+$0x0] =	vst.idx.add.f32.msk $0xffff, v18  }
0x323: {  	[tilespmem:v12+s7+$0x0] =	vst.idx.add.f32.msk $0xffff, v18  }
0x324: {  	[tilespmem:v13+s7+$0x0] =	vst.idx.add.f32.msk $0xffff, v19  }
0x325: {  	[tilespmem:v14+s7+$0x0] =	vst.idx.add.f32.msk $0xffff, v19  }
0x326: {  	[tilespmem:v15+s7+$0x0] =	vst.idx.add.f32.msk $0xffff, v20  }
0x327: {  	[tilespmem:v16+s7+$0x0] =	vst.idx.add.f32.msk $0xffff, v20  }
0x328: {  	v7 =	vld [tilespmem:s12+$0xFFFFFDC0]  }
0x329: {  	v8 =	vld [tilespmem:s12+$0xFFFFFE40]  }
0x32a: {  	v9 =	vld [tilespmem:s12+$0xFFFFFEC0]  }
0x32b: {  	v10 =	vld [tilespmem:s12+$0xFFFFFF40]  }
0x32c: {  	v11 =	vld [tilespmem:s12+$0xFFFFFFC0]  }
0x32d: {  	v12 =	vld [tilespmem:s12+$0x40]  }
0x32e: {  	v13 =	vld [tilespmem:s12+$0xC0]  }
0x32f: {  	v14 =	vld [tilespmem:s12+$0x140]  }
0x330: {  	v15 =	vld [tilespmem:s22+$0xFFFFFF00]  }
0x331: {  	v16 =	vld [tilespmem:s22+$0xFFFFFF80]  }
0x332: {  	v17 =	vld [tilespmem:s22+$0x0]  }
0x333: {  	v18 =	vld [tilespmem:s22+$0x80]  }
0x334: {  	[tilespmem:v6+s7+$0x0] =	vst.idx.add.f32.msk $0xffff, v5  }
0x335: {  	[tilespmem:v7+s7+$0x0] =	vst.idx.add.f32.msk $0xffff, v15  }
0x336: {  	[tilespmem:v8+s7+$0x0] =	vst.idx.add.f32.msk $0xffff, v15  }
0x337: {  	[tilespmem:v9+s7+$0x0] =	vst.idx.add.f32.msk $0xffff, v16  }
0x338: {  	[tilespmem:v10+s7+$0x0] =	vst.idx.add.f32.msk $0xffff, v16  }
0x339: {  	[tilespmem:v11+s7+$0x0] =	vst.idx.add.f32.msk $0xffff, v17  }
0x33a: {  	[tilespmem:v12+s7+$0x0] =	vst.idx.add.f32.msk $0xffff, v17  }
0x33b: {  	[tilespmem:v13+s7+$0x0] =	vst.idx.add.f32.msk $0xffff, v18  }
0x33c: {  	[tilespmem:v14+s7+$0x0] =	vst.idx.add.f32.msk $0xffff, v18  }
0x33d: {  	v6 =	vld [tilespmem:s12+$0xFFFFFDD0]  }
0x33e: {  	v7 =	vld [tilespmem:s12+$0xFFFFFE50]  }
0x33f: {  	v8 =	vld [tilespmem:s12+$0xFFFFFED0]  }
0x340: {  	v9 =	vld [tilespmem:s12+$0xFFFFFF50]  }
0x341: {  	v10 =	vld [tilespmem:s12+$0xFFFFFFD0]  }
0x342: {  	v11 =	vld [tilespmem:s12+$0x50]  }
0x343: {  	v12 =	vld [tilespmem:s12+$0xD0]  }
0x344: {  	v13 =	vld [tilespmem:s12+$0x150]  }
0x345: {  	v14 =	vld [tilespmem:s22+$0xFFFFFF10]  }
0x346: {  	v15 =	vld [tilespmem:s22+$0xFFFFFF90]  }
0x347: {  	v16 =	vld [tilespmem:s22+$0x10]  }
0x348: {  	v17 =	vld [tilespmem:s22+$0x90]  }
0x349: {  	[tilespmem:v4+s7+$0x0] =	vst.idx.add.f32.msk $0xffff, v5  }
0x34a: {  	[tilespmem:v6+s7+$0x0] =	vst.idx.add.f32.msk $0xffff, v14  }
0x34b: {  	[tilespmem:v7+s7+$0x0] =	vst.idx.add.f32.msk $0xffff, v14  }
0x34c: {  	[tilespmem:v8+s7+$0x0] =	vst.idx.add.f32.msk $0xffff, v15  }
0x34d: {  	[tilespmem:v9+s7+$0x0] =	vst.idx.add.f32.msk $0xffff, v15  }
0x34e: {  	[tilespmem:v10+s7+$0x0] =	vst.idx.add.f32.msk $0xffff, v16  }
0x34f: {  	[tilespmem:v11+s7+$0x0] =	vst.idx.add.f32.msk $0xffff, v16  }
0x350: {  	[tilespmem:v12+s7+$0x0] =	vst.idx.add.f32.msk $0xffff, v17  }
0x351: {  	[tilespmem:v13+s7+$0x0] =	vst.idx.add.f32.msk $0xffff, v17  }
0x352: {  	v4 =	vld [tilespmem:s12+$0xFFFFFDE0]  }
0x353: {  	v5 =	vld [tilespmem:s12+$0xFFFFFE60]  }
0x354: {  	v6 =	vld [tilespmem:s12+$0xFFFFFEE0]  }
0x355: {  	v7 =	vld [tilespmem:s12+$0xFFFFFF60]  }
0x356: {  	v8 =	vld [tilespmem:s12+$0xFFFFFFE0]  }
0x357: {  	v9 =	vld [tilespmem:s12+$0x60]  }
0x358: {  	v10 =	vld [tilespmem:s12+$0xE0]  }
0x359: {  	v11 =	vld [tilespmem:s12+$0x160]  }
0x35a: {  	v12 =	vld [tilespmem:s22+$0xFFFFFF20]  }
0x35b: {  	v13 =	vld [tilespmem:s22+$0xFFFFFFA0]  }
0x35c: {  	v14 =	vld [tilespmem:s22+$0x20]  }
0x35d: {  	v15 =	vld [tilespmem:s22+$0xA0]  }
0x35e: {  	[tilespmem:v3+s7+$0x0] =	vst.idx.add.f32.msk $0xffff, v2  }
0x35f: {  	[tilespmem:v4+s7+$0x0] =	vst.idx.add.f32.msk $0xffff, v12  }
0x360: {  	[tilespmem:v5+s7+$0x0] =	vst.idx.add.f32.msk $0xffff, v12  }
0x361: {  	[tilespmem:v6+s7+$0x0] =	vst.idx.add.f32.msk $0xffff, v13  }
0x362: {  	[tilespmem:v7+s7+$0x0] =	vst.idx.add.f32.msk $0xffff, v13  }
0x363: {  	[tilespmem:v8+s7+$0x0] =	vst.idx.add.f32.msk $0xffff, v14  }
0x364: {  	[tilespmem:v9+s7+$0x0] =	vst.idx.add.f32.msk $0xffff, v14  }
0x365: {  	[tilespmem:v10+s7+$0x0] =	vst.idx.add.f32.msk $0xffff, v15  }
0x366: {  	[tilespmem:v11+s7+$0x0] =	vst.idx.add.f32.msk $0xffff, v15  }
0x367: {  	v11 =	vld [tilespmem:s12+$0xFFFFFDF0]  }
0x368: {  	v12 =	vld [tilespmem:s12+$0xFFFFFE70]  }
0x369: {  	v9 =	vld [tilespmem:s12+$0xFFFFFEF0]  }
0x36a: {  	v7 =	vld [tilespmem:s12+$0xFFFFFF70]  }
0x36b: {  	v6 =	vld [tilespmem:s12+$0xFFFFFFF0]  }
0x36c: {  	v4 =	vld [tilespmem:s12+$0x70]  }
0x36d: {  	v3 =	vld [tilespmem:s12+$0xF0]  }
0x36e: {  	v13 =	vld [tilespmem:s12+$0x170]  }
0x36f: {  	v14 =	vld [tilespmem:s22+$0xFFFFFF30]  }
0x370: {  	v8 =	vld [tilespmem:s22+$0xFFFFFFB0]  }
.Ltmp2:
0x371: {  	v5 =	vld [tilespmem:s22+$0x30];
	(pc) =	sbr.rel @p1 .LBB2_7-.Ltmp2, $4  }
0x372: {  	v10 =	vld [tilespmem:s22+$0xB0]  }
0x373: {  	[tilespmem:v1+s7+$0x0] =	vst.idx.add.f32.msk $0xffff, v2;
	v1 =	vmov v13  }
0x374: {  	[tilespmem:v11+s7+$0x0] =	vst.idx.add.f32.msk $0xffff, v14  }
0x375: {  	s12 =	sadd.s32 $0x500, s12;
	[tilespmem:v12+s7+$0x0] =	vst.idx.add.f32.msk $0xffff, v14  }
0x376: {  	_ =	sdelay $0x3  }
0x377: {  	[tilespmem:v9+s7+$0x0] =	vst.idx.add.f32.msk $0xffff, v8  }
0x378: {  	[tilespmem:v6+s7+$0x0] =	vst.idx.add.f32.msk $0xffff, v5  }
0x379: {  	[tilespmem:v7+s7+$0x0] =	vst.idx.add.f32.msk $0xffff, v8  }
0x37a: {  	[tilespmem:v4+s7+$0x0] =	vst.idx.add.f32.msk $0xffff, v5  }
0x37b: {  	[tilespmem:v3+s7+$0x0] =	vst.idx.add.f32.msk $0xffff, v10  }
0x37c: {  	[tilespmem:v1+s7+$0x0] =	vst.idx.add.f32.msk $0xffff, v10  }
0x37d: {  	_ =	swait.ge [sflag:s10], $0xC80  }
0x37e: {  	[sflag:s10] =	ssyncset.done $0x0  }
0x37f: {  	[sflag:s10] =	ssyncadd.s32 $0xFFFFF380  }
0x380: {  	_ =	swait.ge [sflag:s10], $0x1900  }
0x381: {  	[sflag:s10] =	ssyncset.done $0x0  }
0x382: {  	s11 =	sadd.s32 s2, s21;
	[sflag:s10] =	ssyncadd.s32 $0xFFFFE700  }
0x383: {  	[hbm4b:s11+s23] =	stream.strided.scatter [tilespmem:s31], [sflag:$0x6], $0xC80, s24, s23, $0x38;
	[tilespmem:$0x1F880] =	vst v63  }
0x384: {  	s11 =	simm.s32 @p0 $0x5  }
0x385: {  	_ =	swait.ge @p0 [sflag:s11], $0xC80  }
0x386: {  	s12 =	simm.s32 @!p0 $0x0;
	[sflag:s11] =	ssyncset.done @p0 $0x0  }
0x387: {  	[sflag:s11] =	ssyncadd.s32 @p0 $0xFFFFF380;
	s11 =	sadd.s32 @!p0 s5, s20;
	s20 =	simm.s32 @!p0 $0x1DF80  }
0x388: {  	[hbm4b:s11+s12] =	stream.linear.scatter @!p0 [tilespmem:s20], [sflag:$0x6], $0x1900, $0x38;
	[tilespmem:$0x1F880] =	vst v63  }
0x389: {  	s11 =	simm.s32 @!p0 $0x5  }
0x38a: {  	_ =	swait.ge @!p0 [sflag:s11], $0xC80  }
0x38b: {  	s22 =	sadd.s32 s19, s16;
	[sflag:s11] =	ssyncset.done @!p0 $0x0  }
0x38c: {  	s19 =	sshll.u32 s22, $0xA;
	[sflag:s11] =	ssyncadd.s32 @!p0 $0xFFFFF380  }
0x38d: {  	s19 =	sadd.s32 s13, s19;
	_ =	swait.ge @!p0 [sflag:s11], $0x1900  }
0x38e: {  	s19 =	sshrl.u32 s19, $0x3;
	[sflag:s11] =	ssyncset.done @!p0 $0x0  }
0x38f: {  	s21 =	sshll.u32 s22, $0x5;
	s20 =	sadd.s32 s0, s19;
	[sflag:s11] =	ssyncadd.s32 @!p0 $0xFFFFE700  }
0x390: {  	[tilespmem:s28], [sflag:$0x2] =	stream.strided.gather [hbm4b:s20+s23], $0xC80, s24, s23, $0x38;
	[tilespmem:$0x1F880] =	vst v63  }
0x391: {  	s22 =	simm.s32 $0x1E200;
	s11 =	sadd.s32 s1, s21  }
0x392: {  	[tilespmem:s29], [sflag:$0x2] =	stream.linear.gather [hbm4b:s11+s7], $0x1900, $0x38;
	[tilespmem:$0x1F880] =	vst v63  }
0x393: {  	v1 =	vld [tilespmem:s22+$0x180]  }
0x394: {  	v2 =	vld [tilespmem:s22+$0x200]  }
0x395: {  	s19 =	simm.s32 $0x1A240;
	v3 =	vld [tilespmem:s22+$0xFFFFFD80]  }
0x396: {  	v4 =	vld [tilespmem:s19+$0xC0]  }
0x397: {  	v5 =	vld [tilespmem:s22+$0xFFFFFE00]  }
0x398: {  	v6 =	vld [tilespmem:s22+$0xFFFFFE80]  }
0x399: {  	v7 =	vld [tilespmem:s22+$0xFFFFFF00]  }
0x39a: {  	v8 =	vld [tilespmem:s22+$0xFFFFFF80]  }
0x39b: {  	v10 =	vld [tilespmem:s22+$0x80]  }
0x39c: {  	v12 =	vld [tilespmem:s19+$0xFFFFFF40]  }
0x39d: {  	v15 =	vld [tilespmem:s19+$0xFFFFFEC0]  }
0x39e: {  	v11 =	vld [tilespmem:s22+$0x100]  }
0x39f: {  	v13 =	vld [tilespmem:s19+$0xFFFFFFC0]  }
0x3a0: {  	[tilespmem:v1+s7+$0x0] =	vst.idx.add.f32.msk $0xffff, v4  }
0x3a1: {  	[tilespmem:v6+s7+$0x0] =	vst.idx.add.f32.msk $0xffff, v12  }
0x3a2: {  	[tilespmem:v3+s7+$0x0] =	vst.idx.add.f32.msk $0xffff, v15  }
0x3a3: {  	[tilespmem:v2+s7+$0x0] =	vst.idx.add.f32.msk $0xffff, v4  }
0x3a4: {  	v4 =	vld [tilespmem:s22+$0x0]  }
0x3a5: {  	[tilespmem:v7+s7+$0x0] =	vst.idx.add.f32.msk $0xffff, v12  }
0x3a6: {  	v1 =	vld [tilespmem:s22+$0x190]  }
0x3a7: {  	v2 =	vld [tilespmem:s22+$0x210]  }
0x3a8: {  	[tilespmem:v8+s7+$0x0] =	vst.idx.add.f32.msk $0xffff, v13  }
0x3a9: {  	v9 =	vld [tilespmem:s19+$0xD0]  }
0x3aa: {  	[tilespmem:v5+s7+$0x0] =	vst.idx.add.f32.msk $0xffff, v15  }
0x3ab: {  	v5 =	vld [tilespmem:s22+$0xFFFFFE10]  }
0x3ac: {  	v6 =	vld [tilespmem:s22+$0xFFFFFE90]  }
0x3ad: {  	v7 =	vld [tilespmem:s22+$0xFFFFFF10]  }
0x3ae: {  	[tilespmem:v1+s7+$0x0] =	vst.idx.add.f32.msk $0xffff, v9  }
0x3af: {  	[tilespmem:v2+s7+$0x0] =	vst.idx.add.f32.msk $0xffff, v9  }
0x3b0: {  	v1 =	vld [tilespmem:s22+$0x1A0]  }
0x3b1: {  	v2 =	vld [tilespmem:s22+$0x220]  }
0x3b2: {  	v59 =	vld [tilespmem:s19+$0xFFFFFED0]  }
0x3b3: {  	v14 =	vld [tilespmem:s19+$0xE0]  }
0x3b4: {  	v60 =	vld [tilespmem:s19+$0xFFFFFF50]  }
0x3b5: {  	[tilespmem:v4+s7+$0x0] =	vst.idx.add.f32.msk $0xffff, v13  }
0x3b6: {  	v8 =	vld [tilespmem:s22+$0xFFFFFF90]  }
0x3b7: {  	v9 =	vld [tilespmem:s19+$0x40]  }
0x3b8: {  	[tilespmem:v1+s7+$0x0] =	vst.idx.add.f32.msk $0xffff, v14  }
0x3b9: {  	[tilespmem:v2+s7+$0x0] =	vst.idx.add.f32.msk $0xffff, v14  }
0x3ba: {  	v1 =	vld [tilespmem:s22+$0x1B0]  }
0x3bb: {  	v2 =	vld [tilespmem:s22+$0x230]  }
0x3bc: {  	[tilespmem:v6+s7+$0x0] =	vst.idx.add.f32.msk $0xffff, v60  }
0x3bd: {  	v3 =	vld [tilespmem:s19+$0xF0]  }
0x3be: {  	[tilespmem:v10+s7+$0x0] =	vst.idx.add.f32.msk $0xffff, v9  }
0x3bf: {  	[tilespmem:v11+s7+$0x0] =	vst.idx.add.f32.msk $0xffff, v9  }
0x3c0: {  	v10 =	vld [tilespmem:s22+$0x90]  }
0x3c1: {  	v61 =	vld [tilespmem:s19+$0x50]  }
0x3c2: {  	[tilespmem:v1+s7+$0x0] =	vst.idx.add.f32.msk $0xffff, v3  }
0x3c3: {  	[tilespmem:v2+s7+$0x0] =	vst.idx.add.f32.msk $0xffff, v3  }
0x3c4: {  	v1 =	vld [tilespmem:s22+$0x1C0]  }
0x3c5: {  	v2 =	vld [tilespmem:s22+$0x240]  }
0x3c6: {  	[tilespmem:v7+s7+$0x0] =	vst.idx.add.f32.msk $0xffff, v60  }
0x3c7: {  	v4 =	vld [tilespmem:s19+$0x100]  }
0x3c8: {  	v11 =	vld [tilespmem:s22+$0x110]  }
0x3c9: {  	[tilespmem:v10+s7+$0x0] =	vst.idx.add.f32.msk $0xffff, v61  }
0x3ca: {  	v10 =	vld [tilespmem:s19+$0xFFFFFF60]  }
0x3cb: {  	v3 =	vld [tilespmem:s22+$0xFFFFFD90]  }
0x3cc: {  	[tilespmem:v1+s7+$0x0] =	vst.idx.add.f32.msk $0xffff, v4  }
0x3cd: {  	[tilespmem:v2+s7+$0x0] =	vst.idx.add.f32.msk $0xffff, v4  }
0x3ce: {  	v1 =	vld [tilespmem:s22+$0x1D0]  }
0x3cf: {  	v2 =	vld [tilespmem:s22+$0x250]  }
0x3d0: {  	[tilespmem:v11+s7+$0x0] =	vst.idx.add.f32.msk $0xffff, v61  }
0x3d1: {  	v9 =	vld [tilespmem:s19+$0x110]  }
0x3d2: {  	v7 =	vld [tilespmem:s22+$0xA0]  }
0x3d3: {  	v62 =	vld [tilespmem:s19+$0x60]  }
0x3d4: {  	[tilespmem:v3+s7+$0x0] =	vst.idx.add.f32.msk $0xffff, v59  }
0x3d5: {  	v4 =	vld [tilespmem:s22+$0x10]  }
0x3d6: {  	[tilespmem:v1+s7+$0x0] =	vst.idx.add.f32.msk $0xffff, v9  }
0x3d7: {  	[tilespmem:v2+s7+$0x0] =	vst.idx.add.f32.msk $0xffff, v9  }
0x3d8: {  	v9 =	vld [tilespmem:s19+$0xFFFFFFD0]  }
0x3d9: {  	[tilespmem:v5+s7+$0x0] =	vst.idx.add.f32.msk $0xffff, v59  }
0x3da: {  	v1 =	vld [tilespmem:s22+$0x1E0]  }
0x3db: {  	v2 =	vld [tilespmem:s22+$0x260]  }
0x3dc: {  	v14 =	vld [tilespmem:s19+$0x120]  }
0x3dd: {  	[tilespmem:v8+s7+$0x0] =	vst.idx.add.f32.msk $0xffff, v9  }
0x3de: {  	v8 =	vld [tilespmem:s19+$0xFFFFFEE0]  }
0x3df: {  	[tilespmem:v4+s7+$0x0] =	vst.idx.add.f32.msk $0xffff, v9  }
0x3e0: {  	v4 =	vld [tilespmem:s22+$0xFFFFFF20]  }
0x3e1: {  	v9 =	vld [tilespmem:s22+$0x120]  }
0x3e2: {  	[tilespmem:v7+s7+$0x0] =	vst.idx.add.f32.msk $0xffff, v62  }
0x3e3: {  	v5 =	vld [tilespmem:s22+$0xFFFFFFA0]  }
0x3e4: {  	v6 =	vld [tilespmem:s22+$0x20]  }
0x3e5: {  	v11 =	vld [tilespmem:s19+$0xFFFFFFE0]  }
0x3e6: {  	[tilespmem:v1+s7+$0x0] =	vst.idx.add.f32.msk $0xffff, v14  }
0x3e7: {  	[tilespmem:v2+s7+$0x0] =	vst.idx.add.f32.msk $0xffff, v14  }
0x3e8: {  	v1 =	vld [tilespmem:s22+$0x1F0]  }
0x3e9: {  	v2 =	vld [tilespmem:s22+$0x270]  }
0x3ea: {  	v3 =	vld [tilespmem:s19+$0x130]  }
0x3eb: {  	[tilespmem:v9+s7+$0x0] =	vst.idx.add.f32.msk $0xffff, v62  }
0x3ec: {  	[tilespmem:v5+s7+$0x0] =	vst.idx.add.f32.msk $0xffff, v11  }
0x3ed: {  	v7 =	vld [tilespmem:s22+$0xB0]  }
0x3ee: {  	v9 =	vld [tilespmem:s22+$0x130]  }
0x3ef: {  	v12 =	vld [tilespmem:s19+$0x70]  }
0x3f0: {  	[tilespmem:v6+s7+$0x0] =	vst.idx.add.f32.msk $0xffff, v11  }
0x3f1: {  	v5 =	vld [tilespmem:s22+$0xFFFFFFB0]  }
0x3f2: {  	v6 =	vld [tilespmem:s22+$0x30]  }
0x3f3: {  	v11 =	vld [tilespmem:s19+$0xFFFFFFF0]  }
0x3f4: {  	[tilespmem:v1+s7+$0x0] =	vst.idx.add.f32.msk $0xffff, v3  }
0x3f5: {  	v1 =	vld [tilespmem:s22+$0xFFFFFDA0]  }
0x3f6: {  	[tilespmem:v2+s7+$0x0] =	vst.idx.add.f32.msk $0xffff, v3  }
0x3f7: {  	v2 =	vld [tilespmem:s22+$0xFFFFFE20]  }
0x3f8: {  	v3 =	vld [tilespmem:s22+$0xFFFFFEA0]  }
0x3f9: {  	[tilespmem:v7+s7+$0x0] =	vst.idx.add.f32.msk $0xffff, v12  }
0x3fa: {  	[tilespmem:v9+s7+$0x0] =	vst.idx.add.f32.msk $0xffff, v12  }
0x3fb: {  	[tilespmem:v5+s7+$0x0] =	vst.idx.add.f32.msk $0xffff, v11  }
0x3fc: {  	v7 =	vld [tilespmem:s22+$0xC0]  }
0x3fd: {  	v9 =	vld [tilespmem:s22+$0x140]  }
0x3fe: {  	v12 =	vld [tilespmem:s19+$0x80]  }
0x3ff: {  	[tilespmem:v6+s7+$0x0] =	vst.idx.add.f32.msk $0xffff, v11  }
0x400: {  	[tilespmem:v1+s7+$0x0] =	vst.idx.add.f32.msk $0xffff, v8  }
0x401: {  	v5 =	vld [tilespmem:s22+$0xFFFFFFC0]  }
0x402: {  	v6 =	vld [tilespmem:s22+$0x40]  }
0x403: {  	v11 =	vld [tilespmem:s19+$0x0]  }
0x404: {  	[tilespmem:v2+s7+$0x0] =	vst.idx.add.f32.msk $0xffff, v8  }
0x405: {  	[tilespmem:v3+s7+$0x0] =	vst.idx.add.f32.msk $0xffff, v10  }
0x406: {  	[tilespmem:v4+s7+$0x0] =	vst.idx.add.f32.msk $0xffff, v10  }
0x407: {  	v1 =	vld [tilespmem:s22+$0xFFFFFDB0]  }
0x408: {  	v2 =	vld [tilespmem:s22+$0xFFFFFE30]  }
0x409: {  	v8 =	vld [tilespmem:s19+$0xFFFFFEF0]  }
0x40a: {  	v3 =	vld [tilespmem:s22+$0xFFFFFEB0]  }
0x40b: {  	v4 =	vld [tilespmem:s22+$0xFFFFFF30]  }
0x40c: {  	v10 =	vld [tilespmem:s19+$0xFFFFFF70]  }
0x40d: {  	[tilespmem:v7+s7+$0x0] =	vst.idx.add.f32.msk $0xffff, v12  }
0x40e: {  	[tilespmem:v9+s7+$0x0] =	vst.idx.add.f32.msk $0xffff, v12  }
0x40f: {  	[tilespmem:v5+s7+$0x0] =	vst.idx.add.f32.msk $0xffff, v11  }
0x410: {  	v7 =	vld [tilespmem:s22+$0xD0]  }
0x411: {  	v9 =	vld [tilespmem:s22+$0x150]  }
0x412: {  	v12 =	vld [tilespmem:s19+$0x90]  }
0x413: {  	[tilespmem:v6+s7+$0x0] =	vst.idx.add.f32.msk $0xffff, v11  }
0x414: {  	[tilespmem:v1+s7+$0x0] =	vst.idx.add.f32.msk $0xffff, v8  }
0x415: {  	v5 =	vld [tilespmem:s22+$0xFFFFFFD0]  }
0x416: {  	v6 =	vld [tilespmem:s22+$0x50]  }
0x417: {  	v11 =	vld [tilespmem:s19+$0x10]  }
0x418: {  	[tilespmem:v2+s7+$0x0] =	vst.idx.add.f32.msk $0xffff, v8  }
0x419: {  	[tilespmem:v3+s7+$0x0] =	vst.idx.add.f32.msk $0xffff, v10  }
0x41a: {  	[tilespmem:v4+s7+$0x0] =	vst.idx.add.f32.msk $0xffff, v10  }
0x41b: {  	v1 =	vld [tilespmem:s22+$0xFFFFFDC0]  }
0x41c: {  	v2 =	vld [tilespmem:s22+$0xFFFFFE40]  }
0x41d: {  	v8 =	vld [tilespmem:s19+$0xFFFFFF00]  }
0x41e: {  	v3 =	vld [tilespmem:s22+$0xFFFFFEC0]  }
0x41f: {  	v4 =	vld [tilespmem:s22+$0xFFFFFF40]  }
0x420: {  	v10 =	vld [tilespmem:s19+$0xFFFFFF80]  }
0x421: {  	[tilespmem:v7+s7+$0x0] =	vst.idx.add.f32.msk $0xffff, v12  }
0x422: {  	[tilespmem:v9+s7+$0x0] =	vst.idx.add.f32.msk $0xffff, v12  }
0x423: {  	[tilespmem:v5+s7+$0x0] =	vst.idx.add.f32.msk $0xffff, v11  }
0x424: {  	v7 =	vld [tilespmem:s22+$0xE0]  }
0x425: {  	v9 =	vld [tilespmem:s22+$0x160]  }
0x426: {  	v12 =	vld [tilespmem:s19+$0xA0]  }
0x427: {  	[tilespmem:v6+s7+$0x0] =	vst.idx.add.f32.msk $0xffff, v11  }
0x428: {  	[tilespmem:v1+s7+$0x0] =	vst.idx.add.f32.msk $0xffff, v8  }
0x429: {  	v5 =	vld [tilespmem:s22+$0xFFFFFFE0]  }
0x42a: {  	v6 =	vld [tilespmem:s22+$0x60]  }
0x42b: {  	v11 =	vld [tilespmem:s19+$0x20]  }
0x42c: {  	[tilespmem:v2+s7+$0x0] =	vst.idx.add.f32.msk $0xffff, v8  }
0x42d: {  	[tilespmem:v3+s7+$0x0] =	vst.idx.add.f32.msk $0xffff, v10  }
0x42e: {  	[tilespmem:v4+s7+$0x0] =	vst.idx.add.f32.msk $0xffff, v10  }
0x42f: {  	v1 =	vld [tilespmem:s22+$0xFFFFFDD0]  }
0x430: {  	v2 =	vld [tilespmem:s22+$0xFFFFFE50]  }
0x431: {  	v8 =	vld [tilespmem:s19+$0xFFFFFF10]  }
0x432: {  	v3 =	vld [tilespmem:s22+$0xFFFFFED0]  }
0x433: {  	v4 =	vld [tilespmem:s22+$0xFFFFFF50]  }
0x434: {  	v10 =	vld [tilespmem:s19+$0xFFFFFF90]  }
0x435: {  	[tilespmem:v7+s7+$0x0] =	vst.idx.add.f32.msk $0xffff, v12  }
0x436: {  	[tilespmem:v9+s7+$0x0] =	vst.idx.add.f32.msk $0xffff, v12  }
0x437: {  	[tilespmem:v5+s7+$0x0] =	vst.idx.add.f32.msk $0xffff, v11  }
0x438: {  	[tilespmem:v6+s7+$0x0] =	vst.idx.add.f32.msk $0xffff, v11  }
0x439: {  	[tilespmem:v1+s7+$0x0] =	vst.idx.add.f32.msk $0xffff, v8  }
0x43a: {  	[tilespmem:v2+s7+$0x0] =	vst.idx.add.f32.msk $0xffff, v8  }
0x43b: {  	[tilespmem:v3+s7+$0x0] =	vst.idx.add.f32.msk $0xffff, v10  }
0x43c: {  	[tilespmem:v4+s7+$0x0] =	vst.idx.add.f32.msk $0xffff, v10  }
0x43d: {  	v1 =	vld [tilespmem:s22+$0xFFFFFDE0]  }
0x43e: {  	v2 =	vld [tilespmem:s22+$0xFFFFFE60]  }
0x43f: {  	v8 =	vld [tilespmem:s19+$0xFFFFFF20]  }
0x440: {  	v3 =	vld [tilespmem:s22+$0xFFFFFEE0]  }
0x441: {  	v6 =	vld [tilespmem:s22+$0xFFFFFFF0]  }
0x442: {  	v4 =	vld [tilespmem:s22+$0xFFFFFF60]  }
0x443: {  	v10 =	vld [tilespmem:s19+$0xFFFFFFA0]  }
0x444: {  	v5 =	vld [tilespmem:s19+$0x30]  }
0x445: {  	[tilespmem:v1+s7+$0x0] =	vst.idx.add.f32.msk $0xffff, v8  }
0x446: {  	v1 =	vld [tilespmem:s22+$0x170]  }
0x447: {  	[tilespmem:v2+s7+$0x0] =	vst.idx.add.f32.msk $0xffff, v8  }
0x448: {  	[tilespmem:v3+s7+$0x0] =	vst.idx.add.f32.msk $0xffff, v10  }
0x449: {  	v3 =	vld [tilespmem:s22+$0xF0]  }
0x44a: {  	[tilespmem:v4+s7+$0x0] =	vst.idx.add.f32.msk $0xffff, v10  }
0x44b: {  	v2 =	vld [tilespmem:s22+$0xFFFFFDF0]  }
0x44c: {  	v11 =	vld [tilespmem:s22+$0xFFFFFE70]  }
0x44d: {  	v4 =	vld [tilespmem:s22+$0x70]  }
0x44e: {  	v63 =	vld [tilespmem:s19+$0xFFFFFF30]  }
0x44f: {  	v10 =	vld [tilespmem:s19+$0xB0]  }
0x450: {  	v9 =	vld [tilespmem:s22+$0xFFFFFEF0]  }
0x451: {  	v7 =	vld [tilespmem:s22+$0xFFFFFF70]  }
0x452: {  	v8 =	vld [tilespmem:s19+$0xFFFFFFB0]  }
0x453: {  	[tilespmem:v2+s7+$0x0] =	vst.idx.add.f32.msk $0xffff, v63  }
0x454: {  	s12 =	simm.s32 $0x1E700;
	s11 =	simm.s32 $0x0;
	[tilespmem:v11+s7+$0x0] =	vst.idx.add.f32.msk $0xffff, v63  }
.LBB2_9:
0x455: {  	v11 =	vld [tilespmem:s12+$0x180]  }
0x456: {  	v12 =	vld [tilespmem:s12+$0x200];
	v2 =	vmov v10  }
0x457: {  	s19 =	sadd.s32 $0x280, s19;
	v10 =	vld [tilespmem:s12+$0xFFFFFD80]  }
0x458: {  	v13 =	vld [tilespmem:s19+$0xC0]  }
0x459: {  	v14 =	vld [tilespmem:s12+$0xFFFFFE00]  }
0x45a: {  	v15 =	vld [tilespmem:s12+$0xFFFFFE80]  }
0x45b: {  	v16 =	vld [tilespmem:s12+$0xFFFFFF00]  }
0x45c: {  	v17 =	vld [tilespmem:s12+$0xFFFFFF80]  }
0x45d: {  	s11 =	sadd.s32 $0x5, s11;
	[tilespmem:v11+s7+$0x0] =	vst.idx.add.f32.msk $0xffff, v13  }
0x45e: {  	p1 =	slt.u32 s11, $0x14;
	[tilespmem:v12+s7+$0x0] =	vst.idx.add.f32.msk $0xffff, v13  }
0x45f: {  	v11 =	vld [tilespmem:s12+$0x190]  }
0x460: {  	v12 =	vld [tilespmem:s12+$0x210]  }
0x461: {  	v13 =	vld [tilespmem:s12+$0x0]  }
0x462: {  	v18 =	vld [tilespmem:s19+$0xD0]  }
0x463: {  	v19 =	vld [tilespmem:s12+$0x80]  }
0x464: {  	v20 =	vld [tilespmem:s12+$0x100]  }
0x465: {  	v21 =	vld [tilespmem:s19+$0xFFFFFF40]  }
0x466: {  	v22 =	vld [tilespmem:s19+$0xFFFFFFC0]  }
0x467: {  	[tilespmem:v11+s7+$0x0] =	vst.idx.add.f32.msk $0xffff, v18  }
0x468: {  	[tilespmem:v12+s7+$0x0] =	vst.idx.add.f32.msk $0xffff, v18  }
0x469: {  	v11 =	vld [tilespmem:s12+$0x1A0]  }
0x46a: {  	v12 =	vld [tilespmem:s12+$0x220]  }
0x46b: {  	v18 =	vld [tilespmem:s19+$0x40]  }
0x46c: {  	v23 =	vld [tilespmem:s19+$0xE0]  }
0x46d: {  	v24 =	vld [tilespmem:s19+$0xFFFFFEC0]  }
0x46e: {  	[tilespmem:v15+s7+$0x0] =	vst.idx.add.f32.msk $0xffff, v21  }
0x46f: {  	[tilespmem:v16+s7+$0x0] =	vst.idx.add.f32.msk $0xffff, v21  }
0x470: {  	[tilespmem:v17+s7+$0x0] =	vst.idx.add.f32.msk $0xffff, v22  }
0x471: {  	[tilespmem:v11+s7+$0x0] =	vst.idx.add.f32.msk $0xffff, v23  }
0x472: {  	[tilespmem:v12+s7+$0x0] =	vst.idx.add.f32.msk $0xffff, v23  }
0x473: {  	v11 =	vld [tilespmem:s12+$0x1B0]  }
0x474: {  	v12 =	vld [tilespmem:s12+$0x230]  }
0x475: {  	[tilespmem:v10+s7+$0x0] =	vst.idx.add.f32.msk $0xffff, v24  }
0x476: {  	v10 =	vld [tilespmem:s19+$0xF0]  }
0x477: {  	[tilespmem:v14+s7+$0x0] =	vst.idx.add.f32.msk $0xffff, v24  }
0x478: {  	[tilespmem:v13+s7+$0x0] =	vst.idx.add.f32.msk $0xffff, v22  }
0x479: {  	[tilespmem:v19+s7+$0x0] =	vst.idx.add.f32.msk $0xffff, v18  }
0x47a: {  	[tilespmem:v20+s7+$0x0] =	vst.idx.add.f32.msk $0xffff, v18  }
0x47b: {  	[tilespmem:v11+s7+$0x0] =	vst.idx.add.f32.msk $0xffff, v10  }
0x47c: {  	[tilespmem:v12+s7+$0x0] =	vst.idx.add.f32.msk $0xffff, v10  }
0x47d: {  	v10 =	vld [tilespmem:s12+$0x1C0]  }
0x47e: {  	v11 =	vld [tilespmem:s12+$0x240]  }
0x47f: {  	v12 =	vld [tilespmem:s12+$0xFFFFFD90]  }
0x480: {  	v13 =	vld [tilespmem:s19+$0x100]  }
0x481: {  	v14 =	vld [tilespmem:s12+$0xFFFFFE10]  }
0x482: {  	v15 =	vld [tilespmem:s12+$0xFFFFFE90]  }
0x483: {  	v16 =	vld [tilespmem:s12+$0xFFFFFF10]  }
0x484: {  	v17 =	vld [tilespmem:s12+$0xFFFFFF90]  }
0x485: {  	[tilespmem:v10+s7+$0x0] =	vst.idx.add.f32.msk $0xffff, v13  }
0x486: {  	[tilespmem:v11+s7+$0x0] =	vst.idx.add.f32.msk $0xffff, v13  }
0x487: {  	v10 =	vld [tilespmem:s12+$0x1D0]  }
0x488: {  	v11 =	vld [tilespmem:s12+$0x250]  }
0x489: {  	v13 =	vld [tilespmem:s12+$0x10]  }
0x48a: {  	v18 =	vld [tilespmem:s19+$0x110]  }
0x48b: {  	v19 =	vld [tilespmem:s12+$0x90]  }
0x48c: {  	v20 =	vld [tilespmem:s12+$0x110]  }
0x48d: {  	v21 =	vld [tilespmem:s19+$0xFFFFFED0]  }
0x48e: {  	v22 =	vld [tilespmem:s19+$0xFFFFFF50]  }
0x48f: {  	[tilespmem:v10+s7+$0x0] =	vst.idx.add.f32.msk $0xffff, v18  }
0x490: {  	[tilespmem:v11+s7+$0x0] =	vst.idx.add.f32.msk $0xffff, v18  }
0x491: {  	v10 =	vld [tilespmem:s12+$0x1E0]  }
0x492: {  	v11 =	vld [tilespmem:s12+$0x260]  }
0x493: {  	v18 =	vld [tilespmem:s19+$0xFFFFFFD0]  }
0x494: {  	v23 =	vld [tilespmem:s19+$0x120]  }
0x495: {  	v24 =	vld [tilespmem:s19+$0x50]  }
0x496: {  	[tilespmem:v12+s7+$0x0] =	vst.idx.add.f32.msk $0xffff, v21  }
0x497: {  	[tilespmem:v14+s7+$0x0] =	vst.idx.add.f32.msk $0xffff, v21  }
0x498: {  	[tilespmem:v15+s7+$0x0] =	vst.idx.add.f32.msk $0xffff, v22  }
0x499: {  	[tilespmem:v10+s7+$0x0] =	vst.idx.add.f32.msk $0xffff, v23  }
0x49a: {  	[tilespmem:v11+s7+$0x0] =	vst.idx.add.f32.msk $0xffff, v23  }
0x49b: {  	v10 =	vld [tilespmem:s12+$0x1F0]  }
0x49c: {  	v11 =	vld [tilespmem:s12+$0x270]  }
0x49d: {  	[tilespmem:v16+s7+$0x0] =	vst.idx.add.f32.msk $0xffff, v22  }
0x49e: {  	v12 =	vld [tilespmem:s19+$0x130]  }
0x49f: {  	[tilespmem:v17+s7+$0x0] =	vst.idx.add.f32.msk $0xffff, v18  }
0x4a0: {  	[tilespmem:v13+s7+$0x0] =	vst.idx.add.f32.msk $0xffff, v18  }
0x4a1: {  	[tilespmem:v19+s7+$0x0] =	vst.idx.add.f32.msk $0xffff, v24  }
0x4a2: {  	[tilespmem:v20+s7+$0x0] =	vst.idx.add.f32.msk $0xffff, v24  }
0x4a3: {  	[tilespmem:v10+s7+$0x0] =	vst.idx.add.f32.msk $0xffff, v12  }
0x4a4: {  	[tilespmem:v11+s7+$0x0] =	vst.idx.add.f32.msk $0xffff, v12  }
0x4a5: {  	v10 =	vld [tilespmem:s12+$0xFFFFFDA0]  }
0x4a6: {  	v11 =	vld [tilespmem:s12+$0xFFFFFE20]  }
0x4a7: {  	v12 =	vld [tilespmem:s12+$0xFFFFFEA0]  }
0x4a8: {  	v13 =	vld [tilespmem:s12+$0xFFFFFF20]  }
0x4a9: {  	v14 =	vld [tilespmem:s12+$0xFFFFFFA0]  }
0x4aa: {  	v15 =	vld [tilespmem:s12+$0x20]  }
0x4ab: {  	v16 =	vld [tilespmem:s12+$0xA0]  }
0x4ac: {  	v17 =	vld [tilespmem:s12+$0x120]  }
0x4ad: {  	v18 =	vld [tilespmem:s19+$0xFFFFFEE0]  }
0x4ae: {  	v19 =	vld [tilespmem:s19+$0xFFFFFF60]  }
0x4af: {  	v20 =	vld [tilespmem:s19+$0xFFFFFFE0]  }
0x4b0: {  	v21 =	vld [tilespmem:s19+$0x60]  }
0x4b1: {  	[tilespmem:v9+s7+$0x0] =	vst.idx.add.f32.msk $0xffff, v8  }
0x4b2: {  	[tilespmem:v10+s7+$0x0] =	vst.idx.add.f32.msk $0xffff, v18  }
0x4b3: {  	[tilespmem:v11+s7+$0x0] =	vst.idx.add.f32.msk $0xffff, v18  }
0x4b4: {  	[tilespmem:v12+s7+$0x0] =	vst.idx.add.f32.msk $0xffff, v19  }
0x4b5: {  	[tilespmem:v13+s7+$0x0] =	vst.idx.add.f32.msk $0xffff, v19  }
0x4b6: {  	[tilespmem:v14+s7+$0x0] =	vst.idx.add.f32.msk $0xffff, v20  }
0x4b7: {  	[tilespmem:v15+s7+$0x0] =	vst.idx.add.f32.msk $0xffff, v20  }
0x4b8: {  	[tilespmem:v16+s7+$0x0] =	vst.idx.add.f32.msk $0xffff, v21  }
0x4b9: {  	[tilespmem:v17+s7+$0x0] =	vst.idx.add.f32.msk $0xffff, v21  }
0x4ba: {  	v9 =	vld [tilespmem:s12+$0xFFFFFDB0]  }
0x4bb: {  	v10 =	vld [tilespmem:s12+$0xFFFFFE30]  }
0x4bc: {  	v11 =	vld [tilespmem:s12+$0xFFFFFEB0]  }
0x4bd: {  	v12 =	vld [tilespmem:s12+$0xFFFFFF30]  }
0x4be: {  	v13 =	vld [tilespmem:s12+$0xFFFFFFB0]  }
0x4bf: {  	v14 =	vld [tilespmem:s12+$0x30]  }
0x4c0: {  	v15 =	vld [tilespmem:s12+$0xB0]  }
0x4c1: {  	v16 =	vld [tilespmem:s12+$0x130]  }
0x4c2: {  	v17 =	vld [tilespmem:s19+$0xFFFFFEF0]  }
0x4c3: {  	v18 =	vld [tilespmem:s19+$0xFFFFFF70]  }
0x4c4: {  	v19 =	vld [tilespmem:s19+$0xFFFFFFF0]  }
0x4c5: {  	v20 =	vld [tilespmem:s19+$0x70]  }
0x4c6: {  	[tilespmem:v7+s7+$0x0] =	vst.idx.add.f32.msk $0xffff, v8  }
0x4c7: {  	[tilespmem:v9+s7+$0x0] =	vst.idx.add.f32.msk $0xffff, v17  }
0x4c8: {  	[tilespmem:v10+s7+$0x0] =	vst.idx.add.f32.msk $0xffff, v17  }
0x4c9: {  	[tilespmem:v11+s7+$0x0] =	vst.idx.add.f32.msk $0xffff, v18  }
0x4ca: {  	[tilespmem:v12+s7+$0x0] =	vst.idx.add.f32.msk $0xffff, v18  }
0x4cb: {  	[tilespmem:v13+s7+$0x0] =	vst.idx.add.f32.msk $0xffff, v19  }
0x4cc: {  	[tilespmem:v14+s7+$0x0] =	vst.idx.add.f32.msk $0xffff, v19  }
0x4cd: {  	[tilespmem:v15+s7+$0x0] =	vst.idx.add.f32.msk $0xffff, v20  }
0x4ce: {  	[tilespmem:v16+s7+$0x0] =	vst.idx.add.f32.msk $0xffff, v20  }
0x4cf: {  	v7 =	vld [tilespmem:s12+$0xFFFFFDC0]  }
0x4d0: {  	v8 =	vld [tilespmem:s12+$0xFFFFFE40]  }
0x4d1: {  	v9 =	vld [tilespmem:s12+$0xFFFFFEC0]  }
0x4d2: {  	v10 =	vld [tilespmem:s12+$0xFFFFFF40]  }
0x4d3: {  	v11 =	vld [tilespmem:s12+$0xFFFFFFC0]  }
0x4d4: {  	v12 =	vld [tilespmem:s12+$0x40]  }
0x4d5: {  	v13 =	vld [tilespmem:s12+$0xC0]  }
0x4d6: {  	v14 =	vld [tilespmem:s12+$0x140]  }
0x4d7: {  	v15 =	vld [tilespmem:s19+$0xFFFFFF00]  }
0x4d8: {  	v16 =	vld [tilespmem:s19+$0xFFFFFF80]  }
0x4d9: {  	v17 =	vld [tilespmem:s19+$0x0]  }
0x4da: {  	v18 =	vld [tilespmem:s19+$0x80]  }
0x4db: {  	[tilespmem:v6+s7+$0x0] =	vst.idx.add.f32.msk $0xffff, v5  }
0x4dc: {  	[tilespmem:v7+s7+$0x0] =	vst.idx.add.f32.msk $0xffff, v15  }
0x4dd: {  	[tilespmem:v8+s7+$0x0] =	vst.idx.add.f32.msk $0xffff, v15  }
0x4de: {  	[tilespmem:v9+s7+$0x0] =	vst.idx.add.f32.msk $0xffff, v16  }
0x4df: {  	[tilespmem:v10+s7+$0x0] =	vst.idx.add.f32.msk $0xffff, v16  }
0x4e0: {  	[tilespmem:v11+s7+$0x0] =	vst.idx.add.f32.msk $0xffff, v17  }
0x4e1: {  	[tilespmem:v12+s7+$0x0] =	vst.idx.add.f32.msk $0xffff, v17  }
0x4e2: {  	[tilespmem:v13+s7+$0x0] =	vst.idx.add.f32.msk $0xffff, v18  }
0x4e3: {  	[tilespmem:v14+s7+$0x0] =	vst.idx.add.f32.msk $0xffff, v18  }
0x4e4: {  	v6 =	vld [tilespmem:s12+$0xFFFFFDD0]  }
0x4e5: {  	v7 =	vld [tilespmem:s12+$0xFFFFFE50]  }
0x4e6: {  	v8 =	vld [tilespmem:s12+$0xFFFFFED0]  }
0x4e7: {  	v9 =	vld [tilespmem:s12+$0xFFFFFF50]  }
0x4e8: {  	v10 =	vld [tilespmem:s12+$0xFFFFFFD0]  }
0x4e9: {  	v11 =	vld [tilespmem:s12+$0x50]  }
0x4ea: {  	v12 =	vld [tilespmem:s12+$0xD0]  }
0x4eb: {  	v13 =	vld [tilespmem:s12+$0x150]  }
0x4ec: {  	v14 =	vld [tilespmem:s19+$0xFFFFFF10]  }
0x4ed: {  	v15 =	vld [tilespmem:s19+$0xFFFFFF90]  }
0x4ee: {  	v16 =	vld [tilespmem:s19+$0x10]  }
0x4ef: {  	v17 =	vld [tilespmem:s19+$0x90]  }
0x4f0: {  	[tilespmem:v4+s7+$0x0] =	vst.idx.add.f32.msk $0xffff, v5  }
0x4f1: {  	[tilespmem:v6+s7+$0x0] =	vst.idx.add.f32.msk $0xffff, v14  }
0x4f2: {  	[tilespmem:v7+s7+$0x0] =	vst.idx.add.f32.msk $0xffff, v14  }
0x4f3: {  	[tilespmem:v8+s7+$0x0] =	vst.idx.add.f32.msk $0xffff, v15  }
0x4f4: {  	[tilespmem:v9+s7+$0x0] =	vst.idx.add.f32.msk $0xffff, v15  }
0x4f5: {  	[tilespmem:v10+s7+$0x0] =	vst.idx.add.f32.msk $0xffff, v16  }
0x4f6: {  	[tilespmem:v11+s7+$0x0] =	vst.idx.add.f32.msk $0xffff, v16  }
0x4f7: {  	[tilespmem:v12+s7+$0x0] =	vst.idx.add.f32.msk $0xffff, v17  }
0x4f8: {  	[tilespmem:v13+s7+$0x0] =	vst.idx.add.f32.msk $0xffff, v17  }
0x4f9: {  	v4 =	vld [tilespmem:s12+$0xFFFFFDE0]  }
0x4fa: {  	v5 =	vld [tilespmem:s12+$0xFFFFFE60]  }
0x4fb: {  	v6 =	vld [tilespmem:s12+$0xFFFFFEE0]  }
0x4fc: {  	v7 =	vld [tilespmem:s12+$0xFFFFFF60]  }
0x4fd: {  	v8 =	vld [tilespmem:s12+$0xFFFFFFE0]  }
0x4fe: {  	v9 =	vld [tilespmem:s12+$0x60]  }
0x4ff: {  	v10 =	vld [tilespmem:s12+$0xE0]  }
0x500: {  	v11 =	vld [tilespmem:s12+$0x160]  }
0x501: {  	v12 =	vld [tilespmem:s19+$0xFFFFFF20]  }
0x502: {  	v13 =	vld [tilespmem:s19+$0xFFFFFFA0]  }
0x503: {  	v14 =	vld [tilespmem:s19+$0x20]  }
0x504: {  	v15 =	vld [tilespmem:s19+$0xA0]  }
0x505: {  	[tilespmem:v3+s7+$0x0] =	vst.idx.add.f32.msk $0xffff, v2  }
0x506: {  	[tilespmem:v4+s7+$0x0] =	vst.idx.add.f32.msk $0xffff, v12  }
0x507: {  	[tilespmem:v5+s7+$0x0] =	vst.idx.add.f32.msk $0xffff, v12  }
0x508: {  	[tilespmem:v6+s7+$0x0] =	vst.idx.add.f32.msk $0xffff, v13  }
0x509: {  	[tilespmem:v7+s7+$0x0] =	vst.idx.add.f32.msk $0xffff, v13  }
0x50a: {  	[tilespmem:v8+s7+$0x0] =	vst.idx.add.f32.msk $0xffff, v14  }
0x50b: {  	[tilespmem:v9+s7+$0x0] =	vst.idx.add.f32.msk $0xffff, v14  }
0x50c: {  	[tilespmem:v10+s7+$0x0] =	vst.idx.add.f32.msk $0xffff, v15  }
0x50d: {  	[tilespmem:v11+s7+$0x0] =	vst.idx.add.f32.msk $0xffff, v15  }
0x50e: {  	v11 =	vld [tilespmem:s12+$0xFFFFFDF0]  }
0x50f: {  	v12 =	vld [tilespmem:s12+$0xFFFFFE70]  }
0x510: {  	v9 =	vld [tilespmem:s12+$0xFFFFFEF0]  }
0x511: {  	v7 =	vld [tilespmem:s12+$0xFFFFFF70]  }
0x512: {  	v6 =	vld [tilespmem:s12+$0xFFFFFFF0]  }
0x513: {  	v4 =	vld [tilespmem:s12+$0x70]  }
0x514: {  	v3 =	vld [tilespmem:s12+$0xF0]  }
0x515: {  	v13 =	vld [tilespmem:s12+$0x170]  }
0x516: {  	v14 =	vld [tilespmem:s19+$0xFFFFFF30]  }
0x517: {  	v8 =	vld [tilespmem:s19+$0xFFFFFFB0]  }
.Ltmp3:
0x518: {  	v5 =	vld [tilespmem:s19+$0x30];
	(pc) =	sbr.rel @p1 .LBB2_9-.Ltmp3, $4  }
0x519: {  	v10 =	vld [tilespmem:s19+$0xB0]  }
0x51a: {  	[tilespmem:v1+s7+$0x0] =	vst.idx.add.f32.msk $0xffff, v2;
	v1 =	vmov v13  }
0x51b: {  	[tilespmem:v11+s7+$0x0] =	vst.idx.add.f32.msk $0xffff, v14  }
0x51c: {  	s12 =	sadd.s32 $0x500, s12;
	[tilespmem:v12+s7+$0x0] =	vst.idx.add.f32.msk $0xffff, v14  }
0x51d: {  	_ =	sdelay $0x2  }
0x51e: {  	s18 =	sadd.s32 $0x1, s18  }
0x51f: {  	[tilespmem:v9+s7+$0x0] =	vst.idx.add.f32.msk $0xffff, v8;
	p1 =	sne.s32 s18, $0xA6  }
.Ltmp4:
0x520: {  	[tilespmem:v6+s7+$0x0] =	vst.idx.add.f32.msk $0xffff, v5;
	(pc) =	sbr.rel @p1 .LBB2_4-.Ltmp4, $4  }
0x521: {  	[tilespmem:v7+s7+$0x0] =	vst.idx.add.f32.msk $0xffff, v8  }
0x522: {  	[tilespmem:v4+s7+$0x0] =	vst.idx.add.f32.msk $0xffff, v5  }
0x523: {  	[tilespmem:v3+s7+$0x0] =	vst.idx.add.f32.msk $0xffff, v10  }
0x524: {  	[tilespmem:v1+s7+$0x0] =	vst.idx.add.f32.msk $0xffff, v10  }
0x525: {  	_ =	swait.ge [sflag:s30], $0xC80  }
0x526: {  	[sflag:s30] =	ssyncset.done $0x0  }
0x527: {  	[sflag:s30] =	ssyncadd.s32 $0xFFFFF380  }
0x528: {  	_ =	swait.ge [sflag:s30], $0x1900  }
0x529: {  	[sflag:s30] =	ssyncset.done $0x0  }
0x52a: {  	s11 =	rddreg [dreg:$0xa];
	[sflag:s30] =	ssyncadd.s32 $0xFFFFE700  }
0x52b: {  	[hbm4b:s11+s23] =	stream.strided.scatter [tilespmem:s25], [sflag:$0x4], $0xC80, s24, s23, $0x38;
	[tilespmem:$0x1F880] =	vst v63  }
0x52c: {  	s11 =	simm.s32 @p0 $0x6  }
0x52d: {  	_ =	swait.ge @p0 [sflag:s11], $0xC80  }
0x52e: {  	s12 =	simm.s32 @!p0 $0x1AD80;
	[sflag:s11] =	ssyncset.done @p0 $0x0  }
0x52f: {  	s18 =	rddreg [dreg:$0xb];
	[sflag:s11] =	ssyncadd.s32 @p0 $0xFFFFF380;
	s11 =	simm.s32 @!p0 $0x0  }
0x530: {  	[hbm4b:s18+s11] =	stream.linear.scatter @!p0 [tilespmem:s12], [sflag:$0x4], $0x1900, $0x38;
	[tilespmem:$0x1F880] =	vst v63  }
0x531: {  	s11 =	simm.s32 @!p0 $0x6  }
0x532: {  	_ =	swait.ge @!p0 [sflag:s11], $0xC80  }
0x533: {  	[sflag:s11] =	ssyncset.done @!p0 $0x0  }
0x534: {  	[sflag:s11] =	ssyncadd.s32 @!p0 $0xFFFFF380  }
0x535: {  	_ =	swait.ge @!p0 [sflag:s11], $0x1900  }
0x536: {  	[sflag:s11] =	ssyncset.done @!p0 $0x0  }
0x537: {  	s22 =	simm.s32 $0x1B000;
	[sflag:s11] =	ssyncadd.s32 @!p0 $0xFFFFE700  }
0x538: {  	v1 =	vld [tilespmem:s22+$0x180]  }
0x539: {  	v2 =	vld [tilespmem:s22+$0x200]  }
0x53a: {  	s18 =	simm.s32 $0x18940;
	v3 =	vld [tilespmem:s22+$0xFFFFFD80]  }
0x53b: {  	v4 =	vld [tilespmem:s18+$0xC0]  }
0x53c: {  	v5 =	vld [tilespmem:s22+$0xFFFFFE00]  }
0x53d: {  	v6 =	vld [tilespmem:s22+$0xFFFFFE80]  }
0x53e: {  	v7 =	vld [tilespmem:s22+$0xFFFFFF00]  }
0x53f: {  	v8 =	vld [tilespmem:s22+$0xFFFFFF80]  }
0x540: {  	v10 =	vld [tilespmem:s22+$0x80]  }
0x541: {  	v12 =	vld [tilespmem:s18+$0xFFFFFF40]  }
0x542: {  	v15 =	vld [tilespmem:s18+$0xFFFFFEC0]  }
0x543: {  	v11 =	vld [tilespmem:s22+$0x100]  }
0x544: {  	v13 =	vld [tilespmem:s18+$0xFFFFFFC0]  }
0x545: {  	[tilespmem:v1+s7+$0x0] =	vst.idx.add.f32.msk $0xffff, v4  }
0x546: {  	[tilespmem:v6+s7+$0x0] =	vst.idx.add.f32.msk $0xffff, v12  }
0x547: {  	[tilespmem:v3+s7+$0x0] =	vst.idx.add.f32.msk $0xffff, v15  }
0x548: {  	[tilespmem:v2+s7+$0x0] =	vst.idx.add.f32.msk $0xffff, v4  }
0x549: {  	v4 =	vld [tilespmem:s22+$0x0]  }
0x54a: {  	[tilespmem:v7+s7+$0x0] =	vst.idx.add.f32.msk $0xffff, v12  }
0x54b: {  	v1 =	vld [tilespmem:s22+$0x190]  }
0x54c: {  	v2 =	vld [tilespmem:s22+$0x210]  }
0x54d: {  	[tilespmem:v8+s7+$0x0] =	vst.idx.add.f32.msk $0xffff, v13  }
0x54e: {  	v9 =	vld [tilespmem:s18+$0xD0]  }
0x54f: {  	[tilespmem:v5+s7+$0x0] =	vst.idx.add.f32.msk $0xffff, v15  }
0x550: {  	v5 =	vld [tilespmem:s22+$0xFFFFFE10]  }
0x551: {  	v6 =	vld [tilespmem:s22+$0xFFFFFE90]  }
0x552: {  	v7 =	vld [tilespmem:s22+$0xFFFFFF10]  }
0x553: {  	[tilespmem:v1+s7+$0x0] =	vst.idx.add.f32.msk $0xffff, v9  }
0x554: {  	[tilespmem:v2+s7+$0x0] =	vst.idx.add.f32.msk $0xffff, v9  }
0x555: {  	v1 =	vld [tilespmem:s22+$0x1A0]  }
0x556: {  	v2 =	vld [tilespmem:s22+$0x220]  }
0x557: {  	v59 =	vld [tilespmem:s18+$0xFFFFFED0]  }
0x558: {  	v14 =	vld [tilespmem:s18+$0xE0]  }
0x559: {  	v60 =	vld [tilespmem:s18+$0xFFFFFF50]  }
0x55a: {  	[tilespmem:v4+s7+$0x0] =	vst.idx.add.f32.msk $0xffff, v13  }
0x55b: {  	v8 =	vld [tilespmem:s22+$0xFFFFFF90]  }
0x55c: {  	v9 =	vld [tilespmem:s18+$0x40]  }
0x55d: {  	[tilespmem:v1+s7+$0x0] =	vst.idx.add.f32.msk $0xffff, v14  }
0x55e: {  	[tilespmem:v2+s7+$0x0] =	vst.idx.add.f32.msk $0xffff, v14  }
0x55f: {  	v1 =	vld [tilespmem:s22+$0x1B0]  }
0x560: {  	v2 =	vld [tilespmem:s22+$0x230]  }
0x561: {  	[tilespmem:v6+s7+$0x0] =	vst.idx.add.f32.msk $0xffff, v60  }
0x562: {  	v3 =	vld [tilespmem:s18+$0xF0]  }
0x563: {  	[tilespmem:v10+s7+$0x0] =	vst.idx.add.f32.msk $0xffff, v9  }
0x564: {  	[tilespmem:v11+s7+$0x0] =	vst.idx.add.f32.msk $0xffff, v9  }
0x565: {  	v10 =	vld [tilespmem:s22+$0x90]  }
0x566: {  	v61 =	vld [tilespmem:s18+$0x50]  }
0x567: {  	[tilespmem:v1+s7+$0x0] =	vst.idx.add.f32.msk $0xffff, v3  }
0x568: {  	[tilespmem:v2+s7+$0x0] =	vst.idx.add.f32.msk $0xffff, v3  }
0x569: {  	v1 =	vld [tilespmem:s22+$0x1C0]  }
0x56a: {  	v2 =	vld [tilespmem:s22+$0x240]  }
0x56b: {  	[tilespmem:v7+s7+$0x0] =	vst.idx.add.f32.msk $0xffff, v60  }
0x56c: {  	v4 =	vld [tilespmem:s18+$0x100]  }
0x56d: {  	v11 =	vld [tilespmem:s22+$0x110]  }
0x56e: {  	[tilespmem:v10+s7+$0x0] =	vst.idx.add.f32.msk $0xffff, v61  }
0x56f: {  	v10 =	vld [tilespmem:s18+$0xFFFFFF60]  }
0x570: {  	v3 =	vld [tilespmem:s22+$0xFFFFFD90]  }
0x571: {  	[tilespmem:v1+s7+$0x0] =	vst.idx.add.f32.msk $0xffff, v4  }
0x572: {  	[tilespmem:v2+s7+$0x0] =	vst.idx.add.f32.msk $0xffff, v4  }
0x573: {  	v1 =	vld [tilespmem:s22+$0x1D0]  }
0x574: {  	v2 =	vld [tilespmem:s22+$0x250]  }
0x575: {  	[tilespmem:v11+s7+$0x0] =	vst.idx.add.f32.msk $0xffff, v61  }
0x576: {  	v9 =	vld [tilespmem:s18+$0x110]  }
0x577: {  	v7 =	vld [tilespmem:s22+$0xA0]  }
0x578: {  	v62 =	vld [tilespmem:s18+$0x60]  }
0x579: {  	[tilespmem:v3+s7+$0x0] =	vst.idx.add.f32.msk $0xffff, v59  }
0x57a: {  	v4 =	vld [tilespmem:s22+$0x10]  }
0x57b: {  	[tilespmem:v1+s7+$0x0] =	vst.idx.add.f32.msk $0xffff, v9  }
0x57c: {  	[tilespmem:v2+s7+$0x0] =	vst.idx.add.f32.msk $0xffff, v9  }
0x57d: {  	v9 =	vld [tilespmem:s18+$0xFFFFFFD0]  }
0x57e: {  	[tilespmem:v5+s7+$0x0] =	vst.idx.add.f32.msk $0xffff, v59  }
0x57f: {  	v1 =	vld [tilespmem:s22+$0x1E0]  }
0x580: {  	v2 =	vld [tilespmem:s22+$0x260]  }
0x581: {  	v14 =	vld [tilespmem:s18+$0x120]  }
0x582: {  	[tilespmem:v8+s7+$0x0] =	vst.idx.add.f32.msk $0xffff, v9  }
0x583: {  	v8 =	vld [tilespmem:s18+$0xFFFFFEE0]  }
0x584: {  	[tilespmem:v4+s7+$0x0] =	vst.idx.add.f32.msk $0xffff, v9  }
0x585: {  	v4 =	vld [tilespmem:s22+$0xFFFFFF20]  }
0x586: {  	v9 =	vld [tilespmem:s22+$0x120]  }
0x587: {  	[tilespmem:v7+s7+$0x0] =	vst.idx.add.f32.msk $0xffff, v62  }
0x588: {  	v5 =	vld [tilespmem:s22+$0xFFFFFFA0]  }
0x589: {  	v6 =	vld [tilespmem:s22+$0x20]  }
0x58a: {  	v11 =	vld [tilespmem:s18+$0xFFFFFFE0]  }
0x58b: {  	[tilespmem:v1+s7+$0x0] =	vst.idx.add.f32.msk $0xffff, v14  }
0x58c: {  	[tilespmem:v2+s7+$0x0] =	vst.idx.add.f32.msk $0xffff, v14  }
0x58d: {  	v1 =	vld [tilespmem:s22+$0x1F0]  }
0x58e: {  	v2 =	vld [tilespmem:s22+$0x270]  }
0x58f: {  	v3 =	vld [tilespmem:s18+$0x130]  }
0x590: {  	[tilespmem:v9+s7+$0x0] =	vst.idx.add.f32.msk $0xffff, v62  }
0x591: {  	[tilespmem:v5+s7+$0x0] =	vst.idx.add.f32.msk $0xffff, v11  }
0x592: {  	v7 =	vld [tilespmem:s22+$0xB0]  }
0x593: {  	v9 =	vld [tilespmem:s22+$0x130]  }
0x594: {  	v12 =	vld [tilespmem:s18+$0x70]  }
0x595: {  	[tilespmem:v6+s7+$0x0] =	vst.idx.add.f32.msk $0xffff, v11  }
0x596: {  	v5 =	vld [tilespmem:s22+$0xFFFFFFB0]  }
0x597: {  	v6 =	vld [tilespmem:s22+$0x30]  }
0x598: {  	v11 =	vld [tilespmem:s18+$0xFFFFFFF0]  }
0x599: {  	[tilespmem:v1+s7+$0x0] =	vst.idx.add.f32.msk $0xffff, v3  }
0x59a: {  	v1 =	vld [tilespmem:s22+$0xFFFFFDA0]  }
0x59b: {  	[tilespmem:v2+s7+$0x0] =	vst.idx.add.f32.msk $0xffff, v3  }
0x59c: {  	v2 =	vld [tilespmem:s22+$0xFFFFFE20]  }
0x59d: {  	v3 =	vld [tilespmem:s22+$0xFFFFFEA0]  }
0x59e: {  	[tilespmem:v7+s7+$0x0] =	vst.idx.add.f32.msk $0xffff, v12  }
0x59f: {  	[tilespmem:v9+s7+$0x0] =	vst.idx.add.f32.msk $0xffff, v12  }
0x5a0: {  	[tilespmem:v5+s7+$0x0] =	vst.idx.add.f32.msk $0xffff, v11  }
0x5a1: {  	v7 =	vld [tilespmem:s22+$0xC0]  }
0x5a2: {  	v9 =	vld [tilespmem:s22+$0x140]  }
0x5a3: {  	v12 =	vld [tilespmem:s18+$0x80]  }
0x5a4: {  	[tilespmem:v6+s7+$0x0] =	vst.idx.add.f32.msk $0xffff, v11  }
0x5a5: {  	[tilespmem:v1+s7+$0x0] =	vst.idx.add.f32.msk $0xffff, v8  }
0x5a6: {  	v5 =	vld [tilespmem:s22+$0xFFFFFFC0]  }
0x5a7: {  	v6 =	vld [tilespmem:s22+$0x40]  }
0x5a8: {  	v11 =	vld [tilespmem:s18+$0x0]  }
0x5a9: {  	[tilespmem:v2+s7+$0x0] =	vst.idx.add.f32.msk $0xffff, v8  }
0x5aa: {  	[tilespmem:v3+s7+$0x0] =	vst.idx.add.f32.msk $0xffff, v10  }
0x5ab: {  	[tilespmem:v4+s7+$0x0] =	vst.idx.add.f32.msk $0xffff, v10  }
0x5ac: {  	v1 =	vld [tilespmem:s22+$0xFFFFFDB0]  }
0x5ad: {  	v2 =	vld [tilespmem:s22+$0xFFFFFE30]  }
0x5ae: {  	v8 =	vld [tilespmem:s18+$0xFFFFFEF0]  }
0x5af: {  	v3 =	vld [tilespmem:s22+$0xFFFFFEB0]  }
0x5b0: {  	v4 =	vld [tilespmem:s22+$0xFFFFFF30]  }
0x5b1: {  	v10 =	vld [tilespmem:s18+$0xFFFFFF70]  }
0x5b2: {  	[tilespmem:v7+s7+$0x0] =	vst.idx.add.f32.msk $0xffff, v12  }
0x5b3: {  	[tilespmem:v9+s7+$0x0] =	vst.idx.add.f32.msk $0xffff, v12  }
0x5b4: {  	[tilespmem:v5+s7+$0x0] =	vst.idx.add.f32.msk $0xffff, v11  }
0x5b5: {  	v7 =	vld [tilespmem:s22+$0xD0]  }
0x5b6: {  	v9 =	vld [tilespmem:s22+$0x150]  }
0x5b7: {  	v12 =	vld [tilespmem:s18+$0x90]  }
0x5b8: {  	[tilespmem:v6+s7+$0x0] =	vst.idx.add.f32.msk $0xffff, v11  }
0x5b9: {  	[tilespmem:v1+s7+$0x0] =	vst.idx.add.f32.msk $0xffff, v8  }
0x5ba: {  	v5 =	vld [tilespmem:s22+$0xFFFFFFD0]  }
0x5bb: {  	v6 =	vld [tilespmem:s22+$0x50]  }
0x5bc: {  	v11 =	vld [tilespmem:s18+$0x10]  }
0x5bd: {  	[tilespmem:v2+s7+$0x0] =	vst.idx.add.f32.msk $0xffff, v8  }
0x5be: {  	[tilespmem:v3+s7+$0x0] =	vst.idx.add.f32.msk $0xffff, v10  }
0x5bf: {  	[tilespmem:v4+s7+$0x0] =	vst.idx.add.f32.msk $0xffff, v10  }
0x5c0: {  	v1 =	vld [tilespmem:s22+$0xFFFFFDC0]  }
0x5c1: {  	v2 =	vld [tilespmem:s22+$0xFFFFFE40]  }
0x5c2: {  	v8 =	vld [tilespmem:s18+$0xFFFFFF00]  }
0x5c3: {  	v3 =	vld [tilespmem:s22+$0xFFFFFEC0]  }
0x5c4: {  	v4 =	vld [tilespmem:s22+$0xFFFFFF40]  }
0x5c5: {  	v10 =	vld [tilespmem:s18+$0xFFFFFF80]  }
0x5c6: {  	[tilespmem:v7+s7+$0x0] =	vst.idx.add.f32.msk $0xffff, v12  }
0x5c7: {  	[tilespmem:v9+s7+$0x0] =	vst.idx.add.f32.msk $0xffff, v12  }
0x5c8: {  	[tilespmem:v5+s7+$0x0] =	vst.idx.add.f32.msk $0xffff, v11  }
0x5c9: {  	v7 =	vld [tilespmem:s22+$0xE0]  }
0x5ca: {  	v9 =	vld [tilespmem:s22+$0x160]  }
0x5cb: {  	v12 =	vld [tilespmem:s18+$0xA0]  }
0x5cc: {  	[tilespmem:v6+s7+$0x0] =	vst.idx.add.f32.msk $0xffff, v11  }
0x5cd: {  	[tilespmem:v1+s7+$0x0] =	vst.idx.add.f32.msk $0xffff, v8  }
0x5ce: {  	v5 =	vld [tilespmem:s22+$0xFFFFFFE0]  }
0x5cf: {  	v6 =	vld [tilespmem:s22+$0x60]  }
0x5d0: {  	v11 =	vld [tilespmem:s18+$0x20]  }
0x5d1: {  	[tilespmem:v2+s7+$0x0] =	vst.idx.add.f32.msk $0xffff, v8  }
0x5d2: {  	[tilespmem:v3+s7+$0x0] =	vst.idx.add.f32.msk $0xffff, v10  }
0x5d3: {  	[tilespmem:v4+s7+$0x0] =	vst.idx.add.f32.msk $0xffff, v10  }
0x5d4: {  	v1 =	vld [tilespmem:s22+$0xFFFFFDD0]  }
0x5d5: {  	v2 =	vld [tilespmem:s22+$0xFFFFFE50]  }
0x5d6: {  	v8 =	vld [tilespmem:s18+$0xFFFFFF10]  }
0x5d7: {  	v3 =	vld [tilespmem:s22+$0xFFFFFED0]  }
0x5d8: {  	v4 =	vld [tilespmem:s22+$0xFFFFFF50]  }
0x5d9: {  	v10 =	vld [tilespmem:s18+$0xFFFFFF90]  }
0x5da: {  	[tilespmem:v7+s7+$0x0] =	vst.idx.add.f32.msk $0xffff, v12  }
0x5db: {  	[tilespmem:v9+s7+$0x0] =	vst.idx.add.f32.msk $0xffff, v12  }
0x5dc: {  	[tilespmem:v5+s7+$0x0] =	vst.idx.add.f32.msk $0xffff, v11  }
0x5dd: {  	[tilespmem:v6+s7+$0x0] =	vst.idx.add.f32.msk $0xffff, v11  }
0x5de: {  	[tilespmem:v1+s7+$0x0] =	vst.idx.add.f32.msk $0xffff, v8  }
0x5df: {  	[tilespmem:v2+s7+$0x0] =	vst.idx.add.f32.msk $0xffff, v8  }
0x5e0: {  	[tilespmem:v3+s7+$0x0] =	vst.idx.add.f32.msk $0xffff, v10  }
0x5e1: {  	[tilespmem:v4+s7+$0x0] =	vst.idx.add.f32.msk $0xffff, v10  }
0x5e2: {  	v1 =	vld [tilespmem:s22+$0xFFFFFDE0]  }
0x5e3: {  	v2 =	vld [tilespmem:s22+$0xFFFFFE60]  }
0x5e4: {  	v8 =	vld [tilespmem:s18+$0xFFFFFF20]  }
0x5e5: {  	v3 =	vld [tilespmem:s22+$0xFFFFFEE0]  }
0x5e6: {  	v6 =	vld [tilespmem:s22+$0xFFFFFFF0]  }
0x5e7: {  	v4 =	vld [tilespmem:s22+$0xFFFFFF60]  }
0x5e8: {  	v10 =	vld [tilespmem:s18+$0xFFFFFFA0]  }
0x5e9: {  	v5 =	vld [tilespmem:s18+$0x30]  }
0x5ea: {  	[tilespmem:v1+s7+$0x0] =	vst.idx.add.f32.msk $0xffff, v8  }
0x5eb: {  	v1 =	vld [tilespmem:s22+$0x170]  }
0x5ec: {  	[tilespmem:v2+s7+$0x0] =	vst.idx.add.f32.msk $0xffff, v8  }
0x5ed: {  	[tilespmem:v3+s7+$0x0] =	vst.idx.add.f32.msk $0xffff, v10  }
0x5ee: {  	v3 =	vld [tilespmem:s22+$0xF0]  }
0x5ef: {  	[tilespmem:v4+s7+$0x0] =	vst.idx.add.f32.msk $0xffff, v10  }
0x5f0: {  	v2 =	vld [tilespmem:s22+$0xFFFFFDF0]  }
0x5f1: {  	v11 =	vld [tilespmem:s22+$0xFFFFFE70]  }
0x5f2: {  	v4 =	vld [tilespmem:s22+$0x70]  }
0x5f3: {  	v63 =	vld [tilespmem:s18+$0xFFFFFF30]  }
0x5f4: {  	v10 =	vld [tilespmem:s18+$0xB0]  }
0x5f5: {  	v9 =	vld [tilespmem:s22+$0xFFFFFEF0]  }
0x5f6: {  	v7 =	vld [tilespmem:s22+$0xFFFFFF70]  }
0x5f7: {  	v8 =	vld [tilespmem:s18+$0xFFFFFFB0]  }
0x5f8: {  	[tilespmem:v2+s7+$0x0] =	vst.idx.add.f32.msk $0xffff, v63  }
0x5f9: {  	s12 =	simm.s32 $0x1B500;
	s11 =	simm.s32 $0x0;
	[tilespmem:v11+s7+$0x0] =	vst.idx.add.f32.msk $0xffff, v63  }
.LBB2_12:
0x5fa: {  	v11 =	vld [tilespmem:s12+$0x180]  }
0x5fb: {  	v12 =	vld [tilespmem:s12+$0x200];
	v2 =	vmov v10  }
0x5fc: {  	s18 =	sadd.s32 $0x280, s18;
	v10 =	vld [tilespmem:s12+$0xFFFFFD80]  }
0x5fd: {  	v13 =	vld [tilespmem:s18+$0xC0]  }
0x5fe: {  	v14 =	vld [tilespmem:s12+$0xFFFFFE00]  }
0x5ff: {  	v15 =	vld [tilespmem:s12+$0xFFFFFE80]  }
0x600: {  	v16 =	vld [tilespmem:s12+$0xFFFFFF00]  }
0x601: {  	v17 =	vld [tilespmem:s12+$0xFFFFFF80]  }
0x602: {  	s11 =	sadd.s32 $0x5, s11;
	[tilespmem:v11+s7+$0x0] =	vst.idx.add.f32.msk $0xffff, v13  }
0x603: {  	p1 =	slt.u32 s11, $0x14;
	[tilespmem:v12+s7+$0x0] =	vst.idx.add.f32.msk $0xffff, v13  }
0x604: {  	v11 =	vld [tilespmem:s12+$0x190]  }
0x605: {  	v12 =	vld [tilespmem:s12+$0x210]  }
0x606: {  	v13 =	vld [tilespmem:s12+$0x0]  }
0x607: {  	v18 =	vld [tilespmem:s18+$0xD0]  }
0x608: {  	v19 =	vld [tilespmem:s12+$0x80]  }
0x609: {  	v20 =	vld [tilespmem:s12+$0x100]  }
0x60a: {  	v21 =	vld [tilespmem:s18+$0xFFFFFF40]  }
0x60b: {  	v22 =	vld [tilespmem:s18+$0xFFFFFFC0]  }
0x60c: {  	[tilespmem:v11+s7+$0x0] =	vst.idx.add.f32.msk $0xffff, v18  }
0x60d: {  	[tilespmem:v12+s7+$0x0] =	vst.idx.add.f32.msk $0xffff, v18  }
0x60e: {  	v11 =	vld [tilespmem:s12+$0x1A0]  }
0x60f: {  	v12 =	vld [tilespmem:s12+$0x220]  }
0x610: {  	v18 =	vld [tilespmem:s18+$0x40]  }
0x611: {  	v23 =	vld [tilespmem:s18+$0xE0]  }
0x612: {  	v24 =	vld [tilespmem:s18+$0xFFFFFEC0]  }
0x613: {  	[tilespmem:v15+s7+$0x0] =	vst.idx.add.f32.msk $0xffff, v21  }
0x614: {  	[tilespmem:v16+s7+$0x0] =	vst.idx.add.f32.msk $0xffff, v21  }
0x615: {  	[tilespmem:v17+s7+$0x0] =	vst.idx.add.f32.msk $0xffff, v22  }
0x616: {  	[tilespmem:v11+s7+$0x0] =	vst.idx.add.f32.msk $0xffff, v23  }
0x617: {  	[tilespmem:v12+s7+$0x0] =	vst.idx.add.f32.msk $0xffff, v23  }
0x618: {  	v11 =	vld [tilespmem:s12+$0x1B0]  }
0x619: {  	v12 =	vld [tilespmem:s12+$0x230]  }
0x61a: {  	[tilespmem:v10+s7+$0x0] =	vst.idx.add.f32.msk $0xffff, v24  }
0x61b: {  	v10 =	vld [tilespmem:s18+$0xF0]  }
0x61c: {  	[tilespmem:v14+s7+$0x0] =	vst.idx.add.f32.msk $0xffff, v24  }
0x61d: {  	[tilespmem:v13+s7+$0x0] =	vst.idx.add.f32.msk $0xffff, v22  }
0x61e: {  	[tilespmem:v19+s7+$0x0] =	vst.idx.add.f32.msk $0xffff, v18  }
0x61f: {  	[tilespmem:v20+s7+$0x0] =	vst.idx.add.f32.msk $0xffff, v18  }
0x620: {  	[tilespmem:v11+s7+$0x0] =	vst.idx.add.f32.msk $0xffff, v10  }
0x621: {  	[tilespmem:v12+s7+$0x0] =	vst.idx.add.f32.msk $0xffff, v10  }
0x622: {  	v10 =	vld [tilespmem:s12+$0x1C0]  }
0x623: {  	v11 =	vld [tilespmem:s12+$0x240]  }
0x624: {  	v12 =	vld [tilespmem:s12+$0xFFFFFD90]  }
0x625: {  	v13 =	vld [tilespmem:s18+$0x100]  }
0x626: {  	v14 =	vld [tilespmem:s12+$0xFFFFFE10]  }
0x627: {  	v15 =	vld [tilespmem:s12+$0xFFFFFE90]  }
0x628: {  	v16 =	vld [tilespmem:s12+$0xFFFFFF10]  }
0x629: {  	v17 =	vld [tilespmem:s12+$0xFFFFFF90]  }
0x62a: {  	[tilespmem:v10+s7+$0x0] =	vst.idx.add.f32.msk $0xffff, v13  }
0x62b: {  	[tilespmem:v11+s7+$0x0] =	vst.idx.add.f32.msk $0xffff, v13  }
0x62c: {  	v10 =	vld [tilespmem:s12+$0x1D0]  }
0x62d: {  	v11 =	vld [tilespmem:s12+$0x250]  }
0x62e: {  	v13 =	vld [tilespmem:s12+$0x10]  }
0x62f: {  	v18 =	vld [tilespmem:s18+$0x110]  }
0x630: {  	v19 =	vld [tilespmem:s12+$0x90]  }
0x631: {  	v20 =	vld [tilespmem:s12+$0x110]  }
0x632: {  	v21 =	vld [tilespmem:s18+$0xFFFFFED0]  }
0x633: {  	v22 =	vld [tilespmem:s18+$0xFFFFFF50]  }
0x634: {  	[tilespmem:v10+s7+$0x0] =	vst.idx.add.f32.msk $0xffff, v18  }
0x635: {  	[tilespmem:v11+s7+$0x0] =	vst.idx.add.f32.msk $0xffff, v18  }
0x636: {  	v10 =	vld [tilespmem:s12+$0x1E0]  }
0x637: {  	v11 =	vld [tilespmem:s12+$0x260]  }
0x638: {  	v18 =	vld [tilespmem:s18+$0xFFFFFFD0]  }
0x639: {  	v23 =	vld [tilespmem:s18+$0x120]  }
0x63a: {  	v24 =	vld [tilespmem:s18+$0x50]  }
0x63b: {  	[tilespmem:v12+s7+$0x0] =	vst.idx.add.f32.msk $0xffff, v21  }
0x63c: {  	[tilespmem:v14+s7+$0x0] =	vst.idx.add.f32.msk $0xffff, v21  }
0x63d: {  	[tilespmem:v15+s7+$0x0] =	vst.idx.add.f32.msk $0xffff, v22  }
0x63e: {  	[tilespmem:v10+s7+$0x0] =	vst.idx.add.f32.msk $0xffff, v23  }
0x63f: {  	[tilespmem:v11+s7+$0x0] =	vst.idx.add.f32.msk $0xffff, v23  }
0x640: {  	v10 =	vld [tilespmem:s12+$0x1F0]  }
0x641: {  	v11 =	vld [tilespmem:s12+$0x270]  }
0x642: {  	[tilespmem:v16+s7+$0x0] =	vst.idx.add.f32.msk $0xffff, v22  }
0x643: {  	v12 =	vld [tilespmem:s18+$0x130]  }
0x644: {  	[tilespmem:v17+s7+$0x0] =	vst.idx.add.f32.msk $0xffff, v18  }
0x645: {  	[tilespmem:v13+s7+$0x0] =	vst.idx.add.f32.msk $0xffff, v18  }
0x646: {  	[tilespmem:v19+s7+$0x0] =	vst.idx.add.f32.msk $0xffff, v24  }
0x647: {  	[tilespmem:v20+s7+$0x0] =	vst.idx.add.f32.msk $0xffff, v24  }
0x648: {  	[tilespmem:v10+s7+$0x0] =	vst.idx.add.f32.msk $0xffff, v12  }
0x649: {  	[tilespmem:v11+s7+$0x0] =	vst.idx.add.f32.msk $0xffff, v12  }
0x64a: {  	v10 =	vld [tilespmem:s12+$0xFFFFFDA0]  }
0x64b: {  	v11 =	vld [tilespmem:s12+$0xFFFFFE20]  }
0x64c: {  	v12 =	vld [tilespmem:s12+$0xFFFFFEA0]  }
0x64d: {  	v13 =	vld [tilespmem:s12+$0xFFFFFF20]  }
0x64e: {  	v14 =	vld [tilespmem:s12+$0xFFFFFFA0]  }
0x64f: {  	v15 =	vld [tilespmem:s12+$0x20]  }
0x650: {  	v16 =	vld [tilespmem:s12+$0xA0]  }
0x651: {  	v17 =	vld [tilespmem:s12+$0x120]  }
0x652: {  	v18 =	vld [tilespmem:s18+$0xFFFFFEE0]  }
0x653: {  	v19 =	vld [tilespmem:s18+$0xFFFFFF60]  }
0x654: {  	v20 =	vld [tilespmem:s18+$0xFFFFFFE0]  }
0x655: {  	v21 =	vld [tilespmem:s18+$0x60]  }
0x656: {  	[tilespmem:v9+s7+$0x0] =	vst.idx.add.f32.msk $0xffff, v8  }
0x657: {  	[tilespmem:v10+s7+$0x0] =	vst.idx.add.f32.msk $0xffff, v18  }
0x658: {  	[tilespmem:v11+s7+$0x0] =	vst.idx.add.f32.msk $0xffff, v18  }
0x659: {  	[tilespmem:v12+s7+$0x0] =	vst.idx.add.f32.msk $0xffff, v19  }
0x65a: {  	[tilespmem:v13+s7+$0x0] =	vst.idx.add.f32.msk $0xffff, v19  }
0x65b: {  	[tilespmem:v14+s7+$0x0] =	vst.idx.add.f32.msk $0xffff, v20  }
0x65c: {  	[tilespmem:v15+s7+$0x0] =	vst.idx.add.f32.msk $0xffff, v20  }
0x65d: {  	[tilespmem:v16+s7+$0x0] =	vst.idx.add.f32.msk $0xffff, v21  }
0x65e: {  	[tilespmem:v17+s7+$0x0] =	vst.idx.add.f32.msk $0xffff, v21  }
0x65f: {  	v9 =	vld [tilespmem:s12+$0xFFFFFDB0]  }
0x660: {  	v10 =	vld [tilespmem:s12+$0xFFFFFE30]  }
0x661: {  	v11 =	vld [tilespmem:s12+$0xFFFFFEB0]  }
0x662: {  	v12 =	vld [tilespmem:s12+$0xFFFFFF30]  }
0x663: {  	v13 =	vld [tilespmem:s12+$0xFFFFFFB0]  }
0x664: {  	v14 =	vld [tilespmem:s12+$0x30]  }
0x665: {  	v15 =	vld [tilespmem:s12+$0xB0]  }
0x666: {  	v16 =	vld [tilespmem:s12+$0x130]  }
0x667: {  	v17 =	vld [tilespmem:s18+$0xFFFFFEF0]  }
0x668: {  	v18 =	vld [tilespmem:s18+$0xFFFFFF70]  }
0x669: {  	v19 =	vld [tilespmem:s18+$0xFFFFFFF0]  }
0x66a: {  	v20 =	vld [tilespmem:s18+$0x70]  }
0x66b: {  	[tilespmem:v7+s7+$0x0] =	vst.idx.add.f32.msk $0xffff, v8  }
0x66c: {  	[tilespmem:v9+s7+$0x0] =	vst.idx.add.f32.msk $0xffff, v17  }
0x66d: {  	[tilespmem:v10+s7+$0x0] =	vst.idx.add.f32.msk $0xffff, v17  }
0x66e: {  	[tilespmem:v11+s7+$0x0] =	vst.idx.add.f32.msk $0xffff, v18  }
0x66f: {  	[tilespmem:v12+s7+$0x0] =	vst.idx.add.f32.msk $0xffff, v18  }
0x670: {  	[tilespmem:v13+s7+$0x0] =	vst.idx.add.f32.msk $0xffff, v19  }
0x671: {  	[tilespmem:v14+s7+$0x0] =	vst.idx.add.f32.msk $0xffff, v19  }
0x672: {  	[tilespmem:v15+s7+$0x0] =	vst.idx.add.f32.msk $0xffff, v20  }
0x673: {  	[tilespmem:v16+s7+$0x0] =	vst.idx.add.f32.msk $0xffff, v20  }
0x674: {  	v7 =	vld [tilespmem:s12+$0xFFFFFDC0]  }
0x675: {  	v8 =	vld [tilespmem:s12+$0xFFFFFE40]  }
0x676: {  	v9 =	vld [tilespmem:s12+$0xFFFFFEC0]  }
0x677: {  	v10 =	vld [tilespmem:s12+$0xFFFFFF40]  }
0x678: {  	v11 =	vld [tilespmem:s12+$0xFFFFFFC0]  }
0x679: {  	v12 =	vld [tilespmem:s12+$0x40]  }
0x67a: {  	v13 =	vld [tilespmem:s12+$0xC0]  }
0x67b: {  	v14 =	vld [tilespmem:s12+$0x140]  }
0x67c: {  	v15 =	vld [tilespmem:s18+$0xFFFFFF00]  }
0x67d: {  	v16 =	vld [tilespmem:s18+$0xFFFFFF80]  }
0x67e: {  	v17 =	vld [tilespmem:s18+$0x0]  }
0x67f: {  	v18 =	vld [tilespmem:s18+$0x80]  }
0x680: {  	[tilespmem:v6+s7+$0x0] =	vst.idx.add.f32.msk $0xffff, v5  }
0x681: {  	[tilespmem:v7+s7+$0x0] =	vst.idx.add.f32.msk $0xffff, v15  }
0x682: {  	[tilespmem:v8+s7+$0x0] =	vst.idx.add.f32.msk $0xffff, v15  }
0x683: {  	[tilespmem:v9+s7+$0x0] =	vst.idx.add.f32.msk $0xffff, v16  }
0x684: {  	[tilespmem:v10+s7+$0x0] =	vst.idx.add.f32.msk $0xffff, v16  }
0x685: {  	[tilespmem:v11+s7+$0x0] =	vst.idx.add.f32.msk $0xffff, v17  }
0x686: {  	[tilespmem:v12+s7+$0x0] =	vst.idx.add.f32.msk $0xffff, v17  }
0x687: {  	[tilespmem:v13+s7+$0x0] =	vst.idx.add.f32.msk $0xffff, v18  }
0x688: {  	[tilespmem:v14+s7+$0x0] =	vst.idx.add.f32.msk $0xffff, v18  }
0x689: {  	v6 =	vld [tilespmem:s12+$0xFFFFFDD0]  }
0x68a: {  	v7 =	vld [tilespmem:s12+$0xFFFFFE50]  }
0x68b: {  	v8 =	vld [tilespmem:s12+$0xFFFFFED0]  }
0x68c: {  	v9 =	vld [tilespmem:s12+$0xFFFFFF50]  }
0x68d: {  	v10 =	vld [tilespmem:s12+$0xFFFFFFD0]  }
0x68e: {  	v11 =	vld [tilespmem:s12+$0x50]  }
0x68f: {  	v12 =	vld [tilespmem:s12+$0xD0]  }
0x690: {  	v13 =	vld [tilespmem:s12+$0x150]  }
0x691: {  	v14 =	vld [tilespmem:s18+$0xFFFFFF10]  }
0x692: {  	v15 =	vld [tilespmem:s18+$0xFFFFFF90]  }
0x693: {  	v16 =	vld [tilespmem:s18+$0x10]  }
0x694: {  	v17 =	vld [tilespmem:s18+$0x90]  }
0x695: {  	[tilespmem:v4+s7+$0x0] =	vst.idx.add.f32.msk $0xffff, v5  }
0x696: {  	[tilespmem:v6+s7+$0x0] =	vst.idx.add.f32.msk $0xffff, v14  }
0x697: {  	[tilespmem:v7+s7+$0x0] =	vst.idx.add.f32.msk $0xffff, v14  }
0x698: {  	[tilespmem:v8+s7+$0x0] =	vst.idx.add.f32.msk $0xffff, v15  }
0x699: {  	[tilespmem:v9+s7+$0x0] =	vst.idx.add.f32.msk $0xffff, v15  }
0x69a: {  	[tilespmem:v10+s7+$0x0] =	vst.idx.add.f32.msk $0xffff, v16  }
0x69b: {  	[tilespmem:v11+s7+$0x0] =	vst.idx.add.f32.msk $0xffff, v16  }
0x69c: {  	[tilespmem:v12+s7+$0x0] =	vst.idx.add.f32.msk $0xffff, v17  }
0x69d: {  	[tilespmem:v13+s7+$0x0] =	vst.idx.add.f32.msk $0xffff, v17  }
0x69e: {  	v4 =	vld [tilespmem:s12+$0xFFFFFDE0]  }
0x69f: {  	v5 =	vld [tilespmem:s12+$0xFFFFFE60]  }
0x6a0: {  	v6 =	vld [tilespmem:s12+$0xFFFFFEE0]  }
0x6a1: {  	v7 =	vld [tilespmem:s12+$0xFFFFFF60]  }
0x6a2: {  	v8 =	vld [tilespmem:s12+$0xFFFFFFE0]  }
0x6a3: {  	v9 =	vld [tilespmem:s12+$0x60]  }
0x6a4: {  	v10 =	vld [tilespmem:s12+$0xE0]  }
0x6a5: {  	v11 =	vld [tilespmem:s12+$0x160]  }
0x6a6: {  	v12 =	vld [tilespmem:s18+$0xFFFFFF20]  }
0x6a7: {  	v13 =	vld [tilespmem:s18+$0xFFFFFFA0]  }
0x6a8: {  	v14 =	vld [tilespmem:s18+$0x20]  }
0x6a9: {  	v15 =	vld [tilespmem:s18+$0xA0]  }
0x6aa: {  	[tilespmem:v3+s7+$0x0] =	vst.idx.add.f32.msk $0xffff, v2  }
0x6ab: {  	[tilespmem:v4+s7+$0x0] =	vst.idx.add.f32.msk $0xffff, v12  }
0x6ac: {  	[tilespmem:v5+s7+$0x0] =	vst.idx.add.f32.msk $0xffff, v12  }
0x6ad: {  	[tilespmem:v6+s7+$0x0] =	vst.idx.add.f32.msk $0xffff, v13  }
0x6ae: {  	[tilespmem:v7+s7+$0x0] =	vst.idx.add.f32.msk $0xffff, v13  }
0x6af: {  	[tilespmem:v8+s7+$0x0] =	vst.idx.add.f32.msk $0xffff, v14  }
0x6b0: {  	[tilespmem:v9+s7+$0x0] =	vst.idx.add.f32.msk $0xffff, v14  }
0x6b1: {  	[tilespmem:v10+s7+$0x0] =	vst.idx.add.f32.msk $0xffff, v15  }
0x6b2: {  	[tilespmem:v11+s7+$0x0] =	vst.idx.add.f32.msk $0xffff, v15  }
0x6b3: {  	v11 =	vld [tilespmem:s12+$0xFFFFFDF0]  }
0x6b4: {  	v12 =	vld [tilespmem:s12+$0xFFFFFE70]  }
0x6b5: {  	v9 =	vld [tilespmem:s12+$0xFFFFFEF0]  }
0x6b6: {  	v7 =	vld [tilespmem:s12+$0xFFFFFF70]  }
0x6b7: {  	v6 =	vld [tilespmem:s12+$0xFFFFFFF0]  }
0x6b8: {  	v4 =	vld [tilespmem:s12+$0x70]  }
0x6b9: {  	v3 =	vld [tilespmem:s12+$0xF0]  }
0x6ba: {  	v13 =	vld [tilespmem:s12+$0x170]  }
0x6bb: {  	v14 =	vld [tilespmem:s18+$0xFFFFFF30]  }
0x6bc: {  	v8 =	vld [tilespmem:s18+$0xFFFFFFB0]  }
.Ltmp5:
0x6bd: {  	v5 =	vld [tilespmem:s18+$0x30];
	(pc) =	sbr.rel @p1 .LBB2_12-.Ltmp5, $4  }
0x6be: {  	v10 =	vld [tilespmem:s18+$0xB0]  }
0x6bf: {  	[tilespmem:v1+s7+$0x0] =	vst.idx.add.f32.msk $0xffff, v2;
	v1 =	vmov v13  }
0x6c0: {  	[tilespmem:v11+s7+$0x0] =	vst.idx.add.f32.msk $0xffff, v14  }
0x6c1: {  	s12 =	sadd.s32 $0x500, s12;
	[tilespmem:v12+s7+$0x0] =	vst.idx.add.f32.msk $0xffff, v14  }
0x6c2: {  	_ =	sdelay $0x3  }
0x6c3: {  	[tilespmem:v9+s7+$0x0] =	vst.idx.add.f32.msk $0xffff, v8  }
0x6c4: {  	[tilespmem:v6+s7+$0x0] =	vst.idx.add.f32.msk $0xffff, v5  }
0x6c5: {  	[tilespmem:v7+s7+$0x0] =	vst.idx.add.f32.msk $0xffff, v8  }
0x6c6: {  	[tilespmem:v4+s7+$0x0] =	vst.idx.add.f32.msk $0xffff, v5  }
0x6c7: {  	[tilespmem:v3+s7+$0x0] =	vst.idx.add.f32.msk $0xffff, v10  }
0x6c8: {  	[tilespmem:v1+s7+$0x0] =	vst.idx.add.f32.msk $0xffff, v10  }
0x6c9: {  	_ =	swait.ge [sflag:s9], $0xC80  }
0x6ca: {  	[sflag:s9] =	ssyncset.done $0x0  }
0x6cb: {  	[sflag:s9] =	ssyncadd.s32 $0xFFFFF380  }
0x6cc: {  	_ =	swait.ge [sflag:s9], $0x1900  }
0x6cd: {  	[sflag:s9] =	ssyncset.done $0x0  }
0x6ce: {  	s12 =	simm.s32 @!p0 $0x1C680;
	s11 =	rddreg [dreg:$0xc];
	[sflag:s9] =	ssyncadd.s32 $0xFFFFE700  }
0x6cf: {  	[hbm4b:s11+s23] =	stream.strided.scatter [tilespmem:s28], [sflag:$0x5], $0xC80, s24, s23, $0x38;
	[tilespmem:$0x1F880] =	vst v63  }
0x6d0: {  	s22 =	simm.s32 $0x1C900;
	s18 =	rddreg [dreg:$0xd];
	s11 =	simm.s32 @!p0 $0x0  }
0x6d1: {  	[hbm4b:s18+s11] =	stream.linear.scatter @!p0 [tilespmem:s12], [sflag:$0x5], $0x1900, $0x38;
	[tilespmem:$0x1F880] =	vst v63  }
0x6d2: {  	v1 =	vld [tilespmem:s22+$0x180]  }
0x6d3: {  	v2 =	vld [tilespmem:s22+$0x200]  }
0x6d4: {  	s18 =	simm.s32 $0x195C0;
	v3 =	vld [tilespmem:s22+$0xFFFFFD80]  }
0x6d5: {  	v4 =	vld [tilespmem:s18+$0xC0]  }
0x6d6: {  	v5 =	vld [tilespmem:s22+$0xFFFFFE00]  }
0x6d7: {  	v6 =	vld [tilespmem:s22+$0xFFFFFE80]  }
0x6d8: {  	v7 =	vld [tilespmem:s22+$0xFFFFFF00]  }
0x6d9: {  	v8 =	vld [tilespmem:s22+$0xFFFFFF80]  }
0x6da: {  	v10 =	vld [tilespmem:s22+$0x80]  }
0x6db: {  	v12 =	vld [tilespmem:s18+$0xFFFFFF40]  }
0x6dc: {  	v15 =	vld [tilespmem:s18+$0xFFFFFEC0]  }
0x6dd: {  	v11 =	vld [tilespmem:s22+$0x100]  }
0x6de: {  	v13 =	vld [tilespmem:s18+$0xFFFFFFC0]  }
0x6df: {  	[tilespmem:v1+s7+$0x0] =	vst.idx.add.f32.msk $0xffff, v4  }
0x6e0: {  	[tilespmem:v6+s7+$0x0] =	vst.idx.add.f32.msk $0xffff, v12  }
0x6e1: {  	[tilespmem:v3+s7+$0x0] =	vst.idx.add.f32.msk $0xffff, v15  }
0x6e2: {  	[tilespmem:v2+s7+$0x0] =	vst.idx.add.f32.msk $0xffff, v4  }
0x6e3: {  	v4 =	vld [tilespmem:s22+$0x0]  }
0x6e4: {  	[tilespmem:v7+s7+$0x0] =	vst.idx.add.f32.msk $0xffff, v12  }
0x6e5: {  	v1 =	vld [tilespmem:s22+$0x190]  }
0x6e6: {  	v2 =	vld [tilespmem:s22+$0x210]  }
0x6e7: {  	[tilespmem:v8+s7+$0x0] =	vst.idx.add.f32.msk $0xffff, v13  }
0x6e8: {  	v9 =	vld [tilespmem:s18+$0xD0]  }
0x6e9: {  	[tilespmem:v5+s7+$0x0] =	vst.idx.add.f32.msk $0xffff, v15  }
0x6ea: {  	v5 =	vld [tilespmem:s22+$0xFFFFFE10]  }
0x6eb: {  	v6 =	vld [tilespmem:s22+$0xFFFFFE90]  }
0x6ec: {  	v7 =	vld [tilespmem:s22+$0xFFFFFF10]  }
0x6ed: {  	[tilespmem:v1+s7+$0x0] =	vst.idx.add.f32.msk $0xffff, v9  }
0x6ee: {  	[tilespmem:v2+s7+$0x0] =	vst.idx.add.f32.msk $0xffff, v9  }
0x6ef: {  	v1 =	vld [tilespmem:s22+$0x1A0]  }
0x6f0: {  	v2 =	vld [tilespmem:s22+$0x220]  }
0x6f1: {  	v59 =	vld [tilespmem:s18+$0xFFFFFED0]  }
0x6f2: {  	v14 =	vld [tilespmem:s18+$0xE0]  }
0x6f3: {  	v60 =	vld [tilespmem:s18+$0xFFFFFF50]  }
0x6f4: {  	[tilespmem:v4+s7+$0x0] =	vst.idx.add.f32.msk $0xffff, v13  }
0x6f5: {  	v8 =	vld [tilespmem:s22+$0xFFFFFF90]  }
0x6f6: {  	v9 =	vld [tilespmem:s18+$0x40]  }
0x6f7: {  	[tilespmem:v1+s7+$0x0] =	vst.idx.add.f32.msk $0xffff, v14  }
0x6f8: {  	[tilespmem:v2+s7+$0x0] =	vst.idx.add.f32.msk $0xffff, v14  }
0x6f9: {  	v1 =	vld [tilespmem:s22+$0x1B0]  }
0x6fa: {  	v2 =	vld [tilespmem:s22+$0x230]  }
0x6fb: {  	[tilespmem:v6+s7+$0x0] =	vst.idx.add.f32.msk $0xffff, v60  }
0x6fc: {  	v3 =	vld [tilespmem:s18+$0xF0]  }
0x6fd: {  	[tilespmem:v10+s7+$0x0] =	vst.idx.add.f32.msk $0xffff, v9  }
0x6fe: {  	[tilespmem:v11+s7+$0x0] =	vst.idx.add.f32.msk $0xffff, v9  }
0x6ff: {  	v10 =	vld [tilespmem:s22+$0x90]  }
0x700: {  	v61 =	vld [tilespmem:s18+$0x50]  }
0x701: {  	[tilespmem:v1+s7+$0x0] =	vst.idx.add.f32.msk $0xffff, v3  }
0x702: {  	[tilespmem:v2+s7+$0x0] =	vst.idx.add.f32.msk $0xffff, v3  }
0x703: {  	v1 =	vld [tilespmem:s22+$0x1C0]  }
0x704: {  	v2 =	vld [tilespmem:s22+$0x240]  }
0x705: {  	[tilespmem:v7+s7+$0x0] =	vst.idx.add.f32.msk $0xffff, v60  }
0x706: {  	v4 =	vld [tilespmem:s18+$0x100]  }
0x707: {  	v11 =	vld [tilespmem:s22+$0x110]  }
0x708: {  	[tilespmem:v10+s7+$0x0] =	vst.idx.add.f32.msk $0xffff, v61  }
0x709: {  	v10 =	vld [tilespmem:s18+$0xFFFFFF60]  }
0x70a: {  	v3 =	vld [tilespmem:s22+$0xFFFFFD90]  }
0x70b: {  	[tilespmem:v1+s7+$0x0] =	vst.idx.add.f32.msk $0xffff, v4  }
0x70c: {  	[tilespmem:v2+s7+$0x0] =	vst.idx.add.f32.msk $0xffff, v4  }
0x70d: {  	v1 =	vld [tilespmem:s22+$0x1D0]  }
0x70e: {  	v2 =	vld [tilespmem:s22+$0x250]  }
0x70f: {  	[tilespmem:v11+s7+$0x0] =	vst.idx.add.f32.msk $0xffff, v61  }
0x710: {  	v9 =	vld [tilespmem:s18+$0x110]  }
0x711: {  	v7 =	vld [tilespmem:s22+$0xA0]  }
0x712: {  	v62 =	vld [tilespmem:s18+$0x60]  }
0x713: {  	[tilespmem:v3+s7+$0x0] =	vst.idx.add.f32.msk $0xffff, v59  }
0x714: {  	v4 =	vld [tilespmem:s22+$0x10]  }
0x715: {  	[tilespmem:v1+s7+$0x0] =	vst.idx.add.f32.msk $0xffff, v9  }
0x716: {  	[tilespmem:v2+s7+$0x0] =	vst.idx.add.f32.msk $0xffff, v9  }
0x717: {  	v9 =	vld [tilespmem:s18+$0xFFFFFFD0]  }
0x718: {  	[tilespmem:v5+s7+$0x0] =	vst.idx.add.f32.msk $0xffff, v59  }
0x719: {  	v1 =	vld [tilespmem:s22+$0x1E0]  }
0x71a: {  	v2 =	vld [tilespmem:s22+$0x260]  }
0x71b: {  	v14 =	vld [tilespmem:s18+$0x120]  }
0x71c: {  	[tilespmem:v8+s7+$0x0] =	vst.idx.add.f32.msk $0xffff, v9  }
0x71d: {  	v8 =	vld [tilespmem:s18+$0xFFFFFEE0]  }
0x71e: {  	[tilespmem:v4+s7+$0x0] =	vst.idx.add.f32.msk $0xffff, v9  }
0x71f: {  	v4 =	vld [tilespmem:s22+$0xFFFFFF20]  }
0x720: {  	v9 =	vld [tilespmem:s22+$0x120]  }
0x721: {  	[tilespmem:v7+s7+$0x0] =	vst.idx.add.f32.msk $0xffff, v62  }
0x722: {  	v5 =	vld [tilespmem:s22+$0xFFFFFFA0]  }
0x723: {  	v6 =	vld [tilespmem:s22+$0x20]  }
0x724: {  	v11 =	vld [tilespmem:s18+$0xFFFFFFE0]  }
0x725: {  	[tilespmem:v1+s7+$0x0] =	vst.idx.add.f32.msk $0xffff, v14  }
0x726: {  	[tilespmem:v2+s7+$0x0] =	vst.idx.add.f32.msk $0xffff, v14  }
0x727: {  	v1 =	vld [tilespmem:s22+$0x1F0]  }
0x728: {  	v2 =	vld [tilespmem:s22+$0x270]  }
0x729: {  	v3 =	vld [tilespmem:s18+$0x130]  }
0x72a: {  	[tilespmem:v9+s7+$0x0] =	vst.idx.add.f32.msk $0xffff, v62  }
0x72b: {  	[tilespmem:v5+s7+$0x0] =	vst.idx.add.f32.msk $0xffff, v11  }
0x72c: {  	v7 =	vld [tilespmem:s22+$0xB0]  }
0x72d: {  	v9 =	vld [tilespmem:s22+$0x130]  }
0x72e: {  	v12 =	vld [tilespmem:s18+$0x70]  }
0x72f: {  	[tilespmem:v6+s7+$0x0] =	vst.idx.add.f32.msk $0xffff, v11  }
0x730: {  	v5 =	vld [tilespmem:s22+$0xFFFFFFB0]  }
0x731: {  	v6 =	vld [tilespmem:s22+$0x30]  }
0x732: {  	v11 =	vld [tilespmem:s18+$0xFFFFFFF0]  }
0x733: {  	[tilespmem:v1+s7+$0x0] =	vst.idx.add.f32.msk $0xffff, v3  }
0x734: {  	v1 =	vld [tilespmem:s22+$0xFFFFFDA0]  }
0x735: {  	[tilespmem:v2+s7+$0x0] =	vst.idx.add.f32.msk $0xffff, v3  }
0x736: {  	v2 =	vld [tilespmem:s22+$0xFFFFFE20]  }
0x737: {  	v3 =	vld [tilespmem:s22+$0xFFFFFEA0]  }
0x738: {  	[tilespmem:v7+s7+$0x0] =	vst.idx.add.f32.msk $0xffff, v12  }
0x739: {  	[tilespmem:v9+s7+$0x0] =	vst.idx.add.f32.msk $0xffff, v12  }
0x73a: {  	[tilespmem:v5+s7+$0x0] =	vst.idx.add.f32.msk $0xffff, v11  }
0x73b: {  	v7 =	vld [tilespmem:s22+$0xC0]  }
0x73c: {  	v9 =	vld [tilespmem:s22+$0x140]  }
0x73d: {  	v12 =	vld [tilespmem:s18+$0x80]  }
0x73e: {  	[tilespmem:v6+s7+$0x0] =	vst.idx.add.f32.msk $0xffff, v11  }
0x73f: {  	[tilespmem:v1+s7+$0x0] =	vst.idx.add.f32.msk $0xffff, v8  }
0x740: {  	v5 =	vld [tilespmem:s22+$0xFFFFFFC0]  }
0x741: {  	v6 =	vld [tilespmem:s22+$0x40]  }
0x742: {  	v11 =	vld [tilespmem:s18+$0x0]  }
0x743: {  	[tilespmem:v2+s7+$0x0] =	vst.idx.add.f32.msk $0xffff, v8  }
0x744: {  	[tilespmem:v3+s7+$0x0] =	vst.idx.add.f32.msk $0xffff, v10  }
0x745: {  	[tilespmem:v4+s7+$0x0] =	vst.idx.add.f32.msk $0xffff, v10  }
0x746: {  	v1 =	vld [tilespmem:s22+$0xFFFFFDB0]  }
0x747: {  	v2 =	vld [tilespmem:s22+$0xFFFFFE30]  }
0x748: {  	v8 =	vld [tilespmem:s18+$0xFFFFFEF0]  }
0x749: {  	v3 =	vld [tilespmem:s22+$0xFFFFFEB0]  }
0x74a: {  	v4 =	vld [tilespmem:s22+$0xFFFFFF30]  }
0x74b: {  	v10 =	vld [tilespmem:s18+$0xFFFFFF70]  }
0x74c: {  	[tilespmem:v7+s7+$0x0] =	vst.idx.add.f32.msk $0xffff, v12  }
0x74d: {  	[tilespmem:v9+s7+$0x0] =	vst.idx.add.f32.msk $0xffff, v12  }
0x74e: {  	[tilespmem:v5+s7+$0x0] =	vst.idx.add.f32.msk $0xffff, v11  }
0x74f: {  	v7 =	vld [tilespmem:s22+$0xD0]  }
0x750: {  	v9 =	vld [tilespmem:s22+$0x150]  }
0x751: {  	v12 =	vld [tilespmem:s18+$0x90]  }
0x752: {  	[tilespmem:v6+s7+$0x0] =	vst.idx.add.f32.msk $0xffff, v11  }
0x753: {  	[tilespmem:v1+s7+$0x0] =	vst.idx.add.f32.msk $0xffff, v8  }
0x754: {  	v5 =	vld [tilespmem:s22+$0xFFFFFFD0]  }
0x755: {  	v6 =	vld [tilespmem:s22+$0x50]  }
0x756: {  	v11 =	vld [tilespmem:s18+$0x10]  }
0x757: {  	[tilespmem:v2+s7+$0x0] =	vst.idx.add.f32.msk $0xffff, v8  }
0x758: {  	[tilespmem:v3+s7+$0x0] =	vst.idx.add.f32.msk $0xffff, v10  }
0x759: {  	[tilespmem:v4+s7+$0x0] =	vst.idx.add.f32.msk $0xffff, v10  }
0x75a: {  	v1 =	vld [tilespmem:s22+$0xFFFFFDC0]  }
0x75b: {  	v2 =	vld [tilespmem:s22+$0xFFFFFE40]  }
0x75c: {  	v8 =	vld [tilespmem:s18+$0xFFFFFF00]  }
0x75d: {  	v3 =	vld [tilespmem:s22+$0xFFFFFEC0]  }
0x75e: {  	v4 =	vld [tilespmem:s22+$0xFFFFFF40]  }
0x75f: {  	v10 =	vld [tilespmem:s18+$0xFFFFFF80]  }
0x760: {  	[tilespmem:v7+s7+$0x0] =	vst.idx.add.f32.msk $0xffff, v12  }
0x761: {  	[tilespmem:v9+s7+$0x0] =	vst.idx.add.f32.msk $0xffff, v12  }
0x762: {  	[tilespmem:v5+s7+$0x0] =	vst.idx.add.f32.msk $0xffff, v11  }
0x763: {  	v7 =	vld [tilespmem:s22+$0xE0]  }
0x764: {  	v9 =	vld [tilespmem:s22+$0x160]  }
0x765: {  	v12 =	vld [tilespmem:s18+$0xA0]  }
0x766: {  	[tilespmem:v6+s7+$0x0] =	vst.idx.add.f32.msk $0xffff, v11  }
0x767: {  	[tilespmem:v1+s7+$0x0] =	vst.idx.add.f32.msk $0xffff, v8  }
0x768: {  	v5 =	vld [tilespmem:s22+$0xFFFFFFE0]  }
0x769: {  	v6 =	vld [tilespmem:s22+$0x60]  }
0x76a: {  	v11 =	vld [tilespmem:s18+$0x20]  }
0x76b: {  	[tilespmem:v2+s7+$0x0] =	vst.idx.add.f32.msk $0xffff, v8  }
0x76c: {  	[tilespmem:v3+s7+$0x0] =	vst.idx.add.f32.msk $0xffff, v10  }
0x76d: {  	[tilespmem:v4+s7+$0x0] =	vst.idx.add.f32.msk $0xffff, v10  }
0x76e: {  	v1 =	vld [tilespmem:s22+$0xFFFFFDD0]  }
0x76f: {  	v2 =	vld [tilespmem:s22+$0xFFFFFE50]  }
0x770: {  	v8 =	vld [tilespmem:s18+$0xFFFFFF10]  }
0x771: {  	v3 =	vld [tilespmem:s22+$0xFFFFFED0]  }
0x772: {  	v4 =	vld [tilespmem:s22+$0xFFFFFF50]  }
0x773: {  	v10 =	vld [tilespmem:s18+$0xFFFFFF90]  }
0x774: {  	[tilespmem:v7+s7+$0x0] =	vst.idx.add.f32.msk $0xffff, v12  }
0x775: {  	[tilespmem:v9+s7+$0x0] =	vst.idx.add.f32.msk $0xffff, v12  }
0x776: {  	[tilespmem:v5+s7+$0x0] =	vst.idx.add.f32.msk $0xffff, v11  }
0x777: {  	[tilespmem:v6+s7+$0x0] =	vst.idx.add.f32.msk $0xffff, v11  }
0x778: {  	[tilespmem:v1+s7+$0x0] =	vst.idx.add.f32.msk $0xffff, v8  }
0x779: {  	[tilespmem:v2+s7+$0x0] =	vst.idx.add.f32.msk $0xffff, v8  }
0x77a: {  	[tilespmem:v3+s7+$0x0] =	vst.idx.add.f32.msk $0xffff, v10  }
0x77b: {  	[tilespmem:v4+s7+$0x0] =	vst.idx.add.f32.msk $0xffff, v10  }
0x77c: {  	v1 =	vld [tilespmem:s22+$0xFFFFFDE0]  }
0x77d: {  	v2 =	vld [tilespmem:s22+$0xFFFFFE60]  }
0x77e: {  	v8 =	vld [tilespmem:s18+$0xFFFFFF20]  }
0x77f: {  	v3 =	vld [tilespmem:s22+$0xFFFFFEE0]  }
0x780: {  	v6 =	vld [tilespmem:s22+$0xFFFFFFF0]  }
0x781: {  	v4 =	vld [tilespmem:s22+$0xFFFFFF60]  }
0x782: {  	v10 =	vld [tilespmem:s18+$0xFFFFFFA0]  }
0x783: {  	v5 =	vld [tilespmem:s18+$0x30]  }
0x784: {  	[tilespmem:v1+s7+$0x0] =	vst.idx.add.f32.msk $0xffff, v8  }
0x785: {  	v1 =	vld [tilespmem:s22+$0x170]  }
0x786: {  	[tilespmem:v2+s7+$0x0] =	vst.idx.add.f32.msk $0xffff, v8  }
0x787: {  	[tilespmem:v3+s7+$0x0] =	vst.idx.add.f32.msk $0xffff, v10  }
0x788: {  	v3 =	vld [tilespmem:s22+$0xF0]  }
0x789: {  	[tilespmem:v4+s7+$0x0] =	vst.idx.add.f32.msk $0xffff, v10  }
0x78a: {  	v2 =	vld [tilespmem:s22+$0xFFFFFDF0]  }
0x78b: {  	v11 =	vld [tilespmem:s22+$0xFFFFFE70]  }
0x78c: {  	v4 =	vld [tilespmem:s22+$0x70]  }
0x78d: {  	v63 =	vld [tilespmem:s18+$0xFFFFFF30]  }
0x78e: {  	v10 =	vld [tilespmem:s18+$0xB0]  }
0x78f: {  	v9 =	vld [tilespmem:s22+$0xFFFFFEF0]  }
0x790: {  	v7 =	vld [tilespmem:s22+$0xFFFFFF70]  }
0x791: {  	v8 =	vld [tilespmem:s18+$0xFFFFFFB0]  }
0x792: {  	[tilespmem:v2+s7+$0x0] =	vst.idx.add.f32.msk $0xffff, v63  }
0x793: {  	s11 =	simm.s32 $0x0;
	s12 =	simm.s32 $0x1CE00;
	[tilespmem:v11+s7+$0x0] =	vst.idx.add.f32.msk $0xffff, v63  }
.LBB2_14:
0x794: {  	v11 =	vld [tilespmem:s12+$0x180]  }
0x795: {  	v12 =	vld [tilespmem:s12+$0x200];
	v2 =	vmov v10  }
0x796: {  	s18 =	sadd.s32 $0x280, s18;
	v10 =	vld [tilespmem:s12+$0xFFFFFD80]  }
0x797: {  	v13 =	vld [tilespmem:s18+$0xC0]  }
0x798: {  	v14 =	vld [tilespmem:s12+$0xFFFFFE00]  }
0x799: {  	v15 =	vld [tilespmem:s12+$0xFFFFFE80]  }
0x79a: {  	v16 =	vld [tilespmem:s12+$0xFFFFFF00]  }
0x79b: {  	v17 =	vld [tilespmem:s12+$0xFFFFFF80]  }
0x79c: {  	s11 =	sadd.s32 $0x5, s11;
	[tilespmem:v11+s7+$0x0] =	vst.idx.add.f32.msk $0xffff, v13  }
0x79d: {  	p1 =	slt.u32 s11, $0x14;
	[tilespmem:v12+s7+$0x0] =	vst.idx.add.f32.msk $0xffff, v13  }
0x79e: {  	v11 =	vld [tilespmem:s12+$0x190]  }
0x79f: {  	v12 =	vld [tilespmem:s12+$0x210]  }
0x7a0: {  	v13 =	vld [tilespmem:s12+$0x0]  }
0x7a1: {  	v18 =	vld [tilespmem:s18+$0xD0]  }
0x7a2: {  	v19 =	vld [tilespmem:s12+$0x80]  }
0x7a3: {  	v20 =	vld [tilespmem:s12+$0x100]  }
0x7a4: {  	v21 =	vld [tilespmem:s18+$0xFFFFFF40]  }
0x7a5: {  	v22 =	vld [tilespmem:s18+$0xFFFFFFC0]  }
0x7a6: {  	[tilespmem:v11+s7+$0x0] =	vst.idx.add.f32.msk $0xffff, v18  }
0x7a7: {  	[tilespmem:v12+s7+$0x0] =	vst.idx.add.f32.msk $0xffff, v18  }
0x7a8: {  	v11 =	vld [tilespmem:s12+$0x1A0]  }
0x7a9: {  	v12 =	vld [tilespmem:s12+$0x220]  }
0x7aa: {  	v18 =	vld [tilespmem:s18+$0x40]  }
0x7ab: {  	v23 =	vld [tilespmem:s18+$0xE0]  }
0x7ac: {  	v24 =	vld [tilespmem:s18+$0xFFFFFEC0]  }
0x7ad: {  	[tilespmem:v15+s7+$0x0] =	vst.idx.add.f32.msk $0xffff, v21  }
0x7ae: {  	[tilespmem:v16+s7+$0x0] =	vst.idx.add.f32.msk $0xffff, v21  }
0x7af: {  	[tilespmem:v17+s7+$0x0] =	vst.idx.add.f32.msk $0xffff, v22  }
0x7b0: {  	[tilespmem:v11+s7+$0x0] =	vst.idx.add.f32.msk $0xffff, v23  }
0x7b1: {  	[tilespmem:v12+s7+$0x0] =	vst.idx.add.f32.msk $0xffff, v23  }
0x7b2: {  	v11 =	vld [tilespmem:s12+$0x1B0]  }
0x7b3: {  	v12 =	vld [tilespmem:s12+$0x230]  }
0x7b4: {  	[tilespmem:v10+s7+$0x0] =	vst.idx.add.f32.msk $0xffff, v24  }
0x7b5: {  	v10 =	vld [tilespmem:s18+$0xF0]  }
0x7b6: {  	[tilespmem:v14+s7+$0x0] =	vst.idx.add.f32.msk $0xffff, v24  }
0x7b7: {  	[tilespmem:v13+s7+$0x0] =	vst.idx.add.f32.msk $0xffff, v22  }
0x7b8: {  	[tilespmem:v19+s7+$0x0] =	vst.idx.add.f32.msk $0xffff, v18  }
0x7b9: {  	[tilespmem:v20+s7+$0x0] =	vst.idx.add.f32.msk $0xffff, v18  }
0x7ba: {  	[tilespmem:v11+s7+$0x0] =	vst.idx.add.f32.msk $0xffff, v10  }
0x7bb: {  	[tilespmem:v12+s7+$0x0] =	vst.idx.add.f32.msk $0xffff, v10  }
0x7bc: {  	v10 =	vld [tilespmem:s12+$0x1C0]  }
0x7bd: {  	v11 =	vld [tilespmem:s12+$0x240]  }
0x7be: {  	v12 =	vld [tilespmem:s12+$0xFFFFFD90]  }
0x7bf: {  	v13 =	vld [tilespmem:s18+$0x100]  }
0x7c0: {  	v14 =	vld [tilespmem:s12+$0xFFFFFE10]  }
0x7c1: {  	v15 =	vld [tilespmem:s12+$0xFFFFFE90]  }
0x7c2: {  	v16 =	vld [tilespmem:s12+$0xFFFFFF10]  }
0x7c3: {  	v17 =	vld [tilespmem:s12+$0xFFFFFF90]  }
0x7c4: {  	[tilespmem:v10+s7+$0x0] =	vst.idx.add.f32.msk $0xffff, v13  }
0x7c5: {  	[tilespmem:v11+s7+$0x0] =	vst.idx.add.f32.msk $0xffff, v13  }
0x7c6: {  	v10 =	vld [tilespmem:s12+$0x1D0]  }
0x7c7: {  	v11 =	vld [tilespmem:s12+$0x250]  }
0x7c8: {  	v13 =	vld [tilespmem:s12+$0x10]  }
0x7c9: {  	v18 =	vld [tilespmem:s18+$0x110]  }
0x7ca: {  	v19 =	vld [tilespmem:s12+$0x90]  }
0x7cb: {  	v20 =	vld [tilespmem:s12+$0x110]  }
0x7cc: {  	v21 =	vld [tilespmem:s18+$0xFFFFFED0]  }
0x7cd: {  	v22 =	vld [tilespmem:s18+$0xFFFFFF50]  }
0x7ce: {  	[tilespmem:v10+s7+$0x0] =	vst.idx.add.f32.msk $0xffff, v18  }
0x7cf: {  	[tilespmem:v11+s7+$0x0] =	vst.idx.add.f32.msk $0xffff, v18  }
0x7d0: {  	v10 =	vld [tilespmem:s12+$0x1E0]  }
0x7d1: {  	v11 =	vld [tilespmem:s12+$0x260]  }
0x7d2: {  	v18 =	vld [tilespmem:s18+$0xFFFFFFD0]  }
0x7d3: {  	v23 =	vld [tilespmem:s18+$0x120]  }
0x7d4: {  	v24 =	vld [tilespmem:s18+$0x50]  }
0x7d5: {  	[tilespmem:v12+s7+$0x0] =	vst.idx.add.f32.msk $0xffff, v21  }
0x7d6: {  	[tilespmem:v14+s7+$0x0] =	vst.idx.add.f32.msk $0xffff, v21  }
0x7d7: {  	[tilespmem:v15+s7+$0x0] =	vst.idx.add.f32.msk $0xffff, v22  }
0x7d8: {  	[tilespmem:v10+s7+$0x0] =	vst.idx.add.f32.msk $0xffff, v23  }
0x7d9: {  	[tilespmem:v11+s7+$0x0] =	vst.idx.add.f32.msk $0xffff, v23  }
0x7da: {  	v10 =	vld [tilespmem:s12+$0x1F0]  }
0x7db: {  	v11 =	vld [tilespmem:s12+$0x270]  }
0x7dc: {  	[tilespmem:v16+s7+$0x0] =	vst.idx.add.f32.msk $0xffff, v22  }
0x7dd: {  	v12 =	vld [tilespmem:s18+$0x130]  }
0x7de: {  	[tilespmem:v17+s7+$0x0] =	vst.idx.add.f32.msk $0xffff, v18  }
0x7df: {  	[tilespmem:v13+s7+$0x0] =	vst.idx.add.f32.msk $0xffff, v18  }
0x7e0: {  	[tilespmem:v19+s7+$0x0] =	vst.idx.add.f32.msk $0xffff, v24  }
0x7e1: {  	[tilespmem:v20+s7+$0x0] =	vst.idx.add.f32.msk $0xffff, v24  }
0x7e2: {  	[tilespmem:v10+s7+$0x0] =	vst.idx.add.f32.msk $0xffff, v12  }
0x7e3: {  	[tilespmem:v11+s7+$0x0] =	vst.idx.add.f32.msk $0xffff, v12  }
0x7e4: {  	v10 =	vld [tilespmem:s12+$0xFFFFFDA0]  }
0x7e5: {  	v11 =	vld [tilespmem:s12+$0xFFFFFE20]  }
0x7e6: {  	v12 =	vld [tilespmem:s12+$0xFFFFFEA0]  }
0x7e7: {  	v13 =	vld [tilespmem:s12+$0xFFFFFF20]  }
0x7e8: {  	v14 =	vld [tilespmem:s12+$0xFFFFFFA0]  }
0x7e9: {  	v15 =	vld [tilespmem:s12+$0x20]  }
0x7ea: {  	v16 =	vld [tilespmem:s12+$0xA0]  }
0x7eb: {  	v17 =	vld [tilespmem:s12+$0x120]  }
0x7ec: {  	v18 =	vld [tilespmem:s18+$0xFFFFFEE0]  }
0x7ed: {  	v19 =	vld [tilespmem:s18+$0xFFFFFF60]  }
0x7ee: {  	v20 =	vld [tilespmem:s18+$0xFFFFFFE0]  }
0x7ef: {  	v21 =	vld [tilespmem:s18+$0x60]  }
0x7f0: {  	[tilespmem:v9+s7+$0x0] =	vst.idx.add.f32.msk $0xffff, v8  }
0x7f1: {  	[tilespmem:v10+s7+$0x0] =	vst.idx.add.f32.msk $0xffff, v18  }
0x7f2: {  	[tilespmem:v11+s7+$0x0] =	vst.idx.add.f32.msk $0xffff, v18  }
0x7f3: {  	[tilespmem:v12+s7+$0x0] =	vst.idx.add.f32.msk $0xffff, v19  }
0x7f4: {  	[tilespmem:v13+s7+$0x0] =	vst.idx.add.f32.msk $0xffff, v19  }
0x7f5: {  	[tilespmem:v14+s7+$0x0] =	vst.idx.add.f32.msk $0xffff, v20  }
0x7f6: {  	[tilespmem:v15+s7+$0x0] =	vst.idx.add.f32.msk $0xffff, v20  }
0x7f7: {  	[tilespmem:v16+s7+$0x0] =	vst.idx.add.f32.msk $0xffff, v21  }
0x7f8: {  	[tilespmem:v17+s7+$0x0] =	vst.idx.add.f32.msk $0xffff, v21  }
0x7f9: {  	v9 =	vld [tilespmem:s12+$0xFFFFFDB0]  }
0x7fa: {  	v10 =	vld [tilespmem:s12+$0xFFFFFE30]  }
0x7fb: {  	v11 =	vld [tilespmem:s12+$0xFFFFFEB0]  }
0x7fc: {  	v12 =	vld [tilespmem:s12+$0xFFFFFF30]  }
0x7fd: {  	v13 =	vld [tilespmem:s12+$0xFFFFFFB0]  }
0x7fe: {  	v14 =	vld [tilespmem:s12+$0x30]  }
0x7ff: {  	v15 =	vld [tilespmem:s12+$0xB0]  }
0x800: {  	v16 =	vld [tilespmem:s12+$0x130]  }
0x801: {  	v17 =	vld [tilespmem:s18+$0xFFFFFEF0]  }
0x802: {  	v18 =	vld [tilespmem:s18+$0xFFFFFF70]  }
0x803: {  	v19 =	vld [tilespmem:s18+$0xFFFFFFF0]  }
0x804: {  	v20 =	vld [tilespmem:s18+$0x70]  }
0x805: {  	[tilespmem:v7+s7+$0x0] =	vst.idx.add.f32.msk $0xffff, v8  }
0x806: {  	[tilespmem:v9+s7+$0x0] =	vst.idx.add.f32.msk $0xffff, v17  }
0x807: {  	[tilespmem:v10+s7+$0x0] =	vst.idx.add.f32.msk $0xffff, v17  }
0x808: {  	[tilespmem:v11+s7+$0x0] =	vst.idx.add.f32.msk $0xffff, v18  }
0x809: {  	[tilespmem:v12+s7+$0x0] =	vst.idx.add.f32.msk $0xffff, v18  }
0x80a: {  	[tilespmem:v13+s7+$0x0] =	vst.idx.add.f32.msk $0xffff, v19  }
0x80b: {  	[tilespmem:v14+s7+$0x0] =	vst.idx.add.f32.msk $0xffff, v19  }
0x80c: {  	[tilespmem:v15+s7+$0x0] =	vst.idx.add.f32.msk $0xffff, v20  }
0x80d: {  	[tilespmem:v16+s7+$0x0] =	vst.idx.add.f32.msk $0xffff, v20  }
0x80e: {  	v7 =	vld [tilespmem:s12+$0xFFFFFDC0]  }
0x80f: {  	v8 =	vld [tilespmem:s12+$0xFFFFFE40]  }
0x810: {  	v9 =	vld [tilespmem:s12+$0xFFFFFEC0]  }
0x811: {  	v10 =	vld [tilespmem:s12+$0xFFFFFF40]  }
0x812: {  	v11 =	vld [tilespmem:s12+$0xFFFFFFC0]  }
0x813: {  	v12 =	vld [tilespmem:s12+$0x40]  }
0x814: {  	v13 =	vld [tilespmem:s12+$0xC0]  }
0x815: {  	v14 =	vld [tilespmem:s12+$0x140]  }
0x816: {  	v15 =	vld [tilespmem:s18+$0xFFFFFF00]  }
0x817: {  	v16 =	vld [tilespmem:s18+$0xFFFFFF80]  }
0x818: {  	v17 =	vld [tilespmem:s18+$0x0]  }
0x819: {  	v18 =	vld [tilespmem:s18+$0x80]  }
0x81a: {  	[tilespmem:v6+s7+$0x0] =	vst.idx.add.f32.msk $0xffff, v5  }
0x81b: {  	[tilespmem:v7+s7+$0x0] =	vst.idx.add.f32.msk $0xffff, v15  }
0x81c: {  	[tilespmem:v8+s7+$0x0] =	vst.idx.add.f32.msk $0xffff, v15  }
0x81d: {  	[tilespmem:v9+s7+$0x0] =	vst.idx.add.f32.msk $0xffff, v16  }
0x81e: {  	[tilespmem:v10+s7+$0x0] =	vst.idx.add.f32.msk $0xffff, v16  }
0x81f: {  	[tilespmem:v11+s7+$0x0] =	vst.idx.add.f32.msk $0xffff, v17  }
0x820: {  	[tilespmem:v12+s7+$0x0] =	vst.idx.add.f32.msk $0xffff, v17  }
0x821: {  	[tilespmem:v13+s7+$0x0] =	vst.idx.add.f32.msk $0xffff, v18  }
0x822: {  	[tilespmem:v14+s7+$0x0] =	vst.idx.add.f32.msk $0xffff, v18  }
0x823: {  	v6 =	vld [tilespmem:s12+$0xFFFFFDD0]  }
0x824: {  	v7 =	vld [tilespmem:s12+$0xFFFFFE50]  }
0x825: {  	v8 =	vld [tilespmem:s12+$0xFFFFFED0]  }
0x826: {  	v9 =	vld [tilespmem:s12+$0xFFFFFF50]  }
0x827: {  	v10 =	vld [tilespmem:s12+$0xFFFFFFD0]  }
0x828: {  	v11 =	vld [tilespmem:s12+$0x50]  }
0x829: {  	v12 =	vld [tilespmem:s12+$0xD0]  }
0x82a: {  	v13 =	vld [tilespmem:s12+$0x150]  }
0x82b: {  	v14 =	vld [tilespmem:s18+$0xFFFFFF10]  }
0x82c: {  	v15 =	vld [tilespmem:s18+$0xFFFFFF90]  }
0x82d: {  	v16 =	vld [tilespmem:s18+$0x10]  }
0x82e: {  	v17 =	vld [tilespmem:s18+$0x90]  }
0x82f: {  	[tilespmem:v4+s7+$0x0] =	vst.idx.add.f32.msk $0xffff, v5  }
0x830: {  	[tilespmem:v6+s7+$0x0] =	vst.idx.add.f32.msk $0xffff, v14  }
0x831: {  	[tilespmem:v7+s7+$0x0] =	vst.idx.add.f32.msk $0xffff, v14  }
0x832: {  	[tilespmem:v8+s7+$0x0] =	vst.idx.add.f32.msk $0xffff, v15  }
0x833: {  	[tilespmem:v9+s7+$0x0] =	vst.idx.add.f32.msk $0xffff, v15  }
0x834: {  	[tilespmem:v10+s7+$0x0] =	vst.idx.add.f32.msk $0xffff, v16  }
0x835: {  	[tilespmem:v11+s7+$0x0] =	vst.idx.add.f32.msk $0xffff, v16  }
0x836: {  	[tilespmem:v12+s7+$0x0] =	vst.idx.add.f32.msk $0xffff, v17  }
0x837: {  	[tilespmem:v13+s7+$0x0] =	vst.idx.add.f32.msk $0xffff, v17  }
0x838: {  	v4 =	vld [tilespmem:s12+$0xFFFFFDE0]  }
0x839: {  	v5 =	vld [tilespmem:s12+$0xFFFFFE60]  }
0x83a: {  	v6 =	vld [tilespmem:s12+$0xFFFFFEE0]  }
0x83b: {  	v7 =	vld [tilespmem:s12+$0xFFFFFF60]  }
0x83c: {  	v8 =	vld [tilespmem:s12+$0xFFFFFFE0]  }
0x83d: {  	v9 =	vld [tilespmem:s12+$0x60]  }
0x83e: {  	v10 =	vld [tilespmem:s12+$0xE0]  }
0x83f: {  	v11 =	vld [tilespmem:s12+$0x160]  }
0x840: {  	v12 =	vld [tilespmem:s18+$0xFFFFFF20]  }
0x841: {  	v13 =	vld [tilespmem:s18+$0xFFFFFFA0]  }
0x842: {  	v14 =	vld [tilespmem:s18+$0x20]  }
0x843: {  	v15 =	vld [tilespmem:s18+$0xA0]  }
0x844: {  	[tilespmem:v3+s7+$0x0] =	vst.idx.add.f32.msk $0xffff, v2  }
0x845: {  	[tilespmem:v4+s7+$0x0] =	vst.idx.add.f32.msk $0xffff, v12  }
0x846: {  	[tilespmem:v5+s7+$0x0] =	vst.idx.add.f32.msk $0xffff, v12  }
0x847: {  	[tilespmem:v6+s7+$0x0] =	vst.idx.add.f32.msk $0xffff, v13  }
0x848: {  	[tilespmem:v7+s7+$0x0] =	vst.idx.add.f32.msk $0xffff, v13  }
0x849: {  	[tilespmem:v8+s7+$0x0] =	vst.idx.add.f32.msk $0xffff, v14  }
0x84a: {  	[tilespmem:v9+s7+$0x0] =	vst.idx.add.f32.msk $0xffff, v14  }
0x84b: {  	[tilespmem:v10+s7+$0x0] =	vst.idx.add.f32.msk $0xffff, v15  }
0x84c: {  	[tilespmem:v11+s7+$0x0] =	vst.idx.add.f32.msk $0xffff, v15  }
0x84d: {  	v11 =	vld [tilespmem:s12+$0xFFFFFDF0]  }
0x84e: {  	v12 =	vld [tilespmem:s12+$0xFFFFFE70]  }
0x84f: {  	v9 =	vld [tilespmem:s12+$0xFFFFFEF0]  }
0x850: {  	v7 =	vld [tilespmem:s12+$0xFFFFFF70]  }
0x851: {  	v6 =	vld [tilespmem:s12+$0xFFFFFFF0]  }
0x852: {  	v4 =	vld [tilespmem:s12+$0x70]  }
0x853: {  	v3 =	vld [tilespmem:s12+$0xF0]  }
0x854: {  	v13 =	vld [tilespmem:s12+$0x170]  }
0x855: {  	v14 =	vld [tilespmem:s18+$0xFFFFFF30]  }
0x856: {  	v8 =	vld [tilespmem:s18+$0xFFFFFFB0]  }
.Ltmp6:
0x857: {  	v5 =	vld [tilespmem:s18+$0x30];
	(pc) =	sbr.rel @p1 .LBB2_14-.Ltmp6, $4  }
0x858: {  	v10 =	vld [tilespmem:s18+$0xB0]  }
0x859: {  	[tilespmem:v1+s7+$0x0] =	vst.idx.add.f32.msk $0xffff, v2;
	v1 =	vmov v13  }
0x85a: {  	[tilespmem:v11+s7+$0x0] =	vst.idx.add.f32.msk $0xffff, v14  }
0x85b: {  	s12 =	sadd.s32 $0x500, s12;
	[tilespmem:v12+s7+$0x0] =	vst.idx.add.f32.msk $0xffff, v14  }
0x85c: {  	_ =	sdelay $0x3  }
0x85d: {  	[tilespmem:v9+s7+$0x0] =	vst.idx.add.f32.msk $0xffff, v8  }
0x85e: {  	[tilespmem:v6+s7+$0x0] =	vst.idx.add.f32.msk $0xffff, v5  }
0x85f: {  	[tilespmem:v7+s7+$0x0] =	vst.idx.add.f32.msk $0xffff, v8  }
0x860: {  	[tilespmem:v4+s7+$0x0] =	vst.idx.add.f32.msk $0xffff, v5  }
0x861: {  	[tilespmem:v3+s7+$0x0] =	vst.idx.add.f32.msk $0xffff, v10  }
0x862: {  	s11 =	simm.s32 $0x4;
	[tilespmem:v1+s7+$0x0] =	vst.idx.add.f32.msk $0xffff, v10  }
0x863: {  	_ =	swait.ge [sflag:s11], $0xC80  }
0x864: {  	[sflag:s11] =	ssyncset.done $0x0  }
0x865: {  	[sflag:s11] =	ssyncadd.s32 $0xFFFFF380;
	s11 =	simm.s32 @p0 $0x5  }
0x866: {  	_ =	swait.ge @p0 [sflag:s11], $0xC80  }
0x867: {  	[sflag:s11] =	ssyncset.done @p0 $0x0  }
0x868: {  	[sflag:s11] =	ssyncadd.s32 @p0 $0xFFFFF380;
	s11 =	simm.s32 @!p0 $0x4  }
0x869: {  	_ =	swait.ge @!p0 [sflag:s11], $0x1900  }
0x86a: {  	[sflag:s11] =	ssyncset.done @!p0 $0x0  }
0x86b: {  	[sflag:s11] =	ssyncadd.s32 @!p0 $0xFFFFE700;
	s11 =	simm.s32 @!p0 $0x5  }
0x86c: {  	_ =	swait.ge @!p0 [sflag:s11], $0xC80  }
0x86d: {  	[sflag:s11] =	ssyncset.done @!p0 $0x0  }
0x86e: {  	[sflag:s11] =	ssyncadd.s32 @!p0 $0xFFFFF380  }
0x86f: {  	_ =	swait.ge @!p0 [sflag:s11], $0x1900  }
0x870: {  	[sflag:s11] =	ssyncset.done @!p0 $0x0  }
0x871: {  	s12 =	simm.s32 $0x7;
	s21 =	rddreg [dreg:$0xe];
	[sflag:s11] =	ssyncadd.s32 @!p0 $0xFFFFE700  }
0x872: {  	[hbm4b:s21+s7] =	stream.linear.scatter [tilespmem:s7], [sflag:$0x7], $0x18800, $0x38;
	[tilespmem:$0x1F880] =	vst v63  }
0x873: {  	_ =	swait.ge [sflag:s12], $0x18800  }
0x874: {  	s17 =	sadd.s32 $0x1, s17;
	s22 =	rddreg [dreg:$0xf]  }
0x875: {  	p1 =	sne.s32 s17, s22  }
.Ltmp7:
0x876: {  	_ = 	snop;
	(pc) =	sbr.rel @p1 .LBB2_1-.Ltmp7, $3  }
0x877: {  	_ =	sdelay $0x1  }
0x878: {  	[sflag:s12] =	ssyncset.done $0x0  }
0x879: {  	[sflag:s12] =	ssyncadd.s32 $0xFFFE7800  }
0x87a: {  	_ =	sfence.sel $0x180000  }
0x87b: {  	[bflag:$0x0] =	sbarrier.arrive $0xFFFF  }
0x87c: {  	_ =	strace $0x90000047  }
0x87d: {  	[bflag:$0x2] =	sbarrier.arrive $0xFFFF  }
0x87e: {  	s0 =	rddreg [dreg:$0x5]  }
0x87f: {  	s0 =	sadd.s32 @!p0 $0x100000, s0  }
0x880: {  	[sflag:s0] =	ssyncadd.tile.s32 @!p0 $0x1;
	_ =	shalt  }
.Lfunc_end2:
_tile_overlayer_lowered:
.L_overlay_start_2:
0x881: {  	(tag) =	ssettag $0x2  }
0x882: {  	s0 =	rddreg [dreg:$0x0];
	s2 =	stileid.u32  }
0x883: {  	s1 =	rddreg [dreg:$0x1];
	p0 =	sne.s32 s2, $0x0  }
0x884: {  	s3 =	rddreg [dreg:$0x2];
	[bflag:$0x3] =	sbarrier.arrive $0xFFFF;
	s2 =	simm.s32 @!p0 $0x1C07  }
0x885: {  	[timem:s3], [sflag:s2] =	dma.local @!p0 [hbm:s0], s1  }
0x886: {  	s0 =	simm.s32 @!p0 $0x7  }
0x887: {  	_ =	swait.ge @!p0 [sflag:s0], s1  }
0x888: {  	s1 =	ssub.s32 @!p0 $0x0, s1;
	[sflag:s0] =	ssyncset.done @!p0 $0x0  }
0x889: {  	[sflag:s0] =	ssyncadd.s32 @!p0 s1  }
0x88a: {  	[bflag:$0x3] =	sbarrier.arrive $0xFFFF  }
0x88b: {  	_ =	shalt  }

</sc_bundles>
